<compile_context>
chip_gen: v7x
topology: tpu7x:2x2x1
jax: 0.10.2.dev20260603
libtpu: 0.0.44.dev20260713+nightly
codegen_flags: <defaults>
</compile_context>

<pallas_src>
import functools

import jax
import jax.numpy as jnp
from jax import lax
from jax.experimental import pallas as pl
from jax.experimental.pallas import tpu as pltpu
from jax.experimental.pallas import tpu_sc as plsc

_L = 128
_PITCH = 129


@functools.lru_cache(maxsize=None)
def _build(V, D, S, T):
  info = plsc.get_sparse_core_info()
  NC, NS = info.num_cores, info.num_subcores
  NW = NC * NS
  NT = S // _L
  n_blocks = T * NT
  bpw = n_blocks // NW
  G = D // 8

  mesh = plsc.VectorSubcoreMesh(core_axis_name="c", subcore_axis_name="s")

  @functools.partial(
      pl.kernel,
      mesh=mesh,
      out_type=jax.ShapeDtypeStruct((T, G, NT, 8, _L), jnp.float32),
      scratch_types=[
          pltpu.VMEM((bpw, _L), jnp.int32),
          pltpu.VMEM((2, _L, D), jnp.float32),
          pltpu.VMEM((2, D, _PITCH), jnp.float32),
          pltpu.SemaphoreType.DMA((2,)),
          pltpu.SemaphoreType.DMA((2,)),
      ],
      compiler_params=pltpu.CompilerParams(use_tc_tiling_on_sc=False,
                                           needs_layout_passes=False),
  )
  def gather_kernel(table_hbm, idx_hbm, out_hbm, idx_v, emb_v, outt_v,
                    gsems, ssems):
    wid = lax.axis_index("s") * NC + lax.axis_index("c")
    n0 = wid * bpw
    pltpu.sync_copy(idx_hbm.at[pl.ds(n0, bpw), :], idx_v)

    iota = lax.iota(jnp.int32, 16)
    rowvs = [iota + d0 for d0 in range(0, D, 16)]

    def gather(j, b, make):
      return make(table_hbm.at[idx_v.at[j]], emb_v.at[b], gsems.at[b])

    def stores(j, b, make):
      t = (n0 + j) // NT
      c = (n0 + j) % NT
      return [
          make(outt_v.at[b, pl.ds(8 * g, 8), pl.ds(0, _L)],
               out_hbm.at[t, g, c], ssems.at[b])
          for g in range(G)
      ]

    def transpose(b):
      @plsc.parallel_loop(0, _L, unroll=4)
      def _t(l):
        colv = jnp.full((16,), 0, jnp.int32) + l
        for k, d0 in enumerate(range(0, D, 16)):
          v = emb_v[b, l, pl.ds(d0, 16)]
          plsc.store_scatter(outt_v.at[b], [rowvs[k], colv], v)

    gather(0, 0, pltpu.async_copy)
    gather(1, 1, pltpu.async_copy)

    @pl.loop(0, bpw, step=2)
    def _steady(jj):
      for b in range(2):
        j = jj + b
        gather(j, b, pltpu.make_async_copy).wait()

        @pl.when(jj >= 2)
        def _drain():
          for cp in stores(j - 2, b, pltpu.make_async_copy):
            cp.wait()

        transpose(b)
        stores(j, b, pltpu.async_copy)

        @pl.when(jj + 2 + b < bpw)
        def _prefetch():
          gather(j + 2, b, pltpu.async_copy)

    for b in range(2):
      for cp in stores(bpw - 2 + b, b, pltpu.make_async_copy):
        cp.wait()

  return gather_kernel


def kernel(token_ids, weight):
  S, T = token_ids.shape
  V, D = weight.shape
  idxf = token_ids.T.reshape(T * (S // _L), _L)
  out5 = _build(V, D, S, T)(weight, idxf)
  return out5.transpose(2, 4, 0, 1, 3).reshape(S, T, D)

# --- scband reference (transcript-rebuilt; emitter-appended) ---
"""Pipeline reference for scband-embedding-38414187495763 (READ-ONLY COPY).

The authoritative reference and input builder live on the scoring server;
editing this copy changes nothing except your own understanding.
"""

import jax, jax.numpy as jnp
import numpy as np

VOCAB = 1000000
D_MODEL = 64

def setup_inputs(seed: int = 0) -> dict:
    key = jax.random.key(seed)
    k_idx, k_w = jax.random.split(key)
    token_ids = jax.random.randint(k_idx, (16384, 50), 0, VOCAB, dtype=jnp.int64 if jax.config.jax_enable_x64 else jnp.int32)
    # trunc_normal_(mean=0, std=1, a=-3, b=3)
    weight = jax.random.truncated_normal(k_w, -3.0, 3.0, (VOCAB, D_MODEL), dtype=jnp.float32)
    return {"token_ids": token_ids, "weight": weight}

def reference(token_ids, weight):
    # Embedding lookup: weight[token_ids]
    return jnp.take(weight, token_ids, axis=0)

if __name__ == "__main__":
    import jax
    _d = setup_inputs()
    print(jax.jit(kernel)(*tuple(_d.values())))

</pallas_src>

<mosaic_0001>
#map = affine_map<(d0, d1) -> (0, 0)>
#map1 = affine_map<(d0, d1) -> (0, 0, 0, 0, 0)>
module attributes {stable_mosaic.version = 14 : i64} {
  func.func @gather_kernel(%arg0: i32, %arg1: i32, %arg2: memref<1000000x64xf32, #tpu.memory_space<hbm>>, %arg3: memref<6400x128xi32, #tpu.memory_space<hbm>>, %arg4: memref<50x8x128x8x128xf32, #tpu.memory_space<hbm>>, %arg5: memref<200x128xi32, #tpu.memory_space<vmem>>, %arg6: memref<2x128x64xf32, #tpu.memory_space<vmem>>, %arg7: memref<2x64x129xf32, #tpu.memory_space<vmem>>, %arg8: memref<2x!tpu.dma_semaphore, #tpu.memory_space<semaphore_mem>>, %arg9: memref<2x!tpu.dma_semaphore, #tpu.memory_space<semaphore_mem>>) attributes {dimension_semantics = [#tpu.dimension_semantics<core_parallel>, #tpu.dimension_semantics<subcore_parallel>], iteration_bounds = array<i64: 2, 16>, scalar_prefetch = 0 : i64, scratch_operands = 5 : i64, tpu.core_type = #tpu.core_type<sc_vector_subcore>, window_params = [{transform_indices = #map}, {transform_indices = #map}, {transform_indices = #map1}]} {
    %mul3A = arith.constant 2 : i32
    %mul3A_0 = arith.muli %arg1, %mul3A : i32
    %add3A = arith.addi %mul3A_0, %arg0 : i32
    %mul3A_1 = arith.constant 200 : i32
    %mul3A_2 = arith.muli %add3A, %mul3A_1 : i32
    "tpu.region"() ({
      %run_scoped3A = tpu.sem_alloc : memref<!tpu.dma_semaphore, #tpu.memory_space<semaphore_mem>>
      %dma_start3A_461 = arith.constant 0 : i32
      %dma_start3A_462 = tpu.memref_slice %arg3[%mul3A_2, %dma_start3A_461] : memref<6400x128xi32, #tpu.memory_space<hbm>> -> memref<200x128xi32, #tpu.memory_space<hbm>>
      %dma_start3A_463 = arith.constant 0 : i32
      %dma_start3A_464 = tpu.memref_slice %arg3[%mul3A_2, %dma_start3A_463] : memref<6400x128xi32, #tpu.memory_space<hbm>> -> memref<200x128xi32, #tpu.memory_space<hbm>>
      tpu.enqueue_dma source(%dma_start3A_464 : memref<200x128xi32, #tpu.memory_space<hbm>>) target(%arg5 : memref<200x128xi32, #tpu.memory_space<vmem>>) target_semaphore(%run_scoped3A : memref<!tpu.dma_semaphore, #tpu.memory_space<semaphore_mem>>)
      %dma_wait3A_465 = arith.constant 0 : i32
      %dma_wait3A_466 = tpu.memref_slice %arg3[%mul3A_2, %dma_wait3A_465] : memref<6400x128xi32, #tpu.memory_space<hbm>> -> memref<200x128xi32, #tpu.memory_space<hbm>>
      %dma_wait3A_467 = arith.constant 0 : i32
      %dma_wait3A_468 = tpu.memref_slice %arg3[%mul3A_2, %dma_wait3A_467] : memref<6400x128xi32, #tpu.memory_space<hbm>> -> memref<200x128xi32, #tpu.memory_space<hbm>>
      tpu.wait_dma2 semaphore(%run_scoped3A : memref<!tpu.dma_semaphore, #tpu.memory_space<semaphore_mem>>) src(%dma_wait3A_468 : memref<200x128xi32, #tpu.memory_space<hbm>>) dst(%arg5 : memref<200x128xi32, #tpu.memory_space<vmem>>)
      tpu.yield
    }) : () -> ()
    %iota3A = tpu.iota {dimensions = array<i32: 0>} : vector<16xi32>
    %add3A_3 = arith.constant 0 : i32
    %add3A_4 = vector.broadcast %add3A_3 : i32 to vector<16xi32>
    %add3A_5 = arith.addi %iota3A, %add3A_4 : vector<16xi32>
    %add3A_6 = arith.constant 16 : i32
    %add3A_7 = vector.broadcast %add3A_6 : i32 to vector<16xi32>
    %add3A_8 = arith.addi %iota3A, %add3A_7 : vector<16xi32>
    %add3A_9 = arith.constant 32 : i32
    %add3A_10 = vector.broadcast %add3A_9 : i32 to vector<16xi32>
    %add3A_11 = arith.addi %iota3A, %add3A_10 : vector<16xi32>
    %add3A_12 = arith.constant 48 : i32
    %add3A_13 = vector.broadcast %add3A_12 : i32 to vector<16xi32>
    %add3A_14 = arith.addi %iota3A, %add3A_13 : vector<16xi32>
    %dma_start3A = arith.constant 0 : i32
    %dma_start3A_15 = arith.constant 0 : i32
    %dma_start3A_16 = arith.constant 0 : i32
    %dma_start3A_17 = arith.constant 0 : i32
    %dma_start3A_18 = arith.constant 0 : i32
    %dma_start3A_19 = tpu.memref_slice %arg6[%dma_start3A_15, %dma_start3A_17, %dma_start3A_18] : memref<2x128x64xf32, #tpu.memory_space<vmem>> -> memref<1x128x64xf32, #tpu.memory_space<vmem>>
    %dma_start3A_20 = tpu.memref_squeeze %dma_start3A_19 : memref<1x128x64xf32, #tpu.memory_space<vmem>> -> memref<128x64xf32, #tpu.memory_space<vmem>>
    %dma_start3A_21 = arith.constant 0 : i32
    %dma_start3A_22 = tpu.memref_slice %arg5[%dma_start3A, %dma_start3A_21] : memref<200x128xi32, #tpu.memory_space<vmem>> -> memref<1x128xi32, #tpu.memory_space<vmem>>
    %dma_start3A_23 = tpu.memref_squeeze %dma_start3A_22 : memref<1x128xi32, #tpu.memory_space<vmem>> -> memref<128xi32, #tpu.memory_space<vmem>>
    %dma_start3A_24 = arith.constant 0 : i32
    %dma_start3A_25 = arith.constant 0 : i32
    %dma_start3A_26 = tpu.memref_slice %arg2[%dma_start3A_24, %dma_start3A_25] : memref<1000000x64xf32, #tpu.memory_space<hbm>> -> memref<1000000x64xf32, #tpu.memory_space<hbm>>
    %dma_start3A_27 = tpu.memref_slice %arg8[%dma_start3A_16] : memref<2x!tpu.dma_semaphore, #tpu.memory_space<semaphore_mem>> -> memref<1x!tpu.dma_semaphore, #tpu.memory_space<semaphore_mem>>
    %dma_start3A_28 = tpu.memref_squeeze %dma_start3A_27 : memref<1x!tpu.dma_semaphore, #tpu.memory_space<semaphore_mem>> -> memref<!tpu.dma_semaphore, #tpu.memory_space<semaphore_mem>>
    tpu.enqueue_indirect_dma source(%dma_start3A_26 : memref<1000000x64xf32, #tpu.memory_space<hbm>>) target(%dma_start3A_20 : memref<128x64xf32, #tpu.memory_space<vmem>>) offsets(%dma_start3A_23 : memref<128xi32, #tpu.memory_space<vmem>>) semaphore(%dma_start3A_28 : memref<!tpu.dma_semaphore, #tpu.memory_space<semaphore_mem>>)
    %dma_start3A_29 = arith.constant 1 : i32
    %dma_start3A_30 = arith.constant 1 : i32
    %dma_start3A_31 = arith.constant 1 : i32
    %dma_start3A_32 = arith.constant 0 : i32
    %dma_start3A_33 = arith.constant 0 : i32
    %dma_start3A_34 = tpu.memref_slice %arg6[%dma_start3A_30, %dma_start3A_32, %dma_start3A_33] : memref<2x128x64xf32, #tpu.memory_space<vmem>> -> memref<1x128x64xf32, #tpu.memory_space<vmem>>
    %dma_start3A_35 = tpu.memref_squeeze %dma_start3A_34 : memref<1x128x64xf32, #tpu.memory_space<vmem>> -> memref<128x64xf32, #tpu.memory_space<vmem>>
    %dma_start3A_36 = arith.constant 0 : i32
    %dma_start3A_37 = tpu.memref_slice %arg5[%dma_start3A_29, %dma_start3A_36] : memref<200x128xi32, #tpu.memory_space<vmem>> -> memref<1x128xi32, #tpu.memory_space<vmem>>
    %dma_start3A_38 = tpu.memref_squeeze %dma_start3A_37 : memref<1x128xi32, #tpu.memory_space<vmem>> -> memref<128xi32, #tpu.memory_space<vmem>>
    %dma_start3A_39 = arith.constant 0 : i32
    %dma_start3A_40 = arith.constant 0 : i32
    %dma_start3A_41 = tpu.memref_slice %arg2[%dma_start3A_39, %dma_start3A_40] : memref<1000000x64xf32, #tpu.memory_space<hbm>> -> memref<1000000x64xf32, #tpu.memory_space<hbm>>
    %dma_start3A_42 = tpu.memref_slice %arg8[%dma_start3A_31] : memref<2x!tpu.dma_semaphore, #tpu.memory_space<semaphore_mem>> -> memref<1x!tpu.dma_semaphore, #tpu.memory_space<semaphore_mem>>
    %dma_start3A_43 = tpu.memref_squeeze %dma_start3A_42 : memref<1x!tpu.dma_semaphore, #tpu.memory_space<semaphore_mem>> -> memref<!tpu.dma_semaphore, #tpu.memory_space<semaphore_mem>>
    tpu.enqueue_indirect_dma source(%dma_start3A_41 : memref<1000000x64xf32, #tpu.memory_space<hbm>>) target(%dma_start3A_35 : memref<128x64xf32, #tpu.memory_space<vmem>>) offsets(%dma_start3A_38 : memref<128xi32, #tpu.memory_space<vmem>>) semaphore(%dma_start3A_43 : memref<!tpu.dma_semaphore, #tpu.memory_space<semaphore_mem>>)
    %scan3A = arith.constant 0 : i32
    %scan3A_44 = arith.constant 100 : i32
    %scan3A_45 = arith.addi %scan3A, %scan3A_44 : i32
    %scan3A_46 = arith.constant 1 : i32
    scf.for %scan3A_461 = %scan3A to %scan3A_45 step %scan3A_46  : i32 {
      %mul3A_462 = arith.constant 2 : i32
      %mul3A_463 = arith.muli %scan3A_461, %mul3A_462 : i32
      %add3A_464 = arith.constant 0 : i32
      %add3A_465 = arith.addi %add3A_464, %mul3A_463 : i32
      %add3A_466 = arith.constant 0 : i32
      %add3A_467 = arith.addi %add3A_465, %add3A_466 : i32
      %dma_wait3A_468 = arith.constant 0 : i32
      %dma_wait3A_469 = arith.constant 0 : i32
      %dma_wait3A_470 = arith.constant 0 : i32
      %dma_wait3A_471 = arith.constant 0 : i32
      %dma_wait3A_472 = tpu.memref_slice %arg6[%dma_wait3A_468, %dma_wait3A_470, %dma_wait3A_471] : memref<2x128x64xf32, #tpu.memory_space<vmem>> -> memref<1x128x64xf32, #tpu.memory_space<vmem>>
      %dma_wait3A_473 = tpu.memref_squeeze %dma_wait3A_472 : memref<1x128x64xf32, #tpu.memory_space<vmem>> -> memref<128x64xf32, #tpu.memory_space<vmem>>
      %dma_wait3A_474 = arith.constant 0 : i32
      %dma_wait3A_475 = tpu.memref_slice %arg5[%add3A_467, %dma_wait3A_474] : memref<200x128xi32, #tpu.memory_space<vmem>> -> memref<1x128xi32, #tpu.memory_space<vmem>>
      %dma_wait3A_476 = tpu.memref_squeeze %dma_wait3A_475 : memref<1x128xi32, #tpu.memory_space<vmem>> -> memref<128xi32, #tpu.memory_space<vmem>>
      %dma_wait3A_477 = arith.constant 0 : i32
      %dma_wait3A_478 = arith.constant 0 : i32
      %dma_wait3A_479 = tpu.memref_slice %arg2[%dma_wait3A_477, %dma_wait3A_478] : memref<1000000x64xf32, #tpu.memory_space<hbm>> -> memref<1000000x64xf32, #tpu.memory_space<hbm>>
      %dma_wait3A_480 = tpu.memref_slice %arg8[%dma_wait3A_469] : memref<2x!tpu.dma_semaphore, #tpu.memory_space<semaphore_mem>> -> memref<1x!tpu.dma_semaphore, #tpu.memory_space<semaphore_mem>>
      %dma_wait3A_481 = tpu.memref_squeeze %dma_wait3A_480 : memref<1x!tpu.dma_semaphore, #tpu.memory_space<semaphore_mem>> -> memref<!tpu.dma_semaphore, #tpu.memory_space<semaphore_mem>>
      tpu.wait_indirect_dma semaphore(%dma_wait3A_481 : memref<!tpu.dma_semaphore, #tpu.memory_space<semaphore_mem>>) src(%dma_wait3A_479 : memref<1000000x64xf32, #tpu.memory_space<hbm>>) dst(%dma_wait3A_473 : memref<128x64xf32, #tpu.memory_space<vmem>>)
      %ge3A = arith.constant 2 : i32
      %ge3A_482 = arith.cmpi sge, %add3A_465, %ge3A : i32
      %convert_element_type3A = arith.extui %ge3A_482 : i1 to i32
      %cond3A = arith.constant 0 : i32
      %cond3A_483 = arith.cmpi ne, %convert_element_type3A, %cond3A : i32
      scf.if %cond3A_483 {
        %sub3A_948 = arith.constant 2 : i32
        %sub3A_949 = arith.subi %add3A_467, %sub3A_948 : i32
        %add3A_950 = arith.addi %mul3A_2, %sub3A_949 : i32
        %jit3A_951 = arith.constant 128 : i32
        %div3A_952 = arith.divsi %add3A_950, %jit3A_951 : i32
        %sign3A_953 = arith.constant 0 : i32
        %sign3A_954 = arith.cmpi sgt, %add3A_950, %sign3A_953 : i32
        %sign3A_955 = arith.extui %sign3A_954 : i1 to i32
        %sign3A_956 = arith.constant 0 : i32
        %sign3A_957 = arith.cmpi slt, %add3A_950, %sign3A_956 : i32
        %sign3A_958 = arith.extui %sign3A_957 : i1 to i32
        %sign3A_959 = arith.subi %sign3A_955, %sign3A_958 : i32
        %sign3A_960 = arith.constant 0 : i32
        %sign3A_961 = arith.cmpi sgt, %jit3A_951, %sign3A_960 : i32
        %sign3A_962 = arith.extui %sign3A_961 : i1 to i32
        %sign3A_963 = arith.constant 0 : i32
        %sign3A_964 = arith.cmpi slt, %jit3A_951, %sign3A_963 : i32
        %sign3A_965 = arith.extui %sign3A_964 : i1 to i32
        %sign3A_966 = arith.subi %sign3A_962, %sign3A_965 : i32
        %ne3A_967 = arith.cmpi ne, %sign3A_959, %sign3A_966 : i32
        %rem3A_968 = arith.remsi %add3A_950, %jit3A_951 : i32
        %ne3A_969 = arith.constant 0 : i32
        %ne3A_970 = arith.cmpi ne, %rem3A_968, %ne3A_969 : i32
        %and3A_971 = arith.andi %ne3A_967, %ne3A_970 : i1
        %sub3A_972 = arith.constant 1 : i32
        %sub3A_973 = arith.subi %div3A_952, %sub3A_972 : i32
        %select_n3A_974 = arith.select %and3A_971, %sub3A_973, %div3A_952 : i32
        %add3A_975 = arith.addi %mul3A_2, %sub3A_949 : i32
        %jit3A_976 = arith.constant 128 : i32
        %eq3A_977 = arith.constant 0 : i32
        %eq3A_978 = arith.cmpi eq, %jit3A_976, %eq3A_977 : i32
        %jit3A_979 = arith.constant 1 : i32
        %select_n3A_980 = arith.select %eq3A_978, %jit3A_979, %jit3A_976 : i32
        %rem3A_981 = arith.remsi %add3A_975, %select_n3A_980 : i32
        %ne3A_982 = arith.constant 0 : i32
        %ne3A_983 = arith.cmpi ne, %rem3A_981, %ne3A_982 : i32
        %lt3A_984 = arith.constant 0 : i32
        %lt3A_985 = arith.cmpi slt, %rem3A_981, %lt3A_984 : i32
        %lt3A_986 = arith.constant 0 : i32
        %lt3A_987 = arith.cmpi slt, %select_n3A_980, %lt3A_986 : i32
        %ne3A_988 = arith.xori %lt3A_985, %lt3A_987 : i1
        %and3A_989 = arith.andi %ne3A_988, %ne3A_983 : i1
        %add3A_990 = arith.addi %rem3A_981, %select_n3A_980 : i32
        %select_n3A_991 = arith.select %and3A_989, %add3A_990, %rem3A_981 : i32
        %dma_wait3A_992 = arith.constant 0 : i32
        %dma_wait3A_993 = arith.constant 0 : i32
        %dma_wait3A_994 = arith.constant 0 : i32
        %dma_wait3A_995 = arith.constant 0 : i32
        %dma_wait3A_996 = arith.constant 0 : i32
        %dma_wait3A_997 = tpu.memref_slice %arg7[%dma_wait3A_992, %dma_wait3A_995, %dma_wait3A_996] : memref<2x64x129xf32, #tpu.memory_space<vmem>> -> memref<1x8x128xf32, #tpu.memory_space<vmem>>
        %dma_wait3A_998 = tpu.memref_squeeze %dma_wait3A_997 : memref<1x8x128xf32, #tpu.memory_space<vmem>> -> memref<8x128xf32, #tpu.memory_space<vmem>>
        %dma_wait3A_999 = arith.constant 0 : i32
        %dma_wait3A_1000 = arith.constant 0 : i32
        %dma_wait3A_1001 = tpu.memref_slice %arg4[%select_n3A_974, %dma_wait3A_993, %select_n3A_991, %dma_wait3A_999, %dma_wait3A_1000] : memref<50x8x128x8x128xf32, #tpu.memory_space<hbm>> -> memref<1x1x1x8x128xf32, #tpu.memory_space<hbm>>
        %dma_wait3A_1002 = tpu.memref_squeeze %dma_wait3A_1001 : memref<1x1x1x8x128xf32, #tpu.memory_space<hbm>> -> memref<8x128xf32, #tpu.memory_space<hbm>>
        %dma_wait3A_1003 = tpu.memref_slice %arg9[%dma_wait3A_994] : memref<2x!tpu.dma_semaphore, #tpu.memory_space<semaphore_mem>> -> memref<1x!tpu.dma_semaphore, #tpu.memory_space<semaphore_mem>>
        %dma_wait3A_1004 = tpu.memref_squeeze %dma_wait3A_1003 : memref<1x!tpu.dma_semaphore, #tpu.memory_space<semaphore_mem>> -> memref<!tpu.dma_semaphore, #tpu.memory_space<semaphore_mem>>
        %dma_wait3A_1005 = arith.constant 0 : i32
        %dma_wait3A_1006 = arith.constant 0 : i32
        %dma_wait3A_1007 = tpu.memref_slice %arg4[%select_n3A_974, %dma_wait3A_993, %select_n3A_991, %dma_wait3A_1005, %dma_wait3A_1006] : memref<50x8x128x8x128xf32, #tpu.memory_space<hbm>> -> memref<1x1x1x8x128xf32, #tpu.memory_space<hbm>>
        %dma_wait3A_1008 = tpu.memref_squeeze %dma_wait3A_1007 : memref<1x1x1x8x128xf32, #tpu.memory_space<hbm>> -> memref<8x128xf32, #tpu.memory_space<hbm>>
        %dma_wait3A_1009 = arith.constant 0 : i32
        %dma_wait3A_1010 = arith.constant 0 : i32
        %dma_wait3A_1011 = tpu.memref_slice %arg7[%dma_wait3A_992, %dma_wait3A_1009, %dma_wait3A_1010] : memref<2x64x129xf32, #tpu.memory_space<vmem>> -> memref<1x8x128xf32, #tpu.memory_space<vmem>>
        %dma_wait3A_1012 = tpu.memref_squeeze %dma_wait3A_1011 : memref<1x8x128xf32, #tpu.memory_space<vmem>> -> memref<8x128xf32, #tpu.memory_space<vmem>>
        tpu.wait_dma2 semaphore(%dma_wait3A_1004 : memref<!tpu.dma_semaphore, #tpu.memory_space<semaphore_mem>>) src(%dma_wait3A_1012 : memref<8x128xf32, #tpu.memory_space<vmem>>) dst(%dma_wait3A_1008 : memref<8x128xf32, #tpu.memory_space<hbm>>)
        %dma_wait3A_1013 = arith.constant 0 : i32
        %dma_wait3A_1014 = arith.constant 1 : i32
        %dma_wait3A_1015 = arith.constant 0 : i32
        %dma_wait3A_1016 = arith.constant 8 : i32
        %dma_wait3A_1017 = arith.constant 0 : i32
        %dma_wait3A_1018 = tpu.memref_slice %arg7[%dma_wait3A_1013, %dma_wait3A_1016, %dma_wait3A_1017] : memref<2x64x129xf32, #tpu.memory_space<vmem>> -> memref<1x8x128xf32, #tpu.memory_space<vmem>>
        %dma_wait3A_1019 = tpu.memref_squeeze %dma_wait3A_1018 : memref<1x8x128xf32, #tpu.memory_space<vmem>> -> memref<8x128xf32, #tpu.memory_space<vmem>>
        %dma_wait3A_1020 = arith.constant 0 : i32
        %dma_wait3A_1021 = arith.constant 0 : i32
        %dma_wait3A_1022 = tpu.memref_slice %arg4[%select_n3A_974, %dma_wait3A_1014, %select_n3A_991, %dma_wait3A_1020, %dma_wait3A_1021] : memref<50x8x128x8x128xf32, #tpu.memory_space<hbm>> -> memref<1x1x1x8x128xf32, #tpu.memory_space<hbm>>
        %dma_wait3A_1023 = tpu.memref_squeeze %dma_wait3A_1022 : memref<1x1x1x8x128xf32, #tpu.memory_space<hbm>> -> memref<8x128xf32, #tpu.memory_space<hbm>>
        %dma_wait3A_1024 = tpu.memref_slice %arg9[%dma_wait3A_1015] : memref<2x!tpu.dma_semaphore, #tpu.memory_space<semaphore_mem>> -> memref<1x!tpu.dma_semaphore, #tpu.memory_space<semaphore_mem>>
        %dma_wait3A_1025 = tpu.memref_squeeze %dma_wait3A_1024 : memref<1x!tpu.dma_semaphore, #tpu.memory_space<semaphore_mem>> -> memref<!tpu.dma_semaphore, #tpu.memory_space<semaphore_mem>>
        %dma_wait3A_1026 = arith.constant 0 : i32
        %dma_wait3A_1027 = arith.constant 0 : i32
        %dma_wait3A_1028 = tpu.memref_slice %arg4[%select_n3A_974, %dma_wait3A_1014, %select_n3A_991, %dma_wait3A_1026, %dma_wait3A_1027] : memref<50x8x128x8x128xf32, #tpu.memory_space<hbm>> -> memref<1x1x1x8x128xf32, #tpu.memory_space<hbm>>
        %dma_wait3A_1029 = tpu.memref_squeeze %dma_wait3A_1028 : memref<1x1x1x8x128xf32, #tpu.memory_space<hbm>> -> memref<8x128xf32, #tpu.memory_space<hbm>>
        %dma_wait3A_1030 = arith.constant 8 : i32
        %dma_wait3A_1031 = arith.constant 0 : i32
        %dma_wait3A_1032 = tpu.memref_slice %arg7[%dma_wait3A_1013, %dma_wait3A_1030, %dma_wait3A_1031] : memref<2x64x129xf32, #tpu.memory_space<vmem>> -> memref<1x8x128xf32, #tpu.memory_space<vmem>>
        %dma_wait3A_1033 = tpu.memref_squeeze %dma_wait3A_1032 : memref<1x8x128xf32, #tpu.memory_space<vmem>> -> memref<8x128xf32, #tpu.memory_space<vmem>>
        tpu.wait_dma2 semaphore(%dma_wait3A_1025 : memref<!tpu.dma_semaphore, #tpu.memory_space<semaphore_mem>>) src(%dma_wait3A_1033 : memref<8x128xf32, #tpu.memory_space<vmem>>) dst(%dma_wait3A_1029 : memref<8x128xf32, #tpu.memory_space<hbm>>)
        %dma_wait3A_1034 = arith.constant 0 : i32
        %dma_wait3A_1035 = arith.constant 2 : i32
        %dma_wait3A_1036 = arith.constant 0 : i32
        %dma_wait3A_1037 = arith.constant 16 : i32
        %dma_wait3A_1038 = arith.constant 0 : i32
        %dma_wait3A_1039 = tpu.memref_slice %arg7[%dma_wait3A_1034, %dma_wait3A_1037, %dma_wait3A_1038] : memref<2x64x129xf32, #tpu.memory_space<vmem>> -> memref<1x8x128xf32, #tpu.memory_space<vmem>>
        %dma_wait3A_1040 = tpu.memref_squeeze %dma_wait3A_1039 : memref<1x8x128xf32, #tpu.memory_space<vmem>> -> memref<8x128xf32, #tpu.memory_space<vmem>>
        %dma_wait3A_1041 = arith.constant 0 : i32
        %dma_wait3A_1042 = arith.constant 0 : i32
        %dma_wait3A_1043 = tpu.memref_slice %arg4[%select_n3A_974, %dma_wait3A_1035, %select_n3A_991, %dma_wait3A_1041, %dma_wait3A_1042] : memref<50x8x128x8x128xf32, #tpu.memory_space<hbm>> -> memref<1x1x1x8x128xf32, #tpu.memory_space<hbm>>
        %dma_wait3A_1044 = tpu.memref_squeeze %dma_wait3A_1043 : memref<1x1x1x8x128xf32, #tpu.memory_space<hbm>> -> memref<8x128xf32, #tpu.memory_space<hbm>>
        %dma_wait3A_1045 = tpu.memref_slice %arg9[%dma_wait3A_1036] : memref<2x!tpu.dma_semaphore, #tpu.memory_space<semaphore_mem>> -> memref<1x!tpu.dma_semaphore, #tpu.memory_space<semaphore_mem>>
        %dma_wait3A_1046 = tpu.memref_squeeze %dma_wait3A_1045 : memref<1x!tpu.dma_semaphore, #tpu.memory_space<semaphore_mem>> -> memref<!tpu.dma_semaphore, #tpu.memory_space<semaphore_mem>>
        %dma_wait3A_1047 = arith.constant 0 : i32
        %dma_wait3A_1048 = arith.constant 0 : i32
        %dma_wait3A_1049 = tpu.memref_slice %arg4[%select_n3A_974, %dma_wait3A_1035, %select_n3A_991, %dma_wait3A_1047, %dma_wait3A_1048] : memref<50x8x128x8x128xf32, #tpu.memory_space<hbm>> -> memref<1x1x1x8x128xf32, #tpu.memory_space<hbm>>
        %dma_wait3A_1050 = tpu.memref_squeeze %dma_wait3A_1049 : memref<1x1x1x8x128xf32, #tpu.memory_space<hbm>> -> memref<8x128xf32, #tpu.memory_space<hbm>>
        %dma_wait3A_1051 = arith.constant 16 : i32
        %dma_wait3A_1052 = arith.constant 0 : i32
        %dma_wait3A_1053 = tpu.memref_slice %arg7[%dma_wait3A_1034, %dma_wait3A_1051, %dma_wait3A_1052] : memref<2x64x129xf32, #tpu.memory_space<vmem>> -> memref<1x8x128xf32, #tpu.memory_space<vmem>>
        %dma_wait3A_1054 = tpu.memref_squeeze %dma_wait3A_1053 : memref<1x8x128xf32, #tpu.memory_space<vmem>> -> memref<8x128xf32, #tpu.memory_space<vmem>>
        tpu.wait_dma2 semaphore(%dma_wait3A_1046 : memref<!tpu.dma_semaphore, #tpu.memory_space<semaphore_mem>>) src(%dma_wait3A_1054 : memref<8x128xf32, #tpu.memory_space<vmem>>) dst(%dma_wait3A_1050 : memref<8x128xf32, #tpu.memory_space<hbm>>)
        %dma_wait3A_1055 = arith.constant 0 : i32
        %dma_wait3A_1056 = arith.constant 3 : i32
        %dma_wait3A_1057 = arith.constant 0 : i32
        %dma_wait3A_1058 = arith.constant 24 : i32
        %dma_wait3A_1059 = arith.constant 0 : i32
        %dma_wait3A_1060 = tpu.memref_slice %arg7[%dma_wait3A_1055, %dma_wait3A_1058, %dma_wait3A_1059] : memref<2x64x129xf32, #tpu.memory_space<vmem>> -> memref<1x8x128xf32, #tpu.memory_space<vmem>>
        %dma_wait3A_1061 = tpu.memref_squeeze %dma_wait3A_1060 : memref<1x8x128xf32, #tpu.memory_space<vmem>> -> memref<8x128xf32, #tpu.memory_space<vmem>>
        %dma_wait3A_1062 = arith.constant 0 : i32
        %dma_wait3A_1063 = arith.constant 0 : i32
        %dma_wait3A_1064 = tpu.memref_slice %arg4[%select_n3A_974, %dma_wait3A_1056, %select_n3A_991, %dma_wait3A_1062, %dma_wait3A_1063] : memref<50x8x128x8x128xf32, #tpu.memory_space<hbm>> -> memref<1x1x1x8x128xf32, #tpu.memory_space<hbm>>
        %dma_wait3A_1065 = tpu.memref_squeeze %dma_wait3A_1064 : memref<1x1x1x8x128xf32, #tpu.memory_space<hbm>> -> memref<8x128xf32, #tpu.memory_space<hbm>>
        %dma_wait3A_1066 = tpu.memref_slice %arg9[%dma_wait3A_1057] : memref<2x!tpu.dma_semaphore, #tpu.memory_space<semaphore_mem>> -> memref<1x!tpu.dma_semaphore, #tpu.memory_space<semaphore_mem>>
        %dma_wait3A_1067 = tpu.memref_squeeze %dma_wait3A_1066 : memref<1x!tpu.dma_semaphore, #tpu.memory_space<semaphore_mem>> -> memref<!tpu.dma_semaphore, #tpu.memory_space<semaphore_mem>>
        %dma_wait3A_1068 = arith.constant 0 : i32
        %dma_wait3A_1069 = arith.constant 0 : i32
        %dma_wait3A_1070 = tpu.memref_slice %arg4[%select_n3A_974, %dma_wait3A_1056, %select_n3A_991, %dma_wait3A_1068, %dma_wait3A_1069] : memref<50x8x128x8x128xf32, #tpu.memory_space<hbm>> -> memref<1x1x1x8x128xf32, #tpu.memory_space<hbm>>
        %dma_wait3A_1071 = tpu.memref_squeeze %dma_wait3A_1070 : memref<1x1x1x8x128xf32, #tpu.memory_space<hbm>> -> memref<8x128xf32, #tpu.memory_space<hbm>>
        %dma_wait3A_1072 = arith.constant 24 : i32
        %dma_wait3A_1073 = arith.constant 0 : i32
        %dma_wait3A_1074 = tpu.memref_slice %arg7[%dma_wait3A_1055, %dma_wait3A_1072, %dma_wait3A_1073] : memref<2x64x129xf32, #tpu.memory_space<vmem>> -> memref<1x8x128xf32, #tpu.memory_space<vmem>>
        %dma_wait3A_1075 = tpu.memref_squeeze %dma_wait3A_1074 : memref<1x8x128xf32, #tpu.memory_space<vmem>> -> memref<8x128xf32, #tpu.memory_space<vmem>>
        tpu.wait_dma2 semaphore(%dma_wait3A_1067 : memref<!tpu.dma_semaphore, #tpu.memory_space<semaphore_mem>>) src(%dma_wait3A_1075 : memref<8x128xf32, #tpu.memory_space<vmem>>) dst(%dma_wait3A_1071 : memref<8x128xf32, #tpu.memory_space<hbm>>)
        %dma_wait3A_1076 = arith.constant 0 : i32
        %dma_wait3A_1077 = arith.constant 4 : i32
        %dma_wait3A_1078 = arith.constant 0 : i32
        %dma_wait3A_1079 = arith.constant 32 : i32
        %dma_wait3A_1080 = arith.constant 0 : i32
        %dma_wait3A_1081 = tpu.memref_slice %arg7[%dma_wait3A_1076, %dma_wait3A_1079, %dma_wait3A_1080] : memref<2x64x129xf32, #tpu.memory_space<vmem>> -> memref<1x8x128xf32, #tpu.memory_space<vmem>>
        %dma_wait3A_1082 = tpu.memref_squeeze %dma_wait3A_1081 : memref<1x8x128xf32, #tpu.memory_space<vmem>> -> memref<8x128xf32, #tpu.memory_space<vmem>>
        %dma_wait3A_1083 = arith.constant 0 : i32
        %dma_wait3A_1084 = arith.constant 0 : i32
        %dma_wait3A_1085 = tpu.memref_slice %arg4[%select_n3A_974, %dma_wait3A_1077, %select_n3A_991, %dma_wait3A_1083, %dma_wait3A_1084] : memref<50x8x128x8x128xf32, #tpu.memory_space<hbm>> -> memref<1x1x1x8x128xf32, #tpu.memory_space<hbm>>
        %dma_wait3A_1086 = tpu.memref_squeeze %dma_wait3A_1085 : memref<1x1x1x8x128xf32, #tpu.memory_space<hbm>> -> memref<8x128xf32, #tpu.memory_space<hbm>>
        %dma_wait3A_1087 = tpu.memref_slice %arg9[%dma_wait3A_1078] : memref<2x!tpu.dma_semaphore, #tpu.memory_space<semaphore_mem>> -> memref<1x!tpu.dma_semaphore, #tpu.memory_space<semaphore_mem>>
        %dma_wait3A_1088 = tpu.memref_squeeze %dma_wait3A_1087 : memref<1x!tpu.dma_semaphore, #tpu.memory_space<semaphore_mem>> -> memref<!tpu.dma_semaphore, #tpu.memory_space<semaphore_mem>>
        %dma_wait3A_1089 = arith.constant 0 : i32
        %dma_wait3A_1090 = arith.constant 0 : i32
        %dma_wait3A_1091 = tpu.memref_slice %arg4[%select_n3A_974, %dma_wait3A_1077, %select_n3A_991, %dma_wait3A_1089, %dma_wait3A_1090] : memref<50x8x128x8x128xf32, #tpu.memory_space<hbm>> -> memref<1x1x1x8x128xf32, #tpu.memory_space<hbm>>
        %dma_wait3A_1092 = tpu.memref_squeeze %dma_wait3A_1091 : memref<1x1x1x8x128xf32, #tpu.memory_space<hbm>> -> memref<8x128xf32, #tpu.memory_space<hbm>>
        %dma_wait3A_1093 = arith.constant 32 : i32
        %dma_wait3A_1094 = arith.constant 0 : i32
        %dma_wait3A_1095 = tpu.memref_slice %arg7[%dma_wait3A_1076, %dma_wait3A_1093, %dma_wait3A_1094] : memref<2x64x129xf32, #tpu.memory_space<vmem>> -> memref<1x8x128xf32, #tpu.memory_space<vmem>>
        %dma_wait3A_1096 = tpu.memref_squeeze %dma_wait3A_1095 : memref<1x8x128xf32, #tpu.memory_space<vmem>> -> memref<8x128xf32, #tpu.memory_space<vmem>>
        tpu.wait_dma2 semaphore(%dma_wait3A_1088 : memref<!tpu.dma_semaphore, #tpu.memory_space<semaphore_mem>>) src(%dma_wait3A_1096 : memref<8x128xf32, #tpu.memory_space<vmem>>) dst(%dma_wait3A_1092 : memref<8x128xf32, #tpu.memory_space<hbm>>)
        %dma_wait3A_1097 = arith.constant 0 : i32
        %dma_wait3A_1098 = arith.constant 5 : i32
        %dma_wait3A_1099 = arith.constant 0 : i32
        %dma_wait3A_1100 = arith.constant 40 : i32
        %dma_wait3A_1101 = arith.constant 0 : i32
        %dma_wait3A_1102 = tpu.memref_slice %arg7[%dma_wait3A_1097, %dma_wait3A_1100, %dma_wait3A_1101] : memref<2x64x129xf32, #tpu.memory_space<vmem>> -> memref<1x8x128xf32, #tpu.memory_space<vmem>>
        %dma_wait3A_1103 = tpu.memref_squeeze %dma_wait3A_1102 : memref<1x8x128xf32, #tpu.memory_space<vmem>> -> memref<8x128xf32, #tpu.memory_space<vmem>>
        %dma_wait3A_1104 = arith.constant 0 : i32
        %dma_wait3A_1105 = arith.constant 0 : i32
        %dma_wait3A_1106 = tpu.memref_slice %arg4[%select_n3A_974, %dma_wait3A_1098, %select_n3A_991, %dma_wait3A_1104, %dma_wait3A_1105] : memref<50x8x128x8x128xf32, #tpu.memory_space<hbm>> -> memref<1x1x1x8x128xf32, #tpu.memory_space<hbm>>
        %dma_wait3A_1107 = tpu.memref_squeeze %dma_wait3A_1106 : memref<1x1x1x8x128xf32, #tpu.memory_space<hbm>> -> memref<8x128xf32, #tpu.memory_space<hbm>>
        %dma_wait3A_1108 = tpu.memref_slice %arg9[%dma_wait3A_1099] : memref<2x!tpu.dma_semaphore, #tpu.memory_space<semaphore_mem>> -> memref<1x!tpu.dma_semaphore, #tpu.memory_space<semaphore_mem>>
        %dma_wait3A_1109 = tpu.memref_squeeze %dma_wait3A_1108 : memref<1x!tpu.dma_semaphore, #tpu.memory_space<semaphore_mem>> -> memref<!tpu.dma_semaphore, #tpu.memory_space<semaphore_mem>>
        %dma_wait3A_1110 = arith.constant 0 : i32
        %dma_wait3A_1111 = arith.constant 0 : i32
        %dma_wait3A_1112 = tpu.memref_slice %arg4[%select_n3A_974, %dma_wait3A_1098, %select_n3A_991, %dma_wait3A_1110, %dma_wait3A_1111] : memref<50x8x128x8x128xf32, #tpu.memory_space<hbm>> -> memref<1x1x1x8x128xf32, #tpu.memory_space<hbm>>
        %dma_wait3A_1113 = tpu.memref_squeeze %dma_wait3A_1112 : memref<1x1x1x8x128xf32, #tpu.memory_space<hbm>> -> memref<8x128xf32, #tpu.memory_space<hbm>>
        %dma_wait3A_1114 = arith.constant 40 : i32
        %dma_wait3A_1115 = arith.constant 0 : i32
        %dma_wait3A_1116 = tpu.memref_slice %arg7[%dma_wait3A_1097, %dma_wait3A_1114, %dma_wait3A_1115] : memref<2x64x129xf32, #tpu.memory_space<vmem>> -> memref<1x8x128xf32, #tpu.memory_space<vmem>>
        %dma_wait3A_1117 = tpu.memref_squeeze %dma_wait3A_1116 : memref<1x8x128xf32, #tpu.memory_space<vmem>> -> memref<8x128xf32, #tpu.memory_space<vmem>>
        tpu.wait_dma2 semaphore(%dma_wait3A_1109 : memref<!tpu.dma_semaphore, #tpu.memory_space<semaphore_mem>>) src(%dma_wait3A_1117 : memref<8x128xf32, #tpu.memory_space<vmem>>) dst(%dma_wait3A_1113 : memref<8x128xf32, #tpu.memory_space<hbm>>)
        %dma_wait3A_1118 = arith.constant 0 : i32
        %dma_wait3A_1119 = arith.constant 6 : i32
        %dma_wait3A_1120 = arith.constant 0 : i32
        %dma_wait3A_1121 = arith.constant 48 : i32
        %dma_wait3A_1122 = arith.constant 0 : i32
        %dma_wait3A_1123 = tpu.memref_slice %arg7[%dma_wait3A_1118, %dma_wait3A_1121, %dma_wait3A_1122] : memref<2x64x129xf32, #tpu.memory_space<vmem>> -> memref<1x8x128xf32, #tpu.memory_space<vmem>>
        %dma_wait3A_1124 = tpu.memref_squeeze %dma_wait3A_1123 : memref<1x8x128xf32, #tpu.memory_space<vmem>> -> memref<8x128xf32, #tpu.memory_space<vmem>>
        %dma_wait3A_1125 = arith.constant 0 : i32
        %dma_wait3A_1126 = arith.constant 0 : i32
        %dma_wait3A_1127 = tpu.memref_slice %arg4[%select_n3A_974, %dma_wait3A_1119, %select_n3A_991, %dma_wait3A_1125, %dma_wait3A_1126] : memref<50x8x128x8x128xf32, #tpu.memory_space<hbm>> -> memref<1x1x1x8x128xf32, #tpu.memory_space<hbm>>
        %dma_wait3A_1128 = tpu.memref_squeeze %dma_wait3A_1127 : memref<1x1x1x8x128xf32, #tpu.memory_space<hbm>> -> memref<8x128xf32, #tpu.memory_space<hbm>>
        %dma_wait3A_1129 = tpu.memref_slice %arg9[%dma_wait3A_1120] : memref<2x!tpu.dma_semaphore, #tpu.memory_space<semaphore_mem>> -> memref<1x!tpu.dma_semaphore, #tpu.memory_space<semaphore_mem>>
        %dma_wait3A_1130 = tpu.memref_squeeze %dma_wait3A_1129 : memref<1x!tpu.dma_semaphore, #tpu.memory_space<semaphore_mem>> -> memref<!tpu.dma_semaphore, #tpu.memory_space<semaphore_mem>>
        %dma_wait3A_1131 = arith.constant 0 : i32
        %dma_wait3A_1132 = arith.constant 0 : i32
        %dma_wait3A_1133 = tpu.memref_slice %arg4[%select_n3A_974, %dma_wait3A_1119, %select_n3A_991, %dma_wait3A_1131, %dma_wait3A_1132] : memref<50x8x128x8x128xf32, #tpu.memory_space<hbm>> -> memref<1x1x1x8x128xf32, #tpu.memory_space<hbm>>
        %dma_wait3A_1134 = tpu.memref_squeeze %dma_wait3A_1133 : memref<1x1x1x8x128xf32, #tpu.memory_space<hbm>> -> memref<8x128xf32, #tpu.memory_space<hbm>>
        %dma_wait3A_1135 = arith.constant 48 : i32
        %dma_wait3A_1136 = arith.constant 0 : i32
        %dma_wait3A_1137 = tpu.memref_slice %arg7[%dma_wait3A_1118, %dma_wait3A_1135, %dma_wait3A_1136] : memref<2x64x129xf32, #tpu.memory_space<vmem>> -> memref<1x8x128xf32, #tpu.memory_space<vmem>>
        %dma_wait3A_1138 = tpu.memref_squeeze %dma_wait3A_1137 : memref<1x8x128xf32, #tpu.memory_space<vmem>> -> memref<8x128xf32, #tpu.memory_space<vmem>>
        tpu.wait_dma2 semaphore(%dma_wait3A_1130 : memref<!tpu.dma_semaphore, #tpu.memory_space<semaphore_mem>>) src(%dma_wait3A_1138 : memref<8x128xf32, #tpu.memory_space<vmem>>) dst(%dma_wait3A_1134 : memref<8x128xf32, #tpu.memory_space<hbm>>)
        %dma_wait3A_1139 = arith.constant 0 : i32
        %dma_wait3A_1140 = arith.constant 7 : i32
        %dma_wait3A_1141 = arith.constant 0 : i32
        %dma_wait3A_1142 = arith.constant 56 : i32
        %dma_wait3A_1143 = arith.constant 0 : i32
        %dma_wait3A_1144 = tpu.memref_slice %arg7[%dma_wait3A_1139, %dma_wait3A_1142, %dma_wait3A_1143] : memref<2x64x129xf32, #tpu.memory_space<vmem>> -> memref<1x8x128xf32, #tpu.memory_space<vmem>>
        %dma_wait3A_1145 = tpu.memref_squeeze %dma_wait3A_1144 : memref<1x8x128xf32, #tpu.memory_space<vmem>> -> memref<8x128xf32, #tpu.memory_space<vmem>>
        %dma_wait3A_1146 = arith.constant 0 : i32
        %dma_wait3A_1147 = arith.constant 0 : i32
        %dma_wait3A_1148 = tpu.memref_slice %arg4[%select_n3A_974, %dma_wait3A_1140, %select_n3A_991, %dma_wait3A_1146, %dma_wait3A_1147] : memref<50x8x128x8x128xf32, #tpu.memory_space<hbm>> -> memref<1x1x1x8x128xf32, #tpu.memory_space<hbm>>
        %dma_wait3A_1149 = tpu.memref_squeeze %dma_wait3A_1148 : memref<1x1x1x8x128xf32, #tpu.memory_space<hbm>> -> memref<8x128xf32, #tpu.memory_space<hbm>>
        %dma_wait3A_1150 = tpu.memref_slice %arg9[%dma_wait3A_1141] : memref<2x!tpu.dma_semaphore, #tpu.memory_space<semaphore_mem>> -> memref<1x!tpu.dma_semaphore, #tpu.memory_space<semaphore_mem>>
        %dma_wait3A_1151 = tpu.memref_squeeze %dma_wait3A_1150 : memref<1x!tpu.dma_semaphore, #tpu.memory_space<semaphore_mem>> -> memref<!tpu.dma_semaphore, #tpu.memory_space<semaphore_mem>>
        %dma_wait3A_1152 = arith.constant 0 : i32
        %dma_wait3A_1153 = arith.constant 0 : i32
        %dma_wait3A_1154 = tpu.memref_slice %arg4[%select_n3A_974, %dma_wait3A_1140, %select_n3A_991, %dma_wait3A_1152, %dma_wait3A_1153] : memref<50x8x128x8x128xf32, #tpu.memory_space<hbm>> -> memref<1x1x1x8x128xf32, #tpu.memory_space<hbm>>
        %dma_wait3A_1155 = tpu.memref_squeeze %dma_wait3A_1154 : memref<1x1x1x8x128xf32, #tpu.memory_space<hbm>> -> memref<8x128xf32, #tpu.memory_space<hbm>>
        %dma_wait3A_1156 = arith.constant 56 : i32
        %dma_wait3A_1157 = arith.constant 0 : i32
        %dma_wait3A_1158 = tpu.memref_slice %arg7[%dma_wait3A_1139, %dma_wait3A_1156, %dma_wait3A_1157] : memref<2x64x129xf32, #tpu.memory_space<vmem>> -> memref<1x8x128xf32, #tpu.memory_space<vmem>>
        %dma_wait3A_1159 = tpu.memref_squeeze %dma_wait3A_1158 : memref<1x8x128xf32, #tpu.memory_space<vmem>> -> memref<8x128xf32, #tpu.memory_space<vmem>>
        tpu.wait_dma2 semaphore(%dma_wait3A_1151 : memref<!tpu.dma_semaphore, #tpu.memory_space<semaphore_mem>>) src(%dma_wait3A_1159 : memref<8x128xf32, #tpu.memory_space<vmem>>) dst(%dma_wait3A_1155 : memref<8x128xf32, #tpu.memory_space<hbm>>)
      } else {
      }
      %parallel_loop3A = arith.constant 0 : i32
      %parallel_loop3A_484 = arith.constant 128 : i32
      %parallel_loop3A_485 = arith.constant 1 : i32
      scf.for %parallel_loop3A_948 = %parallel_loop3A to %parallel_loop3A_484 step %parallel_loop3A_485  : i32 {
        %parallel_loop3A_949 = arith.constant 0 : i32
        %parallel_loop3A_950 = vector.broadcast %parallel_loop3A_949 : i32 to vector<16xi32>
        %parallel_loop3A_951 = vector.broadcast %parallel_loop3A_948 : i32 to vector<16xi32>
        %parallel_loop3A_952 = arith.addi %parallel_loop3A_950, %parallel_loop3A_951 : vector<16xi32>
        %parallel_loop3A_953 = arith.constant 0 : i32
        %parallel_loop3A_954 = arith.index_cast %parallel_loop3A_953 : i32 to index
        %parallel_loop3A_955 = arith.index_cast %parallel_loop3A_948 : i32 to index
        %parallel_loop3A_956 = arith.constant 0 : index
        %parallel_loop3A_957 = tpu.vector_load %arg6[%parallel_loop3A_954, %parallel_loop3A_955, %parallel_loop3A_956] {strides = array<i32>} : memref<2x128x64xf32, #tpu.memory_space<vmem>>, vector<16xf32>,
        %parallel_loop3A_958 = arith.constant 0 : i32
        %parallel_loop3A_959 = arith.constant 0 : i32
        %parallel_loop3A_960 = arith.constant 0 : i32
        %parallel_loop3A_961 = tpu.memref_slice %arg7[%parallel_loop3A_958, %parallel_loop3A_959, %parallel_loop3A_960] : memref<2x64x129xf32, #tpu.memory_space<vmem>> -> memref<1x64x129xf32, #tpu.memory_space<vmem>>
        %parallel_loop3A_962 = tpu.memref_squeeze %parallel_loop3A_961 : memref<1x64x129xf32, #tpu.memory_space<vmem>> -> memref<64x129xf32, #tpu.memory_space<vmem>>
        tpu.vector_store_idx %parallel_loop3A_962[%add3A_5, %parallel_loop3A_952], %parallel_loop3A_957 : memref<64x129xf32, #tpu.memory_space<vmem>>[vector<16xi32>, vector<16xi32>], vector<16xf32>,
        %parallel_loop3A_963 = arith.constant 0 : i32
        %parallel_loop3A_964 = arith.index_cast %parallel_loop3A_963 : i32 to index
        %parallel_loop3A_965 = arith.index_cast %parallel_loop3A_948 : i32 to index
        %parallel_loop3A_966 = arith.constant 16 : index
        %parallel_loop3A_967 = tpu.vector_load %arg6[%parallel_loop3A_964, %parallel_loop3A_965, %parallel_loop3A_966] {strides = array<i32>} : memref<2x128x64xf32, #tpu.memory_space<vmem>>, vector<16xf32>,
        %parallel_loop3A_968 = arith.constant 0 : i32
        %parallel_loop3A_969 = arith.constant 0 : i32
        %parallel_loop3A_970 = arith.constant 0 : i32
        %parallel_loop3A_971 = tpu.memref_slice %arg7[%parallel_loop3A_968, %parallel_loop3A_969, %parallel_loop3A_970] : memref<2x64x129xf32, #tpu.memory_space<vmem>> -> memref<1x64x129xf32, #tpu.memory_space<vmem>>
        %parallel_loop3A_972 = tpu.memref_squeeze %parallel_loop3A_971 : memref<1x64x129xf32, #tpu.memory_space<vmem>> -> memref<64x129xf32, #tpu.memory_space<vmem>>
        tpu.vector_store_idx %parallel_loop3A_972[%add3A_8, %parallel_loop3A_952], %parallel_loop3A_967 : memref<64x129xf32, #tpu.memory_space<vmem>>[vector<16xi32>, vector<16xi32>], vector<16xf32>,
        %parallel_loop3A_973 = arith.constant 0 : i32
        %parallel_loop3A_974 = arith.index_cast %parallel_loop3A_973 : i32 to index
        %parallel_loop3A_975 = arith.index_cast %parallel_loop3A_948 : i32 to index
        %parallel_loop3A_976 = arith.constant 32 : index
        %parallel_loop3A_977 = tpu.vector_load %arg6[%parallel_loop3A_974, %parallel_loop3A_975, %parallel_loop3A_976] {strides = array<i32>} : memref<2x128x64xf32, #tpu.memory_space<vmem>>, vector<16xf32>,
        %parallel_loop3A_978 = arith.constant 0 : i32
        %parallel_loop3A_979 = arith.constant 0 : i32
        %parallel_loop3A_980 = arith.constant 0 : i32
        %parallel_loop3A_981 = tpu.memref_slice %arg7[%parallel_loop3A_978, %parallel_loop3A_979, %parallel_loop3A_980] : memref<2x64x129xf32, #tpu.memory_space<vmem>> -> memref<1x64x129xf32, #tpu.memory_space<vmem>>
        %parallel_loop3A_982 = tpu.memref_squeeze %parallel_loop3A_981 : memref<1x64x129xf32, #tpu.memory_space<vmem>> -> memref<64x129xf32, #tpu.memory_space<vmem>>
        tpu.vector_store_idx %parallel_loop3A_982[%add3A_11, %parallel_loop3A_952], %parallel_loop3A_977 : memref<64x129xf32, #tpu.memory_space<vmem>>[vector<16xi32>, vector<16xi32>], vector<16xf32>,
        %parallel_loop3A_983 = arith.constant 0 : i32
        %parallel_loop3A_984 = arith.index_cast %parallel_loop3A_983 : i32 to index
        %parallel_loop3A_985 = arith.index_cast %parallel_loop3A_948 : i32 to index
        %parallel_loop3A_986 = arith.constant 48 : index
        %parallel_loop3A_987 = tpu.vector_load %arg6[%parallel_loop3A_984, %parallel_loop3A_985, %parallel_loop3A_986] {strides = array<i32>} : memref<2x128x64xf32, #tpu.memory_space<vmem>>, vector<16xf32>,
        %parallel_loop3A_988 = arith.constant 0 : i32
        %parallel_loop3A_989 = arith.constant 0 : i32
        %parallel_loop3A_990 = arith.constant 0 : i32
        %parallel_loop3A_991 = tpu.memref_slice %arg7[%parallel_loop3A_988, %parallel_loop3A_989, %parallel_loop3A_990] : memref<2x64x129xf32, #tpu.memory_space<vmem>> -> memref<1x64x129xf32, #tpu.memory_space<vmem>>
        %parallel_loop3A_992 = tpu.memref_squeeze %parallel_loop3A_991 : memref<1x64x129xf32, #tpu.memory_space<vmem>> -> memref<64x129xf32, #tpu.memory_space<vmem>>
        tpu.vector_store_idx %parallel_loop3A_992[%add3A_14, %parallel_loop3A_952], %parallel_loop3A_987 : memref<64x129xf32, #tpu.memory_space<vmem>>[vector<16xi32>, vector<16xi32>], vector<16xf32>,
      } {sc.loop_unroll_factor = 4 : i64, sc.parallel_access}
      %add3A_486 = arith.addi %mul3A_2, %add3A_467 : i32
      %jit3A_487 = arith.constant 128 : i32
      %div3A_488 = arith.divsi %add3A_486, %jit3A_487 : i32
      %sign3A_489 = arith.constant 0 : i32
      %sign3A_490 = arith.cmpi sgt, %add3A_486, %sign3A_489 : i32
      %sign3A_491 = arith.extui %sign3A_490 : i1 to i32
      %sign3A_492 = arith.constant 0 : i32
      %sign3A_493 = arith.cmpi slt, %add3A_486, %sign3A_492 : i32
      %sign3A_494 = arith.extui %sign3A_493 : i1 to i32
      %sign3A_495 = arith.subi %sign3A_491, %sign3A_494 : i32
      %sign3A_496 = arith.constant 0 : i32
      %sign3A_497 = arith.cmpi sgt, %jit3A_487, %sign3A_496 : i32
      %sign3A_498 = arith.extui %sign3A_497 : i1 to i32
      %sign3A_499 = arith.constant 0 : i32
      %sign3A_500 = arith.cmpi slt, %jit3A_487, %sign3A_499 : i32
      %sign3A_501 = arith.extui %sign3A_500 : i1 to i32
      %sign3A_502 = arith.subi %sign3A_498, %sign3A_501 : i32
      %ne3A_503 = arith.cmpi ne, %sign3A_495, %sign3A_502 : i32
      %rem3A_504 = arith.remsi %add3A_486, %jit3A_487 : i32
      %ne3A_505 = arith.constant 0 : i32
      %ne3A_506 = arith.cmpi ne, %rem3A_504, %ne3A_505 : i32
      %and3A_507 = arith.andi %ne3A_503, %ne3A_506 : i1
      %sub3A_508 = arith.constant 1 : i32
      %sub3A_509 = arith.subi %div3A_488, %sub3A_508 : i32
      %select_n3A_510 = arith.select %and3A_507, %sub3A_509, %div3A_488 : i32
      %add3A_511 = arith.addi %mul3A_2, %add3A_467 : i32
      %jit3A_512 = arith.constant 128 : i32
      %eq3A_513 = arith.constant 0 : i32
      %eq3A_514 = arith.cmpi eq, %jit3A_512, %eq3A_513 : i32
      %jit3A_515 = arith.constant 1 : i32
      %select_n3A_516 = arith.select %eq3A_514, %jit3A_515, %jit3A_512 : i32
      %rem3A_517 = arith.remsi %add3A_511, %select_n3A_516 : i32
      %ne3A_518 = arith.constant 0 : i32
      %ne3A_519 = arith.cmpi ne, %rem3A_517, %ne3A_518 : i32
      %lt3A_520 = arith.constant 0 : i32
      %lt3A_521 = arith.cmpi slt, %rem3A_517, %lt3A_520 : i32
      %lt3A_522 = arith.constant 0 : i32
      %lt3A_523 = arith.cmpi slt, %select_n3A_516, %lt3A_522 : i32
      %ne3A_524 = arith.xori %lt3A_521, %lt3A_523 : i1
      %and3A_525 = arith.andi %ne3A_524, %ne3A_519 : i1
      %add3A_526 = arith.addi %rem3A_517, %select_n3A_516 : i32
      %select_n3A_527 = arith.select %and3A_525, %add3A_526, %rem3A_517 : i32
      %dma_start3A_528 = arith.constant 0 : i32
      %dma_start3A_529 = arith.constant 0 : i32
      %dma_start3A_530 = arith.constant 0 : i32
      %dma_start3A_531 = arith.constant 0 : i32
      %dma_start3A_532 = arith.constant 0 : i32
      %dma_start3A_533 = tpu.memref_slice %arg7[%dma_start3A_528, %dma_start3A_531, %dma_start3A_532] : memref<2x64x129xf32, #tpu.memory_space<vmem>> -> memref<1x8x128xf32, #tpu.memory_space<vmem>>
      %dma_start3A_534 = tpu.memref_squeeze %dma_start3A_533 : memref<1x8x128xf32, #tpu.memory_space<vmem>> -> memref<8x128xf32, #tpu.memory_space<vmem>>
      %dma_start3A_535 = arith.constant 0 : i32
      %dma_start3A_536 = arith.constant 0 : i32
      %dma_start3A_537 = tpu.memref_slice %arg4[%select_n3A_510, %dma_start3A_529, %select_n3A_527, %dma_start3A_535, %dma_start3A_536] : memref<50x8x128x8x128xf32, #tpu.memory_space<hbm>> -> memref<1x1x1x8x128xf32, #tpu.memory_space<hbm>>
      %dma_start3A_538 = tpu.memref_squeeze %dma_start3A_537 : memref<1x1x1x8x128xf32, #tpu.memory_space<hbm>> -> memref<8x128xf32, #tpu.memory_space<hbm>>
      %dma_start3A_539 = tpu.memref_slice %arg9[%dma_start3A_530] : memref<2x!tpu.dma_semaphore, #tpu.memory_space<semaphore_mem>> -> memref<1x!tpu.dma_semaphore, #tpu.memory_space<semaphore_mem>>
      %dma_start3A_540 = tpu.memref_squeeze %dma_start3A_539 : memref<1x!tpu.dma_semaphore, #tpu.memory_space<semaphore_mem>> -> memref<!tpu.dma_semaphore, #tpu.memory_space<semaphore_mem>>
      %dma_start3A_541 = arith.constant 0 : i32
      %dma_start3A_542 = arith.constant 0 : i32
      %dma_start3A_543 = tpu.memref_slice %arg4[%select_n3A_510, %dma_start3A_529, %select_n3A_527, %dma_start3A_541, %dma_start3A_542] : memref<50x8x128x8x128xf32, #tpu.memory_space<hbm>> -> memref<1x1x1x8x128xf32, #tpu.memory_space<hbm>>
      %dma_start3A_544 = tpu.memref_squeeze %dma_start3A_543 : memref<1x1x1x8x128xf32, #tpu.memory_space<hbm>> -> memref<8x128xf32, #tpu.memory_space<hbm>>
      %dma_start3A_545 = arith.constant 0 : i32
      %dma_start3A_546 = arith.constant 0 : i32
      %dma_start3A_547 = tpu.memref_slice %arg7[%dma_start3A_528, %dma_start3A_545, %dma_start3A_546] : memref<2x64x129xf32, #tpu.memory_space<vmem>> -> memref<1x8x128xf32, #tpu.memory_space<vmem>>
      %dma_start3A_548 = tpu.memref_squeeze %dma_start3A_547 : memref<1x8x128xf32, #tpu.memory_space<vmem>> -> memref<8x128xf32, #tpu.memory_space<vmem>>
      tpu.enqueue_dma source(%dma_start3A_548 : memref<8x128xf32, #tpu.memory_space<vmem>>) target(%dma_start3A_544 : memref<8x128xf32, #tpu.memory_space<hbm>>) target_semaphore(%dma_start3A_540 : memref<!tpu.dma_semaphore, #tpu.memory_space<semaphore_mem>>)
      %dma_start3A_549 = arith.constant 0 : i32
      %dma_start3A_550 = arith.constant 1 : i32
      %dma_start3A_551 = arith.constant 0 : i32
      %dma_start3A_552 = arith.constant 8 : i32
      %dma_start3A_553 = arith.constant 0 : i32
      %dma_start3A_554 = tpu.memref_slice %arg7[%dma_start3A_549, %dma_start3A_552, %dma_start3A_553] : memref<2x64x129xf32, #tpu.memory_space<vmem>> -> memref<1x8x128xf32, #tpu.memory_space<vmem>>
      %dma_start3A_555 = tpu.memref_squeeze %dma_start3A_554 : memref<1x8x128xf32, #tpu.memory_space<vmem>> -> memref<8x128xf32, #tpu.memory_space<vmem>>
      %dma_start3A_556 = arith.constant 0 : i32
      %dma_start3A_557 = arith.constant 0 : i32
      %dma_start3A_558 = tpu.memref_slice %arg4[%select_n3A_510, %dma_start3A_550, %select_n3A_527, %dma_start3A_556, %dma_start3A_557] : memref<50x8x128x8x128xf32, #tpu.memory_space<hbm>> -> memref<1x1x1x8x128xf32, #tpu.memory_space<hbm>>
      %dma_start3A_559 = tpu.memref_squeeze %dma_start3A_558 : memref<1x1x1x8x128xf32, #tpu.memory_space<hbm>> -> memref<8x128xf32, #tpu.memory_space<hbm>>
      %dma_start3A_560 = tpu.memref_slice %arg9[%dma_start3A_551] : memref<2x!tpu.dma_semaphore, #tpu.memory_space<semaphore_mem>> -> memref<1x!tpu.dma_semaphore, #tpu.memory_space<semaphore_mem>>
      %dma_start3A_561 = tpu.memref_squeeze %dma_start3A_560 : memref<1x!tpu.dma_semaphore, #tpu.memory_space<semaphore_mem>> -> memref<!tpu.dma_semaphore, #tpu.memory_space<semaphore_mem>>
      %dma_start3A_562 = arith.constant 0 : i32
      %dma_start3A_563 = arith.constant 0 : i32
      %dma_start3A_564 = tpu.memref_slice %arg4[%select_n3A_510, %dma_start3A_550, %select_n3A_527, %dma_start3A_562, %dma_start3A_563] : memref<50x8x128x8x128xf32, #tpu.memory_space<hbm>> -> memref<1x1x1x8x128xf32, #tpu.memory_space<hbm>>
      %dma_start3A_565 = tpu.memref_squeeze %dma_start3A_564 : memref<1x1x1x8x128xf32, #tpu.memory_space<hbm>> -> memref<8x128xf32, #tpu.memory_space<hbm>>
      %dma_start3A_566 = arith.constant 8 : i32
      %dma_start3A_567 = arith.constant 0 : i32
      %dma_start3A_568 = tpu.memref_slice %arg7[%dma_start3A_549, %dma_start3A_566, %dma_start3A_567] : memref<2x64x129xf32, #tpu.memory_space<vmem>> -> memref<1x8x128xf32, #tpu.memory_space<vmem>>
      %dma_start3A_569 = tpu.memref_squeeze %dma_start3A_568 : memref<1x8x128xf32, #tpu.memory_space<vmem>> -> memref<8x128xf32, #tpu.memory_space<vmem>>
      tpu.enqueue_dma source(%dma_start3A_569 : memref<8x128xf32, #tpu.memory_space<vmem>>) target(%dma_start3A_565 : memref<8x128xf32, #tpu.memory_space<hbm>>) target_semaphore(%dma_start3A_561 : memref<!tpu.dma_semaphore, #tpu.memory_space<semaphore_mem>>)
      %dma_start3A_570 = arith.constant 0 : i32
      %dma_start3A_571 = arith.constant 2 : i32
      %dma_start3A_572 = arith.constant 0 : i32
      %dma_start3A_573 = arith.constant 16 : i32
      %dma_start3A_574 = arith.constant 0 : i32
      %dma_start3A_575 = tpu.memref_slice %arg7[%dma_start3A_570, %dma_start3A_573, %dma_start3A_574] : memref<2x64x129xf32, #tpu.memory_space<vmem>> -> memref<1x8x128xf32, #tpu.memory_space<vmem>>
      %dma_start3A_576 = tpu.memref_squeeze %dma_start3A_575 : memref<1x8x128xf32, #tpu.memory_space<vmem>> -> memref<8x128xf32, #tpu.memory_space<vmem>>
      %dma_start3A_577 = arith.constant 0 : i32
      %dma_start3A_578 = arith.constant 0 : i32
      %dma_start3A_579 = tpu.memref_slice %arg4[%select_n3A_510, %dma_start3A_571, %select_n3A_527, %dma_start3A_577, %dma_start3A_578] : memref<50x8x128x8x128xf32, #tpu.memory_space<hbm>> -> memref<1x1x1x8x128xf32, #tpu.memory_space<hbm>>
      %dma_start3A_580 = tpu.memref_squeeze %dma_start3A_579 : memref<1x1x1x8x128xf32, #tpu.memory_space<hbm>> -> memref<8x128xf32, #tpu.memory_space<hbm>>
      %dma_start3A_581 = tpu.memref_slice %arg9[%dma_start3A_572] : memref<2x!tpu.dma_semaphore, #tpu.memory_space<semaphore_mem>> -> memref<1x!tpu.dma_semaphore, #tpu.memory_space<semaphore_mem>>
      %dma_start3A_582 = tpu.memref_squeeze %dma_start3A_581 : memref<1x!tpu.dma_semaphore, #tpu.memory_space<semaphore_mem>> -> memref<!tpu.dma_semaphore, #tpu.memory_space<semaphore_mem>>
      %dma_start3A_583 = arith.constant 0 : i32
      %dma_start3A_584 = arith.constant 0 : i32
      %dma_start3A_585 = tpu.memref_slice %arg4[%select_n3A_510, %dma_start3A_571, %select_n3A_527, %dma_start3A_583, %dma_start3A_584] : memref<50x8x128x8x128xf32, #tpu.memory_space<hbm>> -> memref<1x1x1x8x128xf32, #tpu.memory_space<hbm>>
      %dma_start3A_586 = tpu.memref_squeeze %dma_start3A_585 : memref<1x1x1x8x128xf32, #tpu.memory_space<hbm>> -> memref<8x128xf32, #tpu.memory_space<hbm>>
      %dma_start3A_587 = arith.constant 16 : i32
      %dma_start3A_588 = arith.constant 0 : i32
      %dma_start3A_589 = tpu.memref_slice %arg7[%dma_start3A_570, %dma_start3A_587, %dma_start3A_588] : memref<2x64x129xf32, #tpu.memory_space<vmem>> -> memref<1x8x128xf32, #tpu.memory_space<vmem>>
      %dma_start3A_590 = tpu.memref_squeeze %dma_start3A_589 : memref<1x8x128xf32, #tpu.memory_space<vmem>> -> memref<8x128xf32, #tpu.memory_space<vmem>>
      tpu.enqueue_dma source(%dma_start3A_590 : memref<8x128xf32, #tpu.memory_space<vmem>>) target(%dma_start3A_586 : memref<8x128xf32, #tpu.memory_space<hbm>>) target_semaphore(%dma_start3A_582 : memref<!tpu.dma_semaphore, #tpu.memory_space<semaphore_mem>>)
      %dma_start3A_591 = arith.constant 0 : i32
      %dma_start3A_592 = arith.constant 3 : i32
      %dma_start3A_593 = arith.constant 0 : i32
      %dma_start3A_594 = arith.constant 24 : i32
      %dma_start3A_595 = arith.constant 0 : i32
      %dma_start3A_596 = tpu.memref_slice %arg7[%dma_start3A_591, %dma_start3A_594, %dma_start3A_595] : memref<2x64x129xf32, #tpu.memory_space<vmem>> -> memref<1x8x128xf32, #tpu.memory_space<vmem>>
      %dma_start3A_597 = tpu.memref_squeeze %dma_start3A_596 : memref<1x8x128xf32, #tpu.memory_space<vmem>> -> memref<8x128xf32, #tpu.memory_space<vmem>>
      %dma_start3A_598 = arith.constant 0 : i32
      %dma_start3A_599 = arith.constant 0 : i32
      %dma_start3A_600 = tpu.memref_slice %arg4[%select_n3A_510, %dma_start3A_592, %select_n3A_527, %dma_start3A_598, %dma_start3A_599] : memref<50x8x128x8x128xf32, #tpu.memory_space<hbm>> -> memref<1x1x1x8x128xf32, #tpu.memory_space<hbm>>
      %dma_start3A_601 = tpu.memref_squeeze %dma_start3A_600 : memref<1x1x1x8x128xf32, #tpu.memory_space<hbm>> -> memref<8x128xf32, #tpu.memory_space<hbm>>
      %dma_start3A_602 = tpu.memref_slice %arg9[%dma_start3A_593] : memref<2x!tpu.dma_semaphore, #tpu.memory_space<semaphore_mem>> -> memref<1x!tpu.dma_semaphore, #tpu.memory_space<semaphore_mem>>
      %dma_start3A_603 = tpu.memref_squeeze %dma_start3A_602 : memref<1x!tpu.dma_semaphore, #tpu.memory_space<semaphore_mem>> -> memref<!tpu.dma_semaphore, #tpu.memory_space<semaphore_mem>>
      %dma_start3A_604 = arith.constant 0 : i32
      %dma_start3A_605 = arith.constant 0 : i32
      %dma_start3A_606 = tpu.memref_slice %arg4[%select_n3A_510, %dma_start3A_592, %select_n3A_527, %dma_start3A_604, %dma_start3A_605] : memref<50x8x128x8x128xf32, #tpu.memory_space<hbm>> -> memref<1x1x1x8x128xf32, #tpu.memory_space<hbm>>
      %dma_start3A_607 = tpu.memref_squeeze %dma_start3A_606 : memref<1x1x1x8x128xf32, #tpu.memory_space<hbm>> -> memref<8x128xf32, #tpu.memory_space<hbm>>
      %dma_start3A_608 = arith.constant 24 : i32
      %dma_start3A_609 = arith.constant 0 : i32
      %dma_start3A_610 = tpu.memref_slice %arg7[%dma_start3A_591, %dma_start3A_608, %dma_start3A_609] : memref<2x64x129xf32, #tpu.memory_space<vmem>> -> memref<1x8x128xf32, #tpu.memory_space<vmem>>
      %dma_start3A_611 = tpu.memref_squeeze %dma_start3A_610 : memref<1x8x128xf32, #tpu.memory_space<vmem>> -> memref<8x128xf32, #tpu.memory_space<vmem>>
      tpu.enqueue_dma source(%dma_start3A_611 : memref<8x128xf32, #tpu.memory_space<vmem>>) target(%dma_start3A_607 : memref<8x128xf32, #tpu.memory_space<hbm>>) target_semaphore(%dma_start3A_603 : memref<!tpu.dma_semaphore, #tpu.memory_space<semaphore_mem>>)
      %dma_start3A_612 = arith.constant 0 : i32
      %dma_start3A_613 = arith.constant 4 : i32
      %dma_start3A_614 = arith.constant 0 : i32
      %dma_start3A_615 = arith.constant 32 : i32
      %dma_start3A_616 = arith.constant 0 : i32
      %dma_start3A_617 = tpu.memref_slice %arg7[%dma_start3A_612, %dma_start3A_615, %dma_start3A_616] : memref<2x64x129xf32, #tpu.memory_space<vmem>> -> memref<1x8x128xf32, #tpu.memory_space<vmem>>
      %dma_start3A_618 = tpu.memref_squeeze %dma_start3A_617 : memref<1x8x128xf32, #tpu.memory_space<vmem>> -> memref<8x128xf32, #tpu.memory_space<vmem>>
      %dma_start3A_619 = arith.constant 0 : i32
      %dma_start3A_620 = arith.constant 0 : i32
      %dma_start3A_621 = tpu.memref_slice %arg4[%select_n3A_510, %dma_start3A_613, %select_n3A_527, %dma_start3A_619, %dma_start3A_620] : memref<50x8x128x8x128xf32, #tpu.memory_space<hbm>> -> memref<1x1x1x8x128xf32, #tpu.memory_space<hbm>>
      %dma_start3A_622 = tpu.memref_squeeze %dma_start3A_621 : memref<1x1x1x8x128xf32, #tpu.memory_space<hbm>> -> memref<8x128xf32, #tpu.memory_space<hbm>>
      %dma_start3A_623 = tpu.memref_slice %arg9[%dma_start3A_614] : memref<2x!tpu.dma_semaphore, #tpu.memory_space<semaphore_mem>> -> memref<1x!tpu.dma_semaphore, #tpu.memory_space<semaphore_mem>>
      %dma_start3A_624 = tpu.memref_squeeze %dma_start3A_623 : memref<1x!tpu.dma_semaphore, #tpu.memory_space<semaphore_mem>> -> memref<!tpu.dma_semaphore, #tpu.memory_space<semaphore_mem>>
      %dma_start3A_625 = arith.constant 0 : i32
      %dma_start3A_626 = arith.constant 0 : i32
      %dma_start3A_627 = tpu.memref_slice %arg4[%select_n3A_510, %dma_start3A_613, %select_n3A_527, %dma_start3A_625, %dma_start3A_626] : memref<50x8x128x8x128xf32, #tpu.memory_space<hbm>> -> memref<1x1x1x8x128xf32, #tpu.memory_space<hbm>>
      %dma_start3A_628 = tpu.memref_squeeze %dma_start3A_627 : memref<1x1x1x8x128xf32, #tpu.memory_space<hbm>> -> memref<8x128xf32, #tpu.memory_space<hbm>>
      %dma_start3A_629 = arith.constant 32 : i32
      %dma_start3A_630 = arith.constant 0 : i32
      %dma_start3A_631 = tpu.memref_slice %arg7[%dma_start3A_612, %dma_start3A_629, %dma_start3A_630] : memref<2x64x129xf32, #tpu.memory_space<vmem>> -> memref<1x8x128xf32, #tpu.memory_space<vmem>>
      %dma_start3A_632 = tpu.memref_squeeze %dma_start3A_631 : memref<1x8x128xf32, #tpu.memory_space<vmem>> -> memref<8x128xf32, #tpu.memory_space<vmem>>
      tpu.enqueue_dma source(%dma_start3A_632 : memref<8x128xf32, #tpu.memory_space<vmem>>) target(%dma_start3A_628 : memref<8x128xf32, #tpu.memory_space<hbm>>) target_semaphore(%dma_start3A_624 : memref<!tpu.dma_semaphore, #tpu.memory_space<semaphore_mem>>)
      %dma_start3A_633 = arith.constant 0 : i32
      %dma_start3A_634 = arith.constant 5 : i32
      %dma_start3A_635 = arith.constant 0 : i32
      %dma_start3A_636 = arith.constant 40 : i32
      %dma_start3A_637 = arith.constant 0 : i32
      %dma_start3A_638 = tpu.memref_slice %arg7[%dma_start3A_633, %dma_start3A_636, %dma_start3A_637] : memref<2x64x129xf32, #tpu.memory_space<vmem>> -> memref<1x8x128xf32, #tpu.memory_space<vmem>>
      %dma_start3A_639 = tpu.memref_squeeze %dma_start3A_638 : memref<1x8x128xf32, #tpu.memory_space<vmem>> -> memref<8x128xf32, #tpu.memory_space<vmem>>
      %dma_start3A_640 = arith.constant 0 : i32
      %dma_start3A_641 = arith.constant 0 : i32
      %dma_start3A_642 = tpu.memref_slice %arg4[%select_n3A_510, %dma_start3A_634, %select_n3A_527, %dma_start3A_640, %dma_start3A_641] : memref<50x8x128x8x128xf32, #tpu.memory_space<hbm>> -> memref<1x1x1x8x128xf32, #tpu.memory_space<hbm>>
      %dma_start3A_643 = tpu.memref_squeeze %dma_start3A_642 : memref<1x1x1x8x128xf32, #tpu.memory_space<hbm>> -> memref<8x128xf32, #tpu.memory_space<hbm>>
      %dma_start3A_644 = tpu.memref_slice %arg9[%dma_start3A_635] : memref<2x!tpu.dma_semaphore, #tpu.memory_space<semaphore_mem>> -> memref<1x!tpu.dma_semaphore, #tpu.memory_space<semaphore_mem>>
      %dma_start3A_645 = tpu.memref_squeeze %dma_start3A_644 : memref<1x!tpu.dma_semaphore, #tpu.memory_space<semaphore_mem>> -> memref<!tpu.dma_semaphore, #tpu.memory_space<semaphore_mem>>
      %dma_start3A_646 = arith.constant 0 : i32
      %dma_start3A_647 = arith.constant 0 : i32
      %dma_start3A_648 = tpu.memref_slice %arg4[%select_n3A_510, %dma_start3A_634, %select_n3A_527, %dma_start3A_646, %dma_start3A_647] : memref<50x8x128x8x128xf32, #tpu.memory_space<hbm>> -> memref<1x1x1x8x128xf32, #tpu.memory_space<hbm>>
      %dma_start3A_649 = tpu.memref_squeeze %dma_start3A_648 : memref<1x1x1x8x128xf32, #tpu.memory_space<hbm>> -> memref<8x128xf32, #tpu.memory_space<hbm>>
      %dma_start3A_650 = arith.constant 40 : i32
      %dma_start3A_651 = arith.constant 0 : i32
      %dma_start3A_652 = tpu.memref_slice %arg7[%dma_start3A_633, %dma_start3A_650, %dma_start3A_651] : memref<2x64x129xf32, #tpu.memory_space<vmem>> -> memref<1x8x128xf32, #tpu.memory_space<vmem>>
      %dma_start3A_653 = tpu.memref_squeeze %dma_start3A_652 : memref<1x8x128xf32, #tpu.memory_space<vmem>> -> memref<8x128xf32, #tpu.memory_space<vmem>>
      tpu.enqueue_dma source(%dma_start3A_653 : memref<8x128xf32, #tpu.memory_space<vmem>>) target(%dma_start3A_649 : memref<8x128xf32, #tpu.memory_space<hbm>>) target_semaphore(%dma_start3A_645 : memref<!tpu.dma_semaphore, #tpu.memory_space<semaphore_mem>>)
      %dma_start3A_654 = arith.constant 0 : i32
      %dma_start3A_655 = arith.constant 6 : i32
      %dma_start3A_656 = arith.constant 0 : i32
      %dma_start3A_657 = arith.constant 48 : i32
      %dma_start3A_658 = arith.constant 0 : i32
      %dma_start3A_659 = tpu.memref_slice %arg7[%dma_start3A_654, %dma_start3A_657, %dma_start3A_658] : memref<2x64x129xf32, #tpu.memory_space<vmem>> -> memref<1x8x128xf32, #tpu.memory_space<vmem>>
      %dma_start3A_660 = tpu.memref_squeeze %dma_start3A_659 : memref<1x8x128xf32, #tpu.memory_space<vmem>> -> memref<8x128xf32, #tpu.memory_space<vmem>>
      %dma_start3A_661 = arith.constant 0 : i32
      %dma_start3A_662 = arith.constant 0 : i32
      %dma_start3A_663 = tpu.memref_slice %arg4[%select_n3A_510, %dma_start3A_655, %select_n3A_527, %dma_start3A_661, %dma_start3A_662] : memref<50x8x128x8x128xf32, #tpu.memory_space<hbm>> -> memref<1x1x1x8x128xf32, #tpu.memory_space<hbm>>
      %dma_start3A_664 = tpu.memref_squeeze %dma_start3A_663 : memref<1x1x1x8x128xf32, #tpu.memory_space<hbm>> -> memref<8x128xf32, #tpu.memory_space<hbm>>
      %dma_start3A_665 = tpu.memref_slice %arg9[%dma_start3A_656] : memref<2x!tpu.dma_semaphore, #tpu.memory_space<semaphore_mem>> -> memref<1x!tpu.dma_semaphore, #tpu.memory_space<semaphore_mem>>
      %dma_start3A_666 = tpu.memref_squeeze %dma_start3A_665 : memref<1x!tpu.dma_semaphore, #tpu.memory_space<semaphore_mem>> -> memref<!tpu.dma_semaphore, #tpu.memory_space<semaphore_mem>>
      %dma_start3A_667 = arith.constant 0 : i32
      %dma_start3A_668 = arith.constant 0 : i32
      %dma_start3A_669 = tpu.memref_slice %arg4[%select_n3A_510, %dma_start3A_655, %select_n3A_527, %dma_start3A_667, %dma_start3A_668] : memref<50x8x128x8x128xf32, #tpu.memory_space<hbm>> -> memref<1x1x1x8x128xf32, #tpu.memory_space<hbm>>
      %dma_start3A_670 = tpu.memref_squeeze %dma_start3A_669 : memref<1x1x1x8x128xf32, #tpu.memory_space<hbm>> -> memref<8x128xf32, #tpu.memory_space<hbm>>
      %dma_start3A_671 = arith.constant 48 : i32
      %dma_start3A_672 = arith.constant 0 : i32
      %dma_start3A_673 = tpu.memref_slice %arg7[%dma_start3A_654, %dma_start3A_671, %dma_start3A_672] : memref<2x64x129xf32, #tpu.memory_space<vmem>> -> memref<1x8x128xf32, #tpu.memory_space<vmem>>
      %dma_start3A_674 = tpu.memref_squeeze %dma_start3A_673 : memref<1x8x128xf32, #tpu.memory_space<vmem>> -> memref<8x128xf32, #tpu.memory_space<vmem>>
      tpu.enqueue_dma source(%dma_start3A_674 : memref<8x128xf32, #tpu.memory_space<vmem>>) target(%dma_start3A_670 : memref<8x128xf32, #tpu.memory_space<hbm>>) target_semaphore(%dma_start3A_666 : memref<!tpu.dma_semaphore, #tpu.memory_space<semaphore_mem>>)
      %dma_start3A_675 = arith.constant 0 : i32
      %dma_start3A_676 = arith.constant 7 : i32
      %dma_start3A_677 = arith.constant 0 : i32
      %dma_start3A_678 = arith.constant 56 : i32
      %dma_start3A_679 = arith.constant 0 : i32
      %dma_start3A_680 = tpu.memref_slice %arg7[%dma_start3A_675, %dma_start3A_678, %dma_start3A_679] : memref<2x64x129xf32, #tpu.memory_space<vmem>> -> memref<1x8x128xf32, #tpu.memory_space<vmem>>
      %dma_start3A_681 = tpu.memref_squeeze %dma_start3A_680 : memref<1x8x128xf32, #tpu.memory_space<vmem>> -> memref<8x128xf32, #tpu.memory_space<vmem>>
      %dma_start3A_682 = arith.constant 0 : i32
      %dma_start3A_683 = arith.constant 0 : i32
      %dma_start3A_684 = tpu.memref_slice %arg4[%select_n3A_510, %dma_start3A_676, %select_n3A_527, %dma_start3A_682, %dma_start3A_683] : memref<50x8x128x8x128xf32, #tpu.memory_space<hbm>> -> memref<1x1x1x8x128xf32, #tpu.memory_space<hbm>>
      %dma_start3A_685 = tpu.memref_squeeze %dma_start3A_684 : memref<1x1x1x8x128xf32, #tpu.memory_space<hbm>> -> memref<8x128xf32, #tpu.memory_space<hbm>>
      %dma_start3A_686 = tpu.memref_slice %arg9[%dma_start3A_677] : memref<2x!tpu.dma_semaphore, #tpu.memory_space<semaphore_mem>> -> memref<1x!tpu.dma_semaphore, #tpu.memory_space<semaphore_mem>>
      %dma_start3A_687 = tpu.memref_squeeze %dma_start3A_686 : memref<1x!tpu.dma_semaphore, #tpu.memory_space<semaphore_mem>> -> memref<!tpu.dma_semaphore, #tpu.memory_space<semaphore_mem>>
      %dma_start3A_688 = arith.constant 0 : i32
      %dma_start3A_689 = arith.constant 0 : i32
      %dma_start3A_690 = tpu.memref_slice %arg4[%select_n3A_510, %dma_start3A_676, %select_n3A_527, %dma_start3A_688, %dma_start3A_689] : memref<50x8x128x8x128xf32, #tpu.memory_space<hbm>> -> memref<1x1x1x8x128xf32, #tpu.memory_space<hbm>>
      %dma_start3A_691 = tpu.memref_squeeze %dma_start3A_690 : memref<1x1x1x8x128xf32, #tpu.memory_space<hbm>> -> memref<8x128xf32, #tpu.memory_space<hbm>>
      %dma_start3A_692 = arith.constant 56 : i32
      %dma_start3A_693 = arith.constant 0 : i32
      %dma_start3A_694 = tpu.memref_slice %arg7[%dma_start3A_675, %dma_start3A_692, %dma_start3A_693] : memref<2x64x129xf32, #tpu.memory_space<vmem>> -> memref<1x8x128xf32, #tpu.memory_space<vmem>>
      %dma_start3A_695 = tpu.memref_squeeze %dma_start3A_694 : memref<1x8x128xf32, #tpu.memory_space<vmem>> -> memref<8x128xf32, #tpu.memory_space<vmem>>
      tpu.enqueue_dma source(%dma_start3A_695 : memref<8x128xf32, #tpu.memory_space<vmem>>) target(%dma_start3A_691 : memref<8x128xf32, #tpu.memory_space<hbm>>) target_semaphore(%dma_start3A_687 : memref<!tpu.dma_semaphore, #tpu.memory_space<semaphore_mem>>)
      %add3A_696 = arith.constant 2 : i32
      %add3A_697 = arith.addi %add3A_465, %add3A_696 : i32
      %add3A_698 = arith.constant 0 : i32
      %add3A_699 = arith.addi %add3A_697, %add3A_698 : i32
      %lt3A_700 = arith.constant 200 : i32
      %lt3A_701 = arith.cmpi slt, %add3A_699, %lt3A_700 : i32
      %convert_element_type3A_702 = arith.extui %lt3A_701 : i1 to i32
      %cond3A_703 = arith.constant 0 : i32
      %cond3A_704 = arith.cmpi ne, %convert_element_type3A_702, %cond3A_703 : i32
      scf.if %cond3A_704 {
        %add3A_948 = arith.constant 2 : i32
        %add3A_949 = arith.addi %add3A_467, %add3A_948 : i32
        %dma_start3A_950 = arith.constant 0 : i32
        %dma_start3A_951 = arith.constant 0 : i32
        %dma_start3A_952 = arith.constant 0 : i32
        %dma_start3A_953 = arith.constant 0 : i32
        %dma_start3A_954 = tpu.memref_slice %arg6[%dma_start3A_950, %dma_start3A_952, %dma_start3A_953] : memref<2x128x64xf32, #tpu.memory_space<vmem>> -> memref<1x128x64xf32, #tpu.memory_space<vmem>>
        %dma_start3A_955 = tpu.memref_squeeze %dma_start3A_954 : memref<1x128x64xf32, #tpu.memory_space<vmem>> -> memref<128x64xf32, #tpu.memory_space<vmem>>
        %dma_start3A_956 = arith.constant 0 : i32
        %dma_start3A_957 = tpu.memref_slice %arg5[%add3A_949, %dma_start3A_956] : memref<200x128xi32, #tpu.memory_space<vmem>> -> memref<1x128xi32, #tpu.memory_space<vmem>>
        %dma_start3A_958 = tpu.memref_squeeze %dma_start3A_957 : memref<1x128xi32, #tpu.memory_space<vmem>> -> memref<128xi32, #tpu.memory_space<vmem>>
        %dma_start3A_959 = arith.constant 0 : i32
        %dma_start3A_960 = arith.constant 0 : i32
        %dma_start3A_961 = tpu.memref_slice %arg2[%dma_start3A_959, %dma_start3A_960] : memref<1000000x64xf32, #tpu.memory_space<hbm>> -> memref<1000000x64xf32, #tpu.memory_space<hbm>>
        %dma_start3A_962 = tpu.memref_slice %arg8[%dma_start3A_951] : memref<2x!tpu.dma_semaphore, #tpu.memory_space<semaphore_mem>> -> memref<1x!tpu.dma_semaphore, #tpu.memory_space<semaphore_mem>>
        %dma_start3A_963 = tpu.memref_squeeze %dma_start3A_962 : memref<1x!tpu.dma_semaphore, #tpu.memory_space<semaphore_mem>> -> memref<!tpu.dma_semaphore, #tpu.memory_space<semaphore_mem>>
        tpu.enqueue_indirect_dma source(%dma_start3A_961 : memref<1000000x64xf32, #tpu.memory_space<hbm>>) target(%dma_start3A_955 : memref<128x64xf32, #tpu.memory_space<vmem>>) offsets(%dma_start3A_958 : memref<128xi32, #tpu.memory_space<vmem>>) semaphore(%dma_start3A_963 : memref<!tpu.dma_semaphore, #tpu.memory_space<semaphore_mem>>)
      } else {
      }
      %add3A_705 = arith.constant 1 : i32
      %add3A_706 = arith.addi %add3A_465, %add3A_705 : i32
      %dma_wait3A_707 = arith.constant 1 : i32
      %dma_wait3A_708 = arith.constant 1 : i32
      %dma_wait3A_709 = arith.constant 0 : i32
      %dma_wait3A_710 = arith.constant 0 : i32
      %dma_wait3A_711 = tpu.memref_slice %arg6[%dma_wait3A_707, %dma_wait3A_709, %dma_wait3A_710] : memref<2x128x64xf32, #tpu.memory_space<vmem>> -> memref<1x128x64xf32, #tpu.memory_space<vmem>>
      %dma_wait3A_712 = tpu.memref_squeeze %dma_wait3A_711 : memref<1x128x64xf32, #tpu.memory_space<vmem>> -> memref<128x64xf32, #tpu.memory_space<vmem>>
      %dma_wait3A_713 = arith.constant 0 : i32
      %dma_wait3A_714 = tpu.memref_slice %arg5[%add3A_706, %dma_wait3A_713] : memref<200x128xi32, #tpu.memory_space<vmem>> -> memref<1x128xi32, #tpu.memory_space<vmem>>
      %dma_wait3A_715 = tpu.memref_squeeze %dma_wait3A_714 : memref<1x128xi32, #tpu.memory_space<vmem>> -> memref<128xi32, #tpu.memory_space<vmem>>
      %dma_wait3A_716 = arith.constant 0 : i32
      %dma_wait3A_717 = arith.constant 0 : i32
      %dma_wait3A_718 = tpu.memref_slice %arg2[%dma_wait3A_716, %dma_wait3A_717] : memref<1000000x64xf32, #tpu.memory_space<hbm>> -> memref<1000000x64xf32, #tpu.memory_space<hbm>>
      %dma_wait3A_719 = tpu.memref_slice %arg8[%dma_wait3A_708] : memref<2x!tpu.dma_semaphore, #tpu.memory_space<semaphore_mem>> -> memref<1x!tpu.dma_semaphore, #tpu.memory_space<semaphore_mem>>
      %dma_wait3A_720 = tpu.memref_squeeze %dma_wait3A_719 : memref<1x!tpu.dma_semaphore, #tpu.memory_space<semaphore_mem>> -> memref<!tpu.dma_semaphore, #tpu.memory_space<semaphore_mem>>
      tpu.wait_indirect_dma semaphore(%dma_wait3A_720 : memref<!tpu.dma_semaphore, #tpu.memory_space<semaphore_mem>>) src(%dma_wait3A_718 : memref<1000000x64xf32, #tpu.memory_space<hbm>>) dst(%dma_wait3A_712 : memref<128x64xf32, #tpu.memory_space<vmem>>)
      %ge3A_721 = arith.constant 2 : i32
      %ge3A_722 = arith.cmpi sge, %add3A_465, %ge3A_721 : i32
      %convert_element_type3A_723 = arith.extui %ge3A_722 : i1 to i32
      %cond3A_724 = arith.constant 0 : i32
      %cond3A_725 = arith.cmpi ne, %convert_element_type3A_723, %cond3A_724 : i32
      scf.if %cond3A_725 {
        %sub3A_948 = arith.constant 2 : i32
        %sub3A_949 = arith.subi %add3A_706, %sub3A_948 : i32
        %add3A_950 = arith.addi %mul3A_2, %sub3A_949 : i32
        %jit3A_951 = arith.constant 128 : i32
        %div3A_952 = arith.divsi %add3A_950, %jit3A_951 : i32
        %sign3A_953 = arith.constant 0 : i32
        %sign3A_954 = arith.cmpi sgt, %add3A_950, %sign3A_953 : i32
        %sign3A_955 = arith.extui %sign3A_954 : i1 to i32
        %sign3A_956 = arith.constant 0 : i32
        %sign3A_957 = arith.cmpi slt, %add3A_950, %sign3A_956 : i32
        %sign3A_958 = arith.extui %sign3A_957 : i1 to i32
        %sign3A_959 = arith.subi %sign3A_955, %sign3A_958 : i32
        %sign3A_960 = arith.constant 0 : i32
        %sign3A_961 = arith.cmpi sgt, %jit3A_951, %sign3A_960 : i32
        %sign3A_962 = arith.extui %sign3A_961 : i1 to i32
        %sign3A_963 = arith.constant 0 : i32
        %sign3A_964 = arith.cmpi slt, %jit3A_951, %sign3A_963 : i32
        %sign3A_965 = arith.extui %sign3A_964 : i1 to i32
        %sign3A_966 = arith.subi %sign3A_962, %sign3A_965 : i32
        %ne3A_967 = arith.cmpi ne, %sign3A_959, %sign3A_966 : i32
        %rem3A_968 = arith.remsi %add3A_950, %jit3A_951 : i32
        %ne3A_969 = arith.constant 0 : i32
        %ne3A_970 = arith.cmpi ne, %rem3A_968, %ne3A_969 : i32
        %and3A_971 = arith.andi %ne3A_967, %ne3A_970 : i1
        %sub3A_972 = arith.constant 1 : i32
        %sub3A_973 = arith.subi %div3A_952, %sub3A_972 : i32
        %select_n3A_974 = arith.select %and3A_971, %sub3A_973, %div3A_952 : i32
        %add3A_975 = arith.addi %mul3A_2, %sub3A_949 : i32
        %jit3A_976 = arith.constant 128 : i32
        %eq3A_977 = arith.constant 0 : i32
        %eq3A_978 = arith.cmpi eq, %jit3A_976, %eq3A_977 : i32
        %jit3A_979 = arith.constant 1 : i32
        %select_n3A_980 = arith.select %eq3A_978, %jit3A_979, %jit3A_976 : i32
        %rem3A_981 = arith.remsi %add3A_975, %select_n3A_980 : i32
        %ne3A_982 = arith.constant 0 : i32
        %ne3A_983 = arith.cmpi ne, %rem3A_981, %ne3A_982 : i32
        %lt3A_984 = arith.constant 0 : i32
        %lt3A_985 = arith.cmpi slt, %rem3A_981, %lt3A_984 : i32
        %lt3A_986 = arith.constant 0 : i32
        %lt3A_987 = arith.cmpi slt, %select_n3A_980, %lt3A_986 : i32
        %ne3A_988 = arith.xori %lt3A_985, %lt3A_987 : i1
        %and3A_989 = arith.andi %ne3A_988, %ne3A_983 : i1
        %add3A_990 = arith.addi %rem3A_981, %select_n3A_980 : i32
        %select_n3A_991 = arith.select %and3A_989, %add3A_990, %rem3A_981 : i32
        %dma_wait3A_992 = arith.constant 1 : i32
        %dma_wait3A_993 = arith.constant 0 : i32
        %dma_wait3A_994 = arith.constant 1 : i32
        %dma_wait3A_995 = arith.constant 0 : i32
        %dma_wait3A_996 = arith.constant 0 : i32
        %dma_wait3A_997 = tpu.memref_slice %arg7[%dma_wait3A_992, %dma_wait3A_995, %dma_wait3A_996] : memref<2x64x129xf32, #tpu.memory_space<vmem>> -> memref<1x8x128xf32, #tpu.memory_space<vmem>>
        %dma_wait3A_998 = tpu.memref_squeeze %dma_wait3A_997 : memref<1x8x128xf32, #tpu.memory_space<vmem>> -> memref<8x128xf32, #tpu.memory_space<vmem>>
        %dma_wait3A_999 = arith.constant 0 : i32
        %dma_wait3A_1000 = arith.constant 0 : i32
        %dma_wait3A_1001 = tpu.memref_slice %arg4[%select_n3A_974, %dma_wait3A_993, %select_n3A_991, %dma_wait3A_999, %dma_wait3A_1000] : memref<50x8x128x8x128xf32, #tpu.memory_space<hbm>> -> memref<1x1x1x8x128xf32, #tpu.memory_space<hbm>>
        %dma_wait3A_1002 = tpu.memref_squeeze %dma_wait3A_1001 : memref<1x1x1x8x128xf32, #tpu.memory_space<hbm>> -> memref<8x128xf32, #tpu.memory_space<hbm>>
        %dma_wait3A_1003 = tpu.memref_slice %arg9[%dma_wait3A_994] : memref<2x!tpu.dma_semaphore, #tpu.memory_space<semaphore_mem>> -> memref<1x!tpu.dma_semaphore, #tpu.memory_space<semaphore_mem>>
        %dma_wait3A_1004 = tpu.memref_squeeze %dma_wait3A_1003 : memref<1x!tpu.dma_semaphore, #tpu.memory_space<semaphore_mem>> -> memref<!tpu.dma_semaphore, #tpu.memory_space<semaphore_mem>>
        %dma_wait3A_1005 = arith.constant 0 : i32
        %dma_wait3A_1006 = arith.constant 0 : i32
        %dma_wait3A_1007 = tpu.memref_slice %arg4[%select_n3A_974, %dma_wait3A_993, %select_n3A_991, %dma_wait3A_1005, %dma_wait3A_1006] : memref<50x8x128x8x128xf32, #tpu.memory_space<hbm>> -> memref<1x1x1x8x128xf32, #tpu.memory_space<hbm>>
        %dma_wait3A_1008 = tpu.memref_squeeze %dma_wait3A_1007 : memref<1x1x1x8x128xf32, #tpu.memory_space<hbm>> -> memref<8x128xf32, #tpu.memory_space<hbm>>
        %dma_wait3A_1009 = arith.constant 0 : i32
        %dma_wait3A_1010 = arith.constant 0 : i32
        %dma_wait3A_1011 = tpu.memref_slice %arg7[%dma_wait3A_992, %dma_wait3A_1009, %dma_wait3A_1010] : memref<2x64x129xf32, #tpu.memory_space<vmem>> -> memref<1x8x128xf32, #tpu.memory_space<vmem>>
        %dma_wait3A_1012 = tpu.memref_squeeze %dma_wait3A_1011 : memref<1x8x128xf32, #tpu.memory_space<vmem>> -> memref<8x128xf32, #tpu.memory_space<vmem>>
        tpu.wait_dma2 semaphore(%dma_wait3A_1004 : memref<!tpu.dma_semaphore, #tpu.memory_space<semaphore_mem>>) src(%dma_wait3A_1012 : memref<8x128xf32, #tpu.memory_space<vmem>>) dst(%dma_wait3A_1008 : memref<8x128xf32, #tpu.memory_space<hbm>>)
        %dma_wait3A_1013 = arith.constant 1 : i32
        %dma_wait3A_1014 = arith.constant 1 : i32
        %dma_wait3A_1015 = arith.constant 1 : i32
        %dma_wait3A_1016 = arith.constant 8 : i32
        %dma_wait3A_1017 = arith.constant 0 : i32
        %dma_wait3A_1018 = tpu.memref_slice %arg7[%dma_wait3A_1013, %dma_wait3A_1016, %dma_wait3A_1017] : memref<2x64x129xf32, #tpu.memory_space<vmem>> -> memref<1x8x128xf32, #tpu.memory_space<vmem>>
        %dma_wait3A_1019 = tpu.memref_squeeze %dma_wait3A_1018 : memref<1x8x128xf32, #tpu.memory_space<vmem>> -> memref<8x128xf32, #tpu.memory_space<vmem>>
        %dma_wait3A_1020 = arith.constant 0 : i32
        %dma_wait3A_1021 = arith.constant 0 : i32
        %dma_wait3A_1022 = tpu.memref_slice %arg4[%select_n3A_974, %dma_wait3A_1014, %select_n3A_991, %dma_wait3A_1020, %dma_wait3A_1021] : memref<50x8x128x8x128xf32, #tpu.memory_space<hbm>> -> memref<1x1x1x8x128xf32, #tpu.memory_space<hbm>>
        %dma_wait3A_1023 = tpu.memref_squeeze %dma_wait3A_1022 : memref<1x1x1x8x128xf32, #tpu.memory_space<hbm>> -> memref<8x128xf32, #tpu.memory_space<hbm>>
        %dma_wait3A_1024 = tpu.memref_slice %arg9[%dma_wait3A_1015] : memref<2x!tpu.dma_semaphore, #tpu.memory_space<semaphore_mem>> -> memref<1x!tpu.dma_semaphore, #tpu.memory_space<semaphore_mem>>
        %dma_wait3A_1025 = tpu.memref_squeeze %dma_wait3A_1024 : memref<1x!tpu.dma_semaphore, #tpu.memory_space<semaphore_mem>> -> memref<!tpu.dma_semaphore, #tpu.memory_space<semaphore_mem>>
        %dma_wait3A_1026 = arith.constant 0 : i32
        %dma_wait3A_1027 = arith.constant 0 : i32
        %dma_wait3A_1028 = tpu.memref_slice %arg4[%select_n3A_974, %dma_wait3A_1014, %select_n3A_991, %dma_wait3A_1026, %dma_wait3A_1027] : memref<50x8x128x8x128xf32, #tpu.memory_space<hbm>> -> memref<1x1x1x8x128xf32, #tpu.memory_space<hbm>>
        %dma_wait3A_1029 = tpu.memref_squeeze %dma_wait3A_1028 : memref<1x1x1x8x128xf32, #tpu.memory_space<hbm>> -> memref<8x128xf32, #tpu.memory_space<hbm>>
        %dma_wait3A_1030 = arith.constant 8 : i32
        %dma_wait3A_1031 = arith.constant 0 : i32
        %dma_wait3A_1032 = tpu.memref_slice %arg7[%dma_wait3A_1013, %dma_wait3A_1030, %dma_wait3A_1031] : memref<2x64x129xf32, #tpu.memory_space<vmem>> -> memref<1x8x128xf32, #tpu.memory_space<vmem>>
        %dma_wait3A_1033 = tpu.memref_squeeze %dma_wait3A_1032 : memref<1x8x128xf32, #tpu.memory_space<vmem>> -> memref<8x128xf32, #tpu.memory_space<vmem>>
        tpu.wait_dma2 semaphore(%dma_wait3A_1025 : memref<!tpu.dma_semaphore, #tpu.memory_space<semaphore_mem>>) src(%dma_wait3A_1033 : memref<8x128xf32, #tpu.memory_space<vmem>>) dst(%dma_wait3A_1029 : memref<8x128xf32, #tpu.memory_space<hbm>>)
        %dma_wait3A_1034 = arith.constant 1 : i32
        %dma_wait3A_1035 = arith.constant 2 : i32
        %dma_wait3A_1036 = arith.constant 1 : i32
        %dma_wait3A_1037 = arith.constant 16 : i32
        %dma_wait3A_1038 = arith.constant 0 : i32
        %dma_wait3A_1039 = tpu.memref_slice %arg7[%dma_wait3A_1034, %dma_wait3A_1037, %dma_wait3A_1038] : memref<2x64x129xf32, #tpu.memory_space<vmem>> -> memref<1x8x128xf32, #tpu.memory_space<vmem>>
        %dma_wait3A_1040 = tpu.memref_squeeze %dma_wait3A_1039 : memref<1x8x128xf32, #tpu.memory_space<vmem>> -> memref<8x128xf32, #tpu.memory_space<vmem>>
        %dma_wait3A_1041 = arith.constant 0 : i32
        %dma_wait3A_1042 = arith.constant 0 : i32
        %dma_wait3A_1043 = tpu.memref_slice %arg4[%select_n3A_974, %dma_wait3A_1035, %select_n3A_991, %dma_wait3A_1041, %dma_wait3A_1042] : memref<50x8x128x8x128xf32, #tpu.memory_space<hbm>> -> memref<1x1x1x8x128xf32, #tpu.memory_space<hbm>>
        %dma_wait3A_1044 = tpu.memref_squeeze %dma_wait3A_1043 : memref<1x1x1x8x128xf32, #tpu.memory_space<hbm>> -> memref<8x128xf32, #tpu.memory_space<hbm>>
        %dma_wait3A_1045 = tpu.memref_slice %arg9[%dma_wait3A_1036] : memref<2x!tpu.dma_semaphore, #tpu.memory_space<semaphore_mem>> -> memref<1x!tpu.dma_semaphore, #tpu.memory_space<semaphore_mem>>
        %dma_wait3A_1046 = tpu.memref_squeeze %dma_wait3A_1045 : memref<1x!tpu.dma_semaphore, #tpu.memory_space<semaphore_mem>> -> memref<!tpu.dma_semaphore, #tpu.memory_space<semaphore_mem>>
        %dma_wait3A_1047 = arith.constant 0 : i32
        %dma_wait3A_1048 = arith.constant 0 : i32
        %dma_wait3A_1049 = tpu.memref_slice %arg4[%select_n3A_974, %dma_wait3A_1035, %select_n3A_991, %dma_wait3A_1047, %dma_wait3A_1048] : memref<50x8x128x8x128xf32, #tpu.memory_space<hbm>> -> memref<1x1x1x8x128xf32, #tpu.memory_space<hbm>>
        %dma_wait3A_1050 = tpu.memref_squeeze %dma_wait3A_1049 : memref<1x1x1x8x128xf32, #tpu.memory_space<hbm>> -> memref<8x128xf32, #tpu.memory_space<hbm>>
        %dma_wait3A_1051 = arith.constant 16 : i32
        %dma_wait3A_1052 = arith.constant 0 : i32
        %dma_wait3A_1053 = tpu.memref_slice %arg7[%dma_wait3A_1034, %dma_wait3A_1051, %dma_wait3A_1052] : memref<2x64x129xf32, #tpu.memory_space<vmem>> -> memref<1x8x128xf32, #tpu.memory_space<vmem>>
        %dma_wait3A_1054 = tpu.memref_squeeze %dma_wait3A_1053 : memref<1x8x128xf32, #tpu.memory_space<vmem>> -> memref<8x128xf32, #tpu.memory_space<vmem>>
        tpu.wait_dma2 semaphore(%dma_wait3A_1046 : memref<!tpu.dma_semaphore, #tpu.memory_space<semaphore_mem>>) src(%dma_wait3A_1054 : memref<8x128xf32, #tpu.memory_space<vmem>>) dst(%dma_wait3A_1050 : memref<8x128xf32, #tpu.memory_space<hbm>>)
        %dma_wait3A_1055 = arith.constant 1 : i32
        %dma_wait3A_1056 = arith.constant 3 : i32
        %dma_wait3A_1057 = arith.constant 1 : i32
        %dma_wait3A_1058 = arith.constant 24 : i32
        %dma_wait3A_1059 = arith.constant 0 : i32
        %dma_wait3A_1060 = tpu.memref_slice %arg7[%dma_wait3A_1055, %dma_wait3A_1058, %dma_wait3A_1059] : memref<2x64x129xf32, #tpu.memory_space<vmem>> -> memref<1x8x128xf32, #tpu.memory_space<vmem>>
        %dma_wait3A_1061 = tpu.memref_squeeze %dma_wait3A_1060 : memref<1x8x128xf32, #tpu.memory_space<vmem>> -> memref<8x128xf32, #tpu.memory_space<vmem>>
        %dma_wait3A_1062 = arith.constant 0 : i32
        %dma_wait3A_1063 = arith.constant 0 : i32
        %dma_wait3A_1064 = tpu.memref_slice %arg4[%select_n3A_974, %dma_wait3A_1056, %select_n3A_991, %dma_wait3A_1062, %dma_wait3A_1063] : memref<50x8x128x8x128xf32, #tpu.memory_space<hbm>> -> memref<1x1x1x8x128xf32, #tpu.memory_space<hbm>>
        %dma_wait3A_1065 = tpu.memref_squeeze %dma_wait3A_1064 : memref<1x1x1x8x128xf32, #tpu.memory_space<hbm>> -> memref<8x128xf32, #tpu.memory_space<hbm>>
        %dma_wait3A_1066 = tpu.memref_slice %arg9[%dma_wait3A_1057] : memref<2x!tpu.dma_semaphore, #tpu.memory_space<semaphore_mem>> -> memref<1x!tpu.dma_semaphore, #tpu.memory_space<semaphore_mem>>
        %dma_wait3A_1067 = tpu.memref_squeeze %dma_wait3A_1066 : memref<1x!tpu.dma_semaphore, #tpu.memory_space<semaphore_mem>> -> memref<!tpu.dma_semaphore, #tpu.memory_space<semaphore_mem>>
        %dma_wait3A_1068 = arith.constant 0 : i32
        %dma_wait3A_1069 = arith.constant 0 : i32
        %dma_wait3A_1070 = tpu.memref_slice %arg4[%select_n3A_974, %dma_wait3A_1056, %select_n3A_991, %dma_wait3A_1068, %dma_wait3A_1069] : memref<50x8x128x8x128xf32, #tpu.memory_space<hbm>> -> memref<1x1x1x8x128xf32, #tpu.memory_space<hbm>>
        %dma_wait3A_1071 = tpu.memref_squeeze %dma_wait3A_1070 : memref<1x1x1x8x128xf32, #tpu.memory_space<hbm>> -> memref<8x128xf32, #tpu.memory_space<hbm>>
        %dma_wait3A_1072 = arith.constant 24 : i32
        %dma_wait3A_1073 = arith.constant 0 : i32
        %dma_wait3A_1074 = tpu.memref_slice %arg7[%dma_wait3A_1055, %dma_wait3A_1072, %dma_wait3A_1073] : memref<2x64x129xf32, #tpu.memory_space<vmem>> -> memref<1x8x128xf32, #tpu.memory_space<vmem>>
        %dma_wait3A_1075 = tpu.memref_squeeze %dma_wait3A_1074 : memref<1x8x128xf32, #tpu.memory_space<vmem>> -> memref<8x128xf32, #tpu.memory_space<vmem>>
        tpu.wait_dma2 semaphore(%dma_wait3A_1067 : memref<!tpu.dma_semaphore, #tpu.memory_space<semaphore_mem>>) src(%dma_wait3A_1075 : memref<8x128xf32, #tpu.memory_space<vmem>>) dst(%dma_wait3A_1071 : memref<8x128xf32, #tpu.memory_space<hbm>>)
        %dma_wait3A_1076 = arith.constant 1 : i32
        %dma_wait3A_1077 = arith.constant 4 : i32
        %dma_wait3A_1078 = arith.constant 1 : i32
        %dma_wait3A_1079 = arith.constant 32 : i32
        %dma_wait3A_1080 = arith.constant 0 : i32
        %dma_wait3A_1081 = tpu.memref_slice %arg7[%dma_wait3A_1076, %dma_wait3A_1079, %dma_wait3A_1080] : memref<2x64x129xf32, #tpu.memory_space<vmem>> -> memref<1x8x128xf32, #tpu.memory_space<vmem>>
        %dma_wait3A_1082 = tpu.memref_squeeze %dma_wait3A_1081 : memref<1x8x128xf32, #tpu.memory_space<vmem>> -> memref<8x128xf32, #tpu.memory_space<vmem>>
        %dma_wait3A_1083 = arith.constant 0 : i32
        %dma_wait3A_1084 = arith.constant 0 : i32
        %dma_wait3A_1085 = tpu.memref_slice %arg4[%select_n3A_974, %dma_wait3A_1077, %select_n3A_991, %dma_wait3A_1083, %dma_wait3A_1084] : memref<50x8x128x8x128xf32, #tpu.memory_space<hbm>> -> memref<1x1x1x8x128xf32, #tpu.memory_space<hbm>>
        %dma_wait3A_1086 = tpu.memref_squeeze %dma_wait3A_1085 : memref<1x1x1x8x128xf32, #tpu.memory_space<hbm>> -> memref<8x128xf32, #tpu.memory_space<hbm>>
        %dma_wait3A_1087 = tpu.memref_slice %arg9[%dma_wait3A_1078] : memref<2x!tpu.dma_semaphore, #tpu.memory_space<semaphore_mem>> -> memref<1x!tpu.dma_semaphore, #tpu.memory_space<semaphore_mem>>
        %dma_wait3A_1088 = tpu.memref_squeeze %dma_wait3A_1087 : memref<1x!tpu.dma_semaphore, #tpu.memory_space<semaphore_mem>> -> memref<!tpu.dma_semaphore, #tpu.memory_space<semaphore_mem>>
        %dma_wait3A_1089 = arith.constant 0 : i32
        %dma_wait3A_1090 = arith.constant 0 : i32
        %dma_wait3A_1091 = tpu.memref_slice %arg4[%select_n3A_974, %dma_wait3A_1077, %select_n3A_991, %dma_wait3A_1089, %dma_wait3A_1090] : memref<50x8x128x8x128xf32, #tpu.memory_space<hbm>> -> memref<1x1x1x8x128xf32, #tpu.memory_space<hbm>>
        %dma_wait3A_1092 = tpu.memref_squeeze %dma_wait3A_1091 : memref<1x1x1x8x128xf32, #tpu.memory_space<hbm>> -> memref<8x128xf32, #tpu.memory_space<hbm>>
        %dma_wait3A_1093 = arith.constant 32 : i32
        %dma_wait3A_1094 = arith.constant 0 : i32
        %dma_wait3A_1095 = tpu.memref_slice %arg7[%dma_wait3A_1076, %dma_wait3A_1093, %dma_wait3A_1094] : memref<2x64x129xf32, #tpu.memory_space<vmem>> -> memref<1x8x128xf32, #tpu.memory_space<vmem>>
        %dma_wait3A_1096 = tpu.memref_squeeze %dma_wait3A_1095 : memref<1x8x128xf32, #tpu.memory_space<vmem>> -> memref<8x128xf32, #tpu.memory_space<vmem>>
        tpu.wait_dma2 semaphore(%dma_wait3A_1088 : memref<!tpu.dma_semaphore, #tpu.memory_space<semaphore_mem>>) src(%dma_wait3A_1096 : memref<8x128xf32, #tpu.memory_space<vmem>>) dst(%dma_wait3A_1092 : memref<8x128xf32, #tpu.memory_space<hbm>>)
        %dma_wait3A_1097 = arith.constant 1 : i32
        %dma_wait3A_1098 = arith.constant 5 : i32
        %dma_wait3A_1099 = arith.constant 1 : i32
        %dma_wait3A_1100 = arith.constant 40 : i32
        %dma_wait3A_1101 = arith.constant 0 : i32
        %dma_wait3A_1102 = tpu.memref_slice %arg7[%dma_wait3A_1097, %dma_wait3A_1100, %dma_wait3A_1101] : memref<2x64x129xf32, #tpu.memory_space<vmem>> -> memref<1x8x128xf32, #tpu.memory_space<vmem>>
        %dma_wait3A_1103 = tpu.memref_squeeze %dma_wait3A_1102 : memref<1x8x128xf32, #tpu.memory_space<vmem>> -> memref<8x128xf32, #tpu.memory_space<vmem>>
        %dma_wait3A_1104 = arith.constant 0 : i32
        %dma_wait3A_1105 = arith.constant 0 : i32
        %dma_wait3A_1106 = tpu.memref_slice %arg4[%select_n3A_974, %dma_wait3A_1098, %select_n3A_991, %dma_wait3A_1104, %dma_wait3A_1105] : memref<50x8x128x8x128xf32, #tpu.memory_space<hbm>> -> memref<1x1x1x8x128xf32, #tpu.memory_space<hbm>>
        %dma_wait3A_1107 = tpu.memref_squeeze %dma_wait3A_1106 : memref<1x1x1x8x128xf32, #tpu.memory_space<hbm>> -> memref<8x128xf32, #tpu.memory_space<hbm>>
        %dma_wait3A_1108 = tpu.memref_slice %arg9[%dma_wait3A_1099] : memref<2x!tpu.dma_semaphore, #tpu.memory_space<semaphore_mem>> -> memref<1x!tpu.dma_semaphore, #tpu.memory_space<semaphore_mem>>
        %dma_wait3A_1109 = tpu.memref_squeeze %dma_wait3A_1108 : memref<1x!tpu.dma_semaphore, #tpu.memory_space<semaphore_mem>> -> memref<!tpu.dma_semaphore, #tpu.memory_space<semaphore_mem>>
        %dma_wait3A_1110 = arith.constant 0 : i32
        %dma_wait3A_1111 = arith.constant 0 : i32
        %dma_wait3A_1112 = tpu.memref_slice %arg4[%select_n3A_974, %dma_wait3A_1098, %select_n3A_991, %dma_wait3A_1110, %dma_wait3A_1111] : memref<50x8x128x8x128xf32, #tpu.memory_space<hbm>> -> memref<1x1x1x8x128xf32, #tpu.memory_space<hbm>>
        %dma_wait3A_1113 = tpu.memref_squeeze %dma_wait3A_1112 : memref<1x1x1x8x128xf32, #tpu.memory_space<hbm>> -> memref<8x128xf32, #tpu.memory_space<hbm>>
        %dma_wait3A_1114 = arith.constant 40 : i32
        %dma_wait3A_1115 = arith.constant 0 : i32
        %dma_wait3A_1116 = tpu.memref_slice %arg7[%dma_wait3A_1097, %dma_wait3A_1114, %dma_wait3A_1115] : memref<2x64x129xf32, #tpu.memory_space<vmem>> -> memref<1x8x128xf32, #tpu.memory_space<vmem>>
        %dma_wait3A_1117 = tpu.memref_squeeze %dma_wait3A_1116 : memref<1x8x128xf32, #tpu.memory_space<vmem>> -> memref<8x128xf32, #tpu.memory_space<vmem>>
        tpu.wait_dma2 semaphore(%dma_wait3A_1109 : memref<!tpu.dma_semaphore, #tpu.memory_space<semaphore_mem>>) src(%dma_wait3A_1117 : memref<8x128xf32, #tpu.memory_space<vmem>>) dst(%dma_wait3A_1113 : memref<8x128xf32, #tpu.memory_space<hbm>>)
        %dma_wait3A_1118 = arith.constant 1 : i32
        %dma_wait3A_1119 = arith.constant 6 : i32
        %dma_wait3A_1120 = arith.constant 1 : i32
        %dma_wait3A_1121 = arith.constant 48 : i32
        %dma_wait3A_1122 = arith.constant 0 : i32
        %dma_wait3A_1123 = tpu.memref_slice %arg7[%dma_wait3A_1118, %dma_wait3A_1121, %dma_wait3A_1122] : memref<2x64x129xf32, #tpu.memory_space<vmem>> -> memref<1x8x128xf32, #tpu.memory_space<vmem>>
        %dma_wait3A_1124 = tpu.memref_squeeze %dma_wait3A_1123 : memref<1x8x128xf32, #tpu.memory_space<vmem>> -> memref<8x128xf32, #tpu.memory_space<vmem>>
        %dma_wait3A_1125 = arith.constant 0 : i32
        %dma_wait3A_1126 = arith.constant 0 : i32
        %dma_wait3A_1127 = tpu.memref_slice %arg4[%select_n3A_974, %dma_wait3A_1119, %select_n3A_991, %dma_wait3A_1125, %dma_wait3A_1126] : memref<50x8x128x8x128xf32, #tpu.memory_space<hbm>> -> memref<1x1x1x8x128xf32, #tpu.memory_space<hbm>>
        %dma_wait3A_1128 = tpu.memref_squeeze %dma_wait3A_1127 : memref<1x1x1x8x128xf32, #tpu.memory_space<hbm>> -> memref<8x128xf32, #tpu.memory_space<hbm>>
        %dma_wait3A_1129 = tpu.memref_slice %arg9[%dma_wait3A_1120] : memref<2x!tpu.dma_semaphore, #tpu.memory_space<semaphore_mem>> -> memref<1x!tpu.dma_semaphore, #tpu.memory_space<semaphore_mem>>
        %dma_wait3A_1130 = tpu.memref_squeeze %dma_wait3A_1129 : memref<1x!tpu.dma_semaphore, #tpu.memory_space<semaphore_mem>> -> memref<!tpu.dma_semaphore, #tpu.memory_space<semaphore_mem>>
        %dma_wait3A_1131 = arith.constant 0 : i32
        %dma_wait3A_1132 = arith.constant 0 : i32
        %dma_wait3A_1133 = tpu.memref_slice %arg4[%select_n3A_974, %dma_wait3A_1119, %select_n3A_991, %dma_wait3A_1131, %dma_wait3A_1132] : memref<50x8x128x8x128xf32, #tpu.memory_space<hbm>> -> memref<1x1x1x8x128xf32, #tpu.memory_space<hbm>>
        %dma_wait3A_1134 = tpu.memref_squeeze %dma_wait3A_1133 : memref<1x1x1x8x128xf32, #tpu.memory_space<hbm>> -> memref<8x128xf32, #tpu.memory_space<hbm>>
        %dma_wait3A_1135 = arith.constant 48 : i32
        %dma_wait3A_1136 = arith.constant 0 : i32
        %dma_wait3A_1137 = tpu.memref_slice %arg7[%dma_wait3A_1118, %dma_wait3A_1135, %dma_wait3A_1136] : memref<2x64x129xf32, #tpu.memory_space<vmem>> -> memref<1x8x128xf32, #tpu.memory_space<vmem>>
        %dma_wait3A_1138 = tpu.memref_squeeze %dma_wait3A_1137 : memref<1x8x128xf32, #tpu.memory_space<vmem>> -> memref<8x128xf32, #tpu.memory_space<vmem>>
        tpu.wait_dma2 semaphore(%dma_wait3A_1130 : memref<!tpu.dma_semaphore, #tpu.memory_space<semaphore_mem>>) src(%dma_wait3A_1138 : memref<8x128xf32, #tpu.memory_space<vmem>>) dst(%dma_wait3A_1134 : memref<8x128xf32, #tpu.memory_space<hbm>>)
        %dma_wait3A_1139 = arith.constant 1 : i32
        %dma_wait3A_1140 = arith.constant 7 : i32
        %dma_wait3A_1141 = arith.constant 1 : i32
        %dma_wait3A_1142 = arith.constant 56 : i32
        %dma_wait3A_1143 = arith.constant 0 : i32
        %dma_wait3A_1144 = tpu.memref_slice %arg7[%dma_wait3A_1139, %dma_wait3A_1142, %dma_wait3A_1143] : memref<2x64x129xf32, #tpu.memory_space<vmem>> -> memref<1x8x128xf32, #tpu.memory_space<vmem>>
        %dma_wait3A_1145 = tpu.memref_squeeze %dma_wait3A_1144 : memref<1x8x128xf32, #tpu.memory_space<vmem>> -> memref<8x128xf32, #tpu.memory_space<vmem>>
        %dma_wait3A_1146 = arith.constant 0 : i32
        %dma_wait3A_1147 = arith.constant 0 : i32
        %dma_wait3A_1148 = tpu.memref_slice %arg4[%select_n3A_974, %dma_wait3A_1140, %select_n3A_991, %dma_wait3A_1146, %dma_wait3A_1147] : memref<50x8x128x8x128xf32, #tpu.memory_space<hbm>> -> memref<1x1x1x8x128xf32, #tpu.memory_space<hbm>>
        %dma_wait3A_1149 = tpu.memref_squeeze %dma_wait3A_1148 : memref<1x1x1x8x128xf32, #tpu.memory_space<hbm>> -> memref<8x128xf32, #tpu.memory_space<hbm>>
        %dma_wait3A_1150 = tpu.memref_slice %arg9[%dma_wait3A_1141] : memref<2x!tpu.dma_semaphore, #tpu.memory_space<semaphore_mem>> -> memref<1x!tpu.dma_semaphore, #tpu.memory_space<semaphore_mem>>
        %dma_wait3A_1151 = tpu.memref_squeeze %dma_wait3A_1150 : memref<1x!tpu.dma_semaphore, #tpu.memory_space<semaphore_mem>> -> memref<!tpu.dma_semaphore, #tpu.memory_space<semaphore_mem>>
        %dma_wait3A_1152 = arith.constant 0 : i32
        %dma_wait3A_1153 = arith.constant 0 : i32
        %dma_wait3A_1154 = tpu.memref_slice %arg4[%select_n3A_974, %dma_wait3A_1140, %select_n3A_991, %dma_wait3A_1152, %dma_wait3A_1153] : memref<50x8x128x8x128xf32, #tpu.memory_space<hbm>> -> memref<1x1x1x8x128xf32, #tpu.memory_space<hbm>>
        %dma_wait3A_1155 = tpu.memref_squeeze %dma_wait3A_1154 : memref<1x1x1x8x128xf32, #tpu.memory_space<hbm>> -> memref<8x128xf32, #tpu.memory_space<hbm>>
        %dma_wait3A_1156 = arith.constant 56 : i32
        %dma_wait3A_1157 = arith.constant 0 : i32
        %dma_wait3A_1158 = tpu.memref_slice %arg7[%dma_wait3A_1139, %dma_wait3A_1156, %dma_wait3A_1157] : memref<2x64x129xf32, #tpu.memory_space<vmem>> -> memref<1x8x128xf32, #tpu.memory_space<vmem>>
        %dma_wait3A_1159 = tpu.memref_squeeze %dma_wait3A_1158 : memref<1x8x128xf32, #tpu.memory_space<vmem>> -> memref<8x128xf32, #tpu.memory_space<vmem>>
        tpu.wait_dma2 semaphore(%dma_wait3A_1151 : memref<!tpu.dma_semaphore, #tpu.memory_space<semaphore_mem>>) src(%dma_wait3A_1159 : memref<8x128xf32, #tpu.memory_space<vmem>>) dst(%dma_wait3A_1155 : memref<8x128xf32, #tpu.memory_space<hbm>>)
      } else {
      }
      %parallel_loop3A_726 = arith.constant 0 : i32
      %parallel_loop3A_727 = arith.constant 128 : i32
      %parallel_loop3A_728 = arith.constant 1 : i32
      scf.for %parallel_loop3A_948 = %parallel_loop3A_726 to %parallel_loop3A_727 step %parallel_loop3A_728  : i32 {
        %parallel_loop3A_949 = arith.constant 0 : i32
        %parallel_loop3A_950 = vector.broadcast %parallel_loop3A_949 : i32 to vector<16xi32>
        %parallel_loop3A_951 = vector.broadcast %parallel_loop3A_948 : i32 to vector<16xi32>
        %parallel_loop3A_952 = arith.addi %parallel_loop3A_950, %parallel_loop3A_951 : vector<16xi32>
        %parallel_loop3A_953 = arith.constant 1 : i32
        %parallel_loop3A_954 = arith.index_cast %parallel_loop3A_953 : i32 to index
        %parallel_loop3A_955 = arith.index_cast %parallel_loop3A_948 : i32 to index
        %parallel_loop3A_956 = arith.constant 0 : index
        %parallel_loop3A_957 = tpu.vector_load %arg6[%parallel_loop3A_954, %parallel_loop3A_955, %parallel_loop3A_956] {strides = array<i32>} : memref<2x128x64xf32, #tpu.memory_space<vmem>>, vector<16xf32>,
        %parallel_loop3A_958 = arith.constant 1 : i32
        %parallel_loop3A_959 = arith.constant 0 : i32
        %parallel_loop3A_960 = arith.constant 0 : i32
        %parallel_loop3A_961 = tpu.memref_slice %arg7[%parallel_loop3A_958, %parallel_loop3A_959, %parallel_loop3A_960] : memref<2x64x129xf32, #tpu.memory_space<vmem>> -> memref<1x64x129xf32, #tpu.memory_space<vmem>>
        %parallel_loop3A_962 = tpu.memref_squeeze %parallel_loop3A_961 : memref<1x64x129xf32, #tpu.memory_space<vmem>> -> memref<64x129xf32, #tpu.memory_space<vmem>>
        tpu.vector_store_idx %parallel_loop3A_962[%add3A_5, %parallel_loop3A_952], %parallel_loop3A_957 : memref<64x129xf32, #tpu.memory_space<vmem>>[vector<16xi32>, vector<16xi32>], vector<16xf32>,
        %parallel_loop3A_963 = arith.constant 1 : i32
        %parallel_loop3A_964 = arith.index_cast %parallel_loop3A_963 : i32 to index
        %parallel_loop3A_965 = arith.index_cast %parallel_loop3A_948 : i32 to index
        %parallel_loop3A_966 = arith.constant 16 : index
        %parallel_loop3A_967 = tpu.vector_load %arg6[%parallel_loop3A_964, %parallel_loop3A_965, %parallel_loop3A_966] {strides = array<i32>} : memref<2x128x64xf32, #tpu.memory_space<vmem>>, vector<16xf32>,
        %parallel_loop3A_968 = arith.constant 1 : i32
        %parallel_loop3A_969 = arith.constant 0 : i32
        %parallel_loop3A_970 = arith.constant 0 : i32
        %parallel_loop3A_971 = tpu.memref_slice %arg7[%parallel_loop3A_968, %parallel_loop3A_969, %parallel_loop3A_970] : memref<2x64x129xf32, #tpu.memory_space<vmem>> -> memref<1x64x129xf32, #tpu.memory_space<vmem>>
        %parallel_loop3A_972 = tpu.memref_squeeze %parallel_loop3A_971 : memref<1x64x129xf32, #tpu.memory_space<vmem>> -> memref<64x129xf32, #tpu.memory_space<vmem>>
        tpu.vector_store_idx %parallel_loop3A_972[%add3A_8, %parallel_loop3A_952], %parallel_loop3A_967 : memref<64x129xf32, #tpu.memory_space<vmem>>[vector<16xi32>, vector<16xi32>], vector<16xf32>,
        %parallel_loop3A_973 = arith.constant 1 : i32
        %parallel_loop3A_974 = arith.index_cast %parallel_loop3A_973 : i32 to index
        %parallel_loop3A_975 = arith.index_cast %parallel_loop3A_948 : i32 to index
        %parallel_loop3A_976 = arith.constant 32 : index
        %parallel_loop3A_977 = tpu.vector_load %arg6[%parallel_loop3A_974, %parallel_loop3A_975, %parallel_loop3A_976] {strides = array<i32>} : memref<2x128x64xf32, #tpu.memory_space<vmem>>, vector<16xf32>,
        %parallel_loop3A_978 = arith.constant 1 : i32
        %parallel_loop3A_979 = arith.constant 0 : i32
        %parallel_loop3A_980 = arith.constant 0 : i32
        %parallel_loop3A_981 = tpu.memref_slice %arg7[%parallel_loop3A_978, %parallel_loop3A_979, %parallel_loop3A_980] : memref<2x64x129xf32, #tpu.memory_space<vmem>> -> memref<1x64x129xf32, #tpu.memory_space<vmem>>
        %parallel_loop3A_982 = tpu.memref_squeeze %parallel_loop3A_981 : memref<1x64x129xf32, #tpu.memory_space<vmem>> -> memref<64x129xf32, #tpu.memory_space<vmem>>
        tpu.vector_store_idx %parallel_loop3A_982[%add3A_11, %parallel_loop3A_952], %parallel_loop3A_977 : memref<64x129xf32, #tpu.memory_space<vmem>>[vector<16xi32>, vector<16xi32>], vector<16xf32>,
        %parallel_loop3A_983 = arith.constant 1 : i32
        %parallel_loop3A_984 = arith.index_cast %parallel_loop3A_983 : i32 to index
        %parallel_loop3A_985 = arith.index_cast %parallel_loop3A_948 : i32 to index
        %parallel_loop3A_986 = arith.constant 48 : index
        %parallel_loop3A_987 = tpu.vector_load %arg6[%parallel_loop3A_984, %parallel_loop3A_985, %parallel_loop3A_986] {strides = array<i32>} : memref<2x128x64xf32, #tpu.memory_space<vmem>>, vector<16xf32>,
        %parallel_loop3A_988 = arith.constant 1 : i32
        %parallel_loop3A_989 = arith.constant 0 : i32
        %parallel_loop3A_990 = arith.constant 0 : i32
        %parallel_loop3A_991 = tpu.memref_slice %arg7[%parallel_loop3A_988, %parallel_loop3A_989, %parallel_loop3A_990] : memref<2x64x129xf32, #tpu.memory_space<vmem>> -> memref<1x64x129xf32, #tpu.memory_space<vmem>>
        %parallel_loop3A_992 = tpu.memref_squeeze %parallel_loop3A_991 : memref<1x64x129xf32, #tpu.memory_space<vmem>> -> memref<64x129xf32, #tpu.memory_space<vmem>>
        tpu.vector_store_idx %parallel_loop3A_992[%add3A_14, %parallel_loop3A_952], %parallel_loop3A_987 : memref<64x129xf32, #tpu.memory_space<vmem>>[vector<16xi32>, vector<16xi32>], vector<16xf32>,
      } {sc.loop_unroll_factor = 4 : i64, sc.parallel_access}
      %add3A_729 = arith.addi %mul3A_2, %add3A_706 : i32
      %jit3A_730 = arith.constant 128 : i32
      %div3A_731 = arith.divsi %add3A_729, %jit3A_730 : i32
      %sign3A_732 = arith.constant 0 : i32
      %sign3A_733 = arith.cmpi sgt, %add3A_729, %sign3A_732 : i32
      %sign3A_734 = arith.extui %sign3A_733 : i1 to i32
      %sign3A_735 = arith.constant 0 : i32
      %sign3A_736 = arith.cmpi slt, %add3A_729, %sign3A_735 : i32
      %sign3A_737 = arith.extui %sign3A_736 : i1 to i32
      %sign3A_738 = arith.subi %sign3A_734, %sign3A_737 : i32
      %sign3A_739 = arith.constant 0 : i32
      %sign3A_740 = arith.cmpi sgt, %jit3A_730, %sign3A_739 : i32
      %sign3A_741 = arith.extui %sign3A_740 : i1 to i32
      %sign3A_742 = arith.constant 0 : i32
      %sign3A_743 = arith.cmpi slt, %jit3A_730, %sign3A_742 : i32
      %sign3A_744 = arith.extui %sign3A_743 : i1 to i32
      %sign3A_745 = arith.subi %sign3A_741, %sign3A_744 : i32
      %ne3A_746 = arith.cmpi ne, %sign3A_738, %sign3A_745 : i32
      %rem3A_747 = arith.remsi %add3A_729, %jit3A_730 : i32
      %ne3A_748 = arith.constant 0 : i32
      %ne3A_749 = arith.cmpi ne, %rem3A_747, %ne3A_748 : i32
      %and3A_750 = arith.andi %ne3A_746, %ne3A_749 : i1
      %sub3A_751 = arith.constant 1 : i32
      %sub3A_752 = arith.subi %div3A_731, %sub3A_751 : i32
      %select_n3A_753 = arith.select %and3A_750, %sub3A_752, %div3A_731 : i32
      %add3A_754 = arith.addi %mul3A_2, %add3A_706 : i32
      %jit3A_755 = arith.constant 128 : i32
      %eq3A_756 = arith.constant 0 : i32
      %eq3A_757 = arith.cmpi eq, %jit3A_755, %eq3A_756 : i32
      %jit3A_758 = arith.constant 1 : i32
      %select_n3A_759 = arith.select %eq3A_757, %jit3A_758, %jit3A_755 : i32
      %rem3A_760 = arith.remsi %add3A_754, %select_n3A_759 : i32
      %ne3A_761 = arith.constant 0 : i32
      %ne3A_762 = arith.cmpi ne, %rem3A_760, %ne3A_761 : i32
      %lt3A_763 = arith.constant 0 : i32
      %lt3A_764 = arith.cmpi slt, %rem3A_760, %lt3A_763 : i32
      %lt3A_765 = arith.constant 0 : i32
      %lt3A_766 = arith.cmpi slt, %select_n3A_759, %lt3A_765 : i32
      %ne3A_767 = arith.xori %lt3A_764, %lt3A_766 : i1
      %and3A_768 = arith.andi %ne3A_767, %ne3A_762 : i1
      %add3A_769 = arith.addi %rem3A_760, %select_n3A_759 : i32
      %select_n3A_770 = arith.select %and3A_768, %add3A_769, %rem3A_760 : i32
      %dma_start3A_771 = arith.constant 1 : i32
      %dma_start3A_772 = arith.constant 0 : i32
      %dma_start3A_773 = arith.constant 1 : i32
      %dma_start3A_774 = arith.constant 0 : i32
      %dma_start3A_775 = arith.constant 0 : i32
      %dma_start3A_776 = tpu.memref_slice %arg7[%dma_start3A_771, %dma_start3A_774, %dma_start3A_775] : memref<2x64x129xf32, #tpu.memory_space<vmem>> -> memref<1x8x128xf32, #tpu.memory_space<vmem>>
      %dma_start3A_777 = tpu.memref_squeeze %dma_start3A_776 : memref<1x8x128xf32, #tpu.memory_space<vmem>> -> memref<8x128xf32, #tpu.memory_space<vmem>>
      %dma_start3A_778 = arith.constant 0 : i32
      %dma_start3A_779 = arith.constant 0 : i32
      %dma_start3A_780 = tpu.memref_slice %arg4[%select_n3A_753, %dma_start3A_772, %select_n3A_770, %dma_start3A_778, %dma_start3A_779] : memref<50x8x128x8x128xf32, #tpu.memory_space<hbm>> -> memref<1x1x1x8x128xf32, #tpu.memory_space<hbm>>
      %dma_start3A_781 = tpu.memref_squeeze %dma_start3A_780 : memref<1x1x1x8x128xf32, #tpu.memory_space<hbm>> -> memref<8x128xf32, #tpu.memory_space<hbm>>
      %dma_start3A_782 = tpu.memref_slice %arg9[%dma_start3A_773] : memref<2x!tpu.dma_semaphore, #tpu.memory_space<semaphore_mem>> -> memref<1x!tpu.dma_semaphore, #tpu.memory_space<semaphore_mem>>
      %dma_start3A_783 = tpu.memref_squeeze %dma_start3A_782 : memref<1x!tpu.dma_semaphore, #tpu.memory_space<semaphore_mem>> -> memref<!tpu.dma_semaphore, #tpu.memory_space<semaphore_mem>>
      %dma_start3A_784 = arith.constant 0 : i32
      %dma_start3A_785 = arith.constant 0 : i32
      %dma_start3A_786 = tpu.memref_slice %arg4[%select_n3A_753, %dma_start3A_772, %select_n3A_770, %dma_start3A_784, %dma_start3A_785] : memref<50x8x128x8x128xf32, #tpu.memory_space<hbm>> -> memref<1x1x1x8x128xf32, #tpu.memory_space<hbm>>
      %dma_start3A_787 = tpu.memref_squeeze %dma_start3A_786 : memref<1x1x1x8x128xf32, #tpu.memory_space<hbm>> -> memref<8x128xf32, #tpu.memory_space<hbm>>
      %dma_start3A_788 = arith.constant 0 : i32
      %dma_start3A_789 = arith.constant 0 : i32
      %dma_start3A_790 = tpu.memref_slice %arg7[%dma_start3A_771, %dma_start3A_788, %dma_start3A_789] : memref<2x64x129xf32, #tpu.memory_space<vmem>> -> memref<1x8x128xf32, #tpu.memory_space<vmem>>
      %dma_start3A_791 = tpu.memref_squeeze %dma_start3A_790 : memref<1x8x128xf32, #tpu.memory_space<vmem>> -> memref<8x128xf32, #tpu.memory_space<vmem>>
      tpu.enqueue_dma source(%dma_start3A_791 : memref<8x128xf32, #tpu.memory_space<vmem>>) target(%dma_start3A_787 : memref<8x128xf32, #tpu.memory_space<hbm>>) target_semaphore(%dma_start3A_783 : memref<!tpu.dma_semaphore, #tpu.memory_space<semaphore_mem>>)
      %dma_start3A_792 = arith.constant 1 : i32
      %dma_start3A_793 = arith.constant 1 : i32
      %dma_start3A_794 = arith.constant 1 : i32
      %dma_start3A_795 = arith.constant 8 : i32
      %dma_start3A_796 = arith.constant 0 : i32
      %dma_start3A_797 = tpu.memref_slice %arg7[%dma_start3A_792, %dma_start3A_795, %dma_start3A_796] : memref<2x64x129xf32, #tpu.memory_space<vmem>> -> memref<1x8x128xf32, #tpu.memory_space<vmem>>
      %dma_start3A_798 = tpu.memref_squeeze %dma_start3A_797 : memref<1x8x128xf32, #tpu.memory_space<vmem>> -> memref<8x128xf32, #tpu.memory_space<vmem>>
      %dma_start3A_799 = arith.constant 0 : i32
      %dma_start3A_800 = arith.constant 0 : i32
      %dma_start3A_801 = tpu.memref_slice %arg4[%select_n3A_753, %dma_start3A_793, %select_n3A_770, %dma_start3A_799, %dma_start3A_800] : memref<50x8x128x8x128xf32, #tpu.memory_space<hbm>> -> memref<1x1x1x8x128xf32, #tpu.memory_space<hbm>>
      %dma_start3A_802 = tpu.memref_squeeze %dma_start3A_801 : memref<1x1x1x8x128xf32, #tpu.memory_space<hbm>> -> memref<8x128xf32, #tpu.memory_space<hbm>>
      %dma_start3A_803 = tpu.memref_slice %arg9[%dma_start3A_794] : memref<2x!tpu.dma_semaphore, #tpu.memory_space<semaphore_mem>> -> memref<1x!tpu.dma_semaphore, #tpu.memory_space<semaphore_mem>>
      %dma_start3A_804 = tpu.memref_squeeze %dma_start3A_803 : memref<1x!tpu.dma_semaphore, #tpu.memory_space<semaphore_mem>> -> memref<!tpu.dma_semaphore, #tpu.memory_space<semaphore_mem>>
      %dma_start3A_805 = arith.constant 0 : i32
      %dma_start3A_806 = arith.constant 0 : i32
      %dma_start3A_807 = tpu.memref_slice %arg4[%select_n3A_753, %dma_start3A_793, %select_n3A_770, %dma_start3A_805, %dma_start3A_806] : memref<50x8x128x8x128xf32, #tpu.memory_space<hbm>> -> memref<1x1x1x8x128xf32, #tpu.memory_space<hbm>>
      %dma_start3A_808 = tpu.memref_squeeze %dma_start3A_807 : memref<1x1x1x8x128xf32, #tpu.memory_space<hbm>> -> memref<8x128xf32, #tpu.memory_space<hbm>>
      %dma_start3A_809 = arith.constant 8 : i32
      %dma_start3A_810 = arith.constant 0 : i32
      %dma_start3A_811 = tpu.memref_slice %arg7[%dma_start3A_792, %dma_start3A_809, %dma_start3A_810] : memref<2x64x129xf32, #tpu.memory_space<vmem>> -> memref<1x8x128xf32, #tpu.memory_space<vmem>>
      %dma_start3A_812 = tpu.memref_squeeze %dma_start3A_811 : memref<1x8x128xf32, #tpu.memory_space<vmem>> -> memref<8x128xf32, #tpu.memory_space<vmem>>
      tpu.enqueue_dma source(%dma_start3A_812 : memref<8x128xf32, #tpu.memory_space<vmem>>) target(%dma_start3A_808 : memref<8x128xf32, #tpu.memory_space<hbm>>) target_semaphore(%dma_start3A_804 : memref<!tpu.dma_semaphore, #tpu.memory_space<semaphore_mem>>)
      %dma_start3A_813 = arith.constant 1 : i32
      %dma_start3A_814 = arith.constant 2 : i32
      %dma_start3A_815 = arith.constant 1 : i32
      %dma_start3A_816 = arith.constant 16 : i32
      %dma_start3A_817 = arith.constant 0 : i32
      %dma_start3A_818 = tpu.memref_slice %arg7[%dma_start3A_813, %dma_start3A_816, %dma_start3A_817] : memref<2x64x129xf32, #tpu.memory_space<vmem>> -> memref<1x8x128xf32, #tpu.memory_space<vmem>>
      %dma_start3A_819 = tpu.memref_squeeze %dma_start3A_818 : memref<1x8x128xf32, #tpu.memory_space<vmem>> -> memref<8x128xf32, #tpu.memory_space<vmem>>
      %dma_start3A_820 = arith.constant 0 : i32
      %dma_start3A_821 = arith.constant 0 : i32
      %dma_start3A_822 = tpu.memref_slice %arg4[%select_n3A_753, %dma_start3A_814, %select_n3A_770, %dma_start3A_820, %dma_start3A_821] : memref<50x8x128x8x128xf32, #tpu.memory_space<hbm>> -> memref<1x1x1x8x128xf32, #tpu.memory_space<hbm>>
      %dma_start3A_823 = tpu.memref_squeeze %dma_start3A_822 : memref<1x1x1x8x128xf32, #tpu.memory_space<hbm>> -> memref<8x128xf32, #tpu.memory_space<hbm>>
      %dma_start3A_824 = tpu.memref_slice %arg9[%dma_start3A_815] : memref<2x!tpu.dma_semaphore, #tpu.memory_space<semaphore_mem>> -> memref<1x!tpu.dma_semaphore, #tpu.memory_space<semaphore_mem>>
      %dma_start3A_825 = tpu.memref_squeeze %dma_start3A_824 : memref<1x!tpu.dma_semaphore, #tpu.memory_space<semaphore_mem>> -> memref<!tpu.dma_semaphore, #tpu.memory_space<semaphore_mem>>
      %dma_start3A_826 = arith.constant 0 : i32
      %dma_start3A_827 = arith.constant 0 : i32
      %dma_start3A_828 = tpu.memref_slice %arg4[%select_n3A_753, %dma_start3A_814, %select_n3A_770, %dma_start3A_826, %dma_start3A_827] : memref<50x8x128x8x128xf32, #tpu.memory_space<hbm>> -> memref<1x1x1x8x128xf32, #tpu.memory_space<hbm>>
      %dma_start3A_829 = tpu.memref_squeeze %dma_start3A_828 : memref<1x1x1x8x128xf32, #tpu.memory_space<hbm>> -> memref<8x128xf32, #tpu.memory_space<hbm>>
      %dma_start3A_830 = arith.constant 16 : i32
      %dma_start3A_831 = arith.constant 0 : i32
      %dma_start3A_832 = tpu.memref_slice %arg7[%dma_start3A_813, %dma_start3A_830, %dma_start3A_831] : memref<2x64x129xf32, #tpu.memory_space<vmem>> -> memref<1x8x128xf32, #tpu.memory_space<vmem>>
      %dma_start3A_833 = tpu.memref_squeeze %dma_start3A_832 : memref<1x8x128xf32, #tpu.memory_space<vmem>> -> memref<8x128xf32, #tpu.memory_space<vmem>>
      tpu.enqueue_dma source(%dma_start3A_833 : memref<8x128xf32, #tpu.memory_space<vmem>>) target(%dma_start3A_829 : memref<8x128xf32, #tpu.memory_space<hbm>>) target_semaphore(%dma_start3A_825 : memref<!tpu.dma_semaphore, #tpu.memory_space<semaphore_mem>>)
      %dma_start3A_834 = arith.constant 1 : i32
      %dma_start3A_835 = arith.constant 3 : i32
      %dma_start3A_836 = arith.constant 1 : i32
      %dma_start3A_837 = arith.constant 24 : i32
      %dma_start3A_838 = arith.constant 0 : i32
      %dma_start3A_839 = tpu.memref_slice %arg7[%dma_start3A_834, %dma_start3A_837, %dma_start3A_838] : memref<2x64x129xf32, #tpu.memory_space<vmem>> -> memref<1x8x128xf32, #tpu.memory_space<vmem>>
      %dma_start3A_840 = tpu.memref_squeeze %dma_start3A_839 : memref<1x8x128xf32, #tpu.memory_space<vmem>> -> memref<8x128xf32, #tpu.memory_space<vmem>>
      %dma_start3A_841 = arith.constant 0 : i32
      %dma_start3A_842 = arith.constant 0 : i32
      %dma_start3A_843 = tpu.memref_slice %arg4[%select_n3A_753, %dma_start3A_835, %select_n3A_770, %dma_start3A_841, %dma_start3A_842] : memref<50x8x128x8x128xf32, #tpu.memory_space<hbm>> -> memref<1x1x1x8x128xf32, #tpu.memory_space<hbm>>
      %dma_start3A_844 = tpu.memref_squeeze %dma_start3A_843 : memref<1x1x1x8x128xf32, #tpu.memory_space<hbm>> -> memref<8x128xf32, #tpu.memory_space<hbm>>
      %dma_start3A_845 = tpu.memref_slice %arg9[%dma_start3A_836] : memref<2x!tpu.dma_semaphore, #tpu.memory_space<semaphore_mem>> -> memref<1x!tpu.dma_semaphore, #tpu.memory_space<semaphore_mem>>
      %dma_start3A_846 = tpu.memref_squeeze %dma_start3A_845 : memref<1x!tpu.dma_semaphore, #tpu.memory_space<semaphore_mem>> -> memref<!tpu.dma_semaphore, #tpu.memory_space<semaphore_mem>>
      %dma_start3A_847 = arith.constant 0 : i32
      %dma_start3A_848 = arith.constant 0 : i32
      %dma_start3A_849 = tpu.memref_slice %arg4[%select_n3A_753, %dma_start3A_835, %select_n3A_770, %dma_start3A_847, %dma_start3A_848] : memref<50x8x128x8x128xf32, #tpu.memory_space<hbm>> -> memref<1x1x1x8x128xf32, #tpu.memory_space<hbm>>
      %dma_start3A_850 = tpu.memref_squeeze %dma_start3A_849 : memref<1x1x1x8x128xf32, #tpu.memory_space<hbm>> -> memref<8x128xf32, #tpu.memory_space<hbm>>
      %dma_start3A_851 = arith.constant 24 : i32
      %dma_start3A_852 = arith.constant 0 : i32
      %dma_start3A_853 = tpu.memref_slice %arg7[%dma_start3A_834, %dma_start3A_851, %dma_start3A_852] : memref<2x64x129xf32, #tpu.memory_space<vmem>> -> memref<1x8x128xf32, #tpu.memory_space<vmem>>
      %dma_start3A_854 = tpu.memref_squeeze %dma_start3A_853 : memref<1x8x128xf32, #tpu.memory_space<vmem>> -> memref<8x128xf32, #tpu.memory_space<vmem>>
      tpu.enqueue_dma source(%dma_start3A_854 : memref<8x128xf32, #tpu.memory_space<vmem>>) target(%dma_start3A_850 : memref<8x128xf32, #tpu.memory_space<hbm>>) target_semaphore(%dma_start3A_846 : memref<!tpu.dma_semaphore, #tpu.memory_space<semaphore_mem>>)
      %dma_start3A_855 = arith.constant 1 : i32
      %dma_start3A_856 = arith.constant 4 : i32
      %dma_start3A_857 = arith.constant 1 : i32
      %dma_start3A_858 = arith.constant 32 : i32
      %dma_start3A_859 = arith.constant 0 : i32
      %dma_start3A_860 = tpu.memref_slice %arg7[%dma_start3A_855, %dma_start3A_858, %dma_start3A_859] : memref<2x64x129xf32, #tpu.memory_space<vmem>> -> memref<1x8x128xf32, #tpu.memory_space<vmem>>
      %dma_start3A_861 = tpu.memref_squeeze %dma_start3A_860 : memref<1x8x128xf32, #tpu.memory_space<vmem>> -> memref<8x128xf32, #tpu.memory_space<vmem>>
      %dma_start3A_862 = arith.constant 0 : i32
      %dma_start3A_863 = arith.constant 0 : i32
      %dma_start3A_864 = tpu.memref_slice %arg4[%select_n3A_753, %dma_start3A_856, %select_n3A_770, %dma_start3A_862, %dma_start3A_863] : memref<50x8x128x8x128xf32, #tpu.memory_space<hbm>> -> memref<1x1x1x8x128xf32, #tpu.memory_space<hbm>>
      %dma_start3A_865 = tpu.memref_squeeze %dma_start3A_864 : memref<1x1x1x8x128xf32, #tpu.memory_space<hbm>> -> memref<8x128xf32, #tpu.memory_space<hbm>>
      %dma_start3A_866 = tpu.memref_slice %arg9[%dma_start3A_857] : memref<2x!tpu.dma_semaphore, #tpu.memory_space<semaphore_mem>> -> memref<1x!tpu.dma_semaphore, #tpu.memory_space<semaphore_mem>>
      %dma_start3A_867 = tpu.memref_squeeze %dma_start3A_866 : memref<1x!tpu.dma_semaphore, #tpu.memory_space<semaphore_mem>> -> memref<!tpu.dma_semaphore, #tpu.memory_space<semaphore_mem>>
      %dma_start3A_868 = arith.constant 0 : i32
      %dma_start3A_869 = arith.constant 0 : i32
      %dma_start3A_870 = tpu.memref_slice %arg4[%select_n3A_753, %dma_start3A_856, %select_n3A_770, %dma_start3A_868, %dma_start3A_869] : memref<50x8x128x8x128xf32, #tpu.memory_space<hbm>> -> memref<1x1x1x8x128xf32, #tpu.memory_space<hbm>>
      %dma_start3A_871 = tpu.memref_squeeze %dma_start3A_870 : memref<1x1x1x8x128xf32, #tpu.memory_space<hbm>> -> memref<8x128xf32, #tpu.memory_space<hbm>>
      %dma_start3A_872 = arith.constant 32 : i32
      %dma_start3A_873 = arith.constant 0 : i32
      %dma_start3A_874 = tpu.memref_slice %arg7[%dma_start3A_855, %dma_start3A_872, %dma_start3A_873] : memref<2x64x129xf32, #tpu.memory_space<vmem>> -> memref<1x8x128xf32, #tpu.memory_space<vmem>>
      %dma_start3A_875 = tpu.memref_squeeze %dma_start3A_874 : memref<1x8x128xf32, #tpu.memory_space<vmem>> -> memref<8x128xf32, #tpu.memory_space<vmem>>
      tpu.enqueue_dma source(%dma_start3A_875 : memref<8x128xf32, #tpu.memory_space<vmem>>) target(%dma_start3A_871 : memref<8x128xf32, #tpu.memory_space<hbm>>) target_semaphore(%dma_start3A_867 : memref<!tpu.dma_semaphore, #tpu.memory_space<semaphore_mem>>)
      %dma_start3A_876 = arith.constant 1 : i32
      %dma_start3A_877 = arith.constant 5 : i32
      %dma_start3A_878 = arith.constant 1 : i32
      %dma_start3A_879 = arith.constant 40 : i32
      %dma_start3A_880 = arith.constant 0 : i32
      %dma_start3A_881 = tpu.memref_slice %arg7[%dma_start3A_876, %dma_start3A_879, %dma_start3A_880] : memref<2x64x129xf32, #tpu.memory_space<vmem>> -> memref<1x8x128xf32, #tpu.memory_space<vmem>>
      %dma_start3A_882 = tpu.memref_squeeze %dma_start3A_881 : memref<1x8x128xf32, #tpu.memory_space<vmem>> -> memref<8x128xf32, #tpu.memory_space<vmem>>
      %dma_start3A_883 = arith.constant 0 : i32
      %dma_start3A_884 = arith.constant 0 : i32
      %dma_start3A_885 = tpu.memref_slice %arg4[%select_n3A_753, %dma_start3A_877, %select_n3A_770, %dma_start3A_883, %dma_start3A_884] : memref<50x8x128x8x128xf32, #tpu.memory_space<hbm>> -> memref<1x1x1x8x128xf32, #tpu.memory_space<hbm>>
      %dma_start3A_886 = tpu.memref_squeeze %dma_start3A_885 : memref<1x1x1x8x128xf32, #tpu.memory_space<hbm>> -> memref<8x128xf32, #tpu.memory_space<hbm>>
      %dma_start3A_887 = tpu.memref_slice %arg9[%dma_start3A_878] : memref<2x!tpu.dma_semaphore, #tpu.memory_space<semaphore_mem>> -> memref<1x!tpu.dma_semaphore, #tpu.memory_space<semaphore_mem>>
      %dma_start3A_888 = tpu.memref_squeeze %dma_start3A_887 : memref<1x!tpu.dma_semaphore, #tpu.memory_space<semaphore_mem>> -> memref<!tpu.dma_semaphore, #tpu.memory_space<semaphore_mem>>
      %dma_start3A_889 = arith.constant 0 : i32
      %dma_start3A_890 = arith.constant 0 : i32
      %dma_start3A_891 = tpu.memref_slice %arg4[%select_n3A_753, %dma_start3A_877, %select_n3A_770, %dma_start3A_889, %dma_start3A_890] : memref<50x8x128x8x128xf32, #tpu.memory_space<hbm>> -> memref<1x1x1x8x128xf32, #tpu.memory_space<hbm>>
      %dma_start3A_892 = tpu.memref_squeeze %dma_start3A_891 : memref<1x1x1x8x128xf32, #tpu.memory_space<hbm>> -> memref<8x128xf32, #tpu.memory_space<hbm>>
      %dma_start3A_893 = arith.constant 40 : i32
      %dma_start3A_894 = arith.constant 0 : i32
      %dma_start3A_895 = tpu.memref_slice %arg7[%dma_start3A_876, %dma_start3A_893, %dma_start3A_894] : memref<2x64x129xf32, #tpu.memory_space<vmem>> -> memref<1x8x128xf32, #tpu.memory_space<vmem>>
      %dma_start3A_896 = tpu.memref_squeeze %dma_start3A_895 : memref<1x8x128xf32, #tpu.memory_space<vmem>> -> memref<8x128xf32, #tpu.memory_space<vmem>>
      tpu.enqueue_dma source(%dma_start3A_896 : memref<8x128xf32, #tpu.memory_space<vmem>>) target(%dma_start3A_892 : memref<8x128xf32, #tpu.memory_space<hbm>>) target_semaphore(%dma_start3A_888 : memref<!tpu.dma_semaphore, #tpu.memory_space<semaphore_mem>>)
      %dma_start3A_897 = arith.constant 1 : i32
      %dma_start3A_898 = arith.constant 6 : i32
      %dma_start3A_899 = arith.constant 1 : i32
      %dma_start3A_900 = arith.constant 48 : i32
      %dma_start3A_901 = arith.constant 0 : i32
      %dma_start3A_902 = tpu.memref_slice %arg7[%dma_start3A_897, %dma_start3A_900, %dma_start3A_901] : memref<2x64x129xf32, #tpu.memory_space<vmem>> -> memref<1x8x128xf32, #tpu.memory_space<vmem>>
      %dma_start3A_903 = tpu.memref_squeeze %dma_start3A_902 : memref<1x8x128xf32, #tpu.memory_space<vmem>> -> memref<8x128xf32, #tpu.memory_space<vmem>>
      %dma_start3A_904 = arith.constant 0 : i32
      %dma_start3A_905 = arith.constant 0 : i32
      %dma_start3A_906 = tpu.memref_slice %arg4[%select_n3A_753, %dma_start3A_898, %select_n3A_770, %dma_start3A_904, %dma_start3A_905] : memref<50x8x128x8x128xf32, #tpu.memory_space<hbm>> -> memref<1x1x1x8x128xf32, #tpu.memory_space<hbm>>
      %dma_start3A_907 = tpu.memref_squeeze %dma_start3A_906 : memref<1x1x1x8x128xf32, #tpu.memory_space<hbm>> -> memref<8x128xf32, #tpu.memory_space<hbm>>
      %dma_start3A_908 = tpu.memref_slice %arg9[%dma_start3A_899] : memref<2x!tpu.dma_semaphore, #tpu.memory_space<semaphore_mem>> -> memref<1x!tpu.dma_semaphore, #tpu.memory_space<semaphore_mem>>
      %dma_start3A_909 = tpu.memref_squeeze %dma_start3A_908 : memref<1x!tpu.dma_semaphore, #tpu.memory_space<semaphore_mem>> -> memref<!tpu.dma_semaphore, #tpu.memory_space<semaphore_mem>>
      %dma_start3A_910 = arith.constant 0 : i32
      %dma_start3A_911 = arith.constant 0 : i32
      %dma_start3A_912 = tpu.memref_slice %arg4[%select_n3A_753, %dma_start3A_898, %select_n3A_770, %dma_start3A_910, %dma_start3A_911] : memref<50x8x128x8x128xf32, #tpu.memory_space<hbm>> -> memref<1x1x1x8x128xf32, #tpu.memory_space<hbm>>
      %dma_start3A_913 = tpu.memref_squeeze %dma_start3A_912 : memref<1x1x1x8x128xf32, #tpu.memory_space<hbm>> -> memref<8x128xf32, #tpu.memory_space<hbm>>
      %dma_start3A_914 = arith.constant 48 : i32
      %dma_start3A_915 = arith.constant 0 : i32
      %dma_start3A_916 = tpu.memref_slice %arg7[%dma_start3A_897, %dma_start3A_914, %dma_start3A_915] : memref<2x64x129xf32, #tpu.memory_space<vmem>> -> memref<1x8x128xf32, #tpu.memory_space<vmem>>
      %dma_start3A_917 = tpu.memref_squeeze %dma_start3A_916 : memref<1x8x128xf32, #tpu.memory_space<vmem>> -> memref<8x128xf32, #tpu.memory_space<vmem>>
      tpu.enqueue_dma source(%dma_start3A_917 : memref<8x128xf32, #tpu.memory_space<vmem>>) target(%dma_start3A_913 : memref<8x128xf32, #tpu.memory_space<hbm>>) target_semaphore(%dma_start3A_909 : memref<!tpu.dma_semaphore, #tpu.memory_space<semaphore_mem>>)
      %dma_start3A_918 = arith.constant 1 : i32
      %dma_start3A_919 = arith.constant 7 : i32
      %dma_start3A_920 = arith.constant 1 : i32
      %dma_start3A_921 = arith.constant 56 : i32
      %dma_start3A_922 = arith.constant 0 : i32
      %dma_start3A_923 = tpu.memref_slice %arg7[%dma_start3A_918, %dma_start3A_921, %dma_start3A_922] : memref<2x64x129xf32, #tpu.memory_space<vmem>> -> memref<1x8x128xf32, #tpu.memory_space<vmem>>
      %dma_start3A_924 = tpu.memref_squeeze %dma_start3A_923 : memref<1x8x128xf32, #tpu.memory_space<vmem>> -> memref<8x128xf32, #tpu.memory_space<vmem>>
      %dma_start3A_925 = arith.constant 0 : i32
      %dma_start3A_926 = arith.constant 0 : i32
      %dma_start3A_927 = tpu.memref_slice %arg4[%select_n3A_753, %dma_start3A_919, %select_n3A_770, %dma_start3A_925, %dma_start3A_926] : memref<50x8x128x8x128xf32, #tpu.memory_space<hbm>> -> memref<1x1x1x8x128xf32, #tpu.memory_space<hbm>>
      %dma_start3A_928 = tpu.memref_squeeze %dma_start3A_927 : memref<1x1x1x8x128xf32, #tpu.memory_space<hbm>> -> memref<8x128xf32, #tpu.memory_space<hbm>>
      %dma_start3A_929 = tpu.memref_slice %arg9[%dma_start3A_920] : memref<2x!tpu.dma_semaphore, #tpu.memory_space<semaphore_mem>> -> memref<1x!tpu.dma_semaphore, #tpu.memory_space<semaphore_mem>>
      %dma_start3A_930 = tpu.memref_squeeze %dma_start3A_929 : memref<1x!tpu.dma_semaphore, #tpu.memory_space<semaphore_mem>> -> memref<!tpu.dma_semaphore, #tpu.memory_space<semaphore_mem>>
      %dma_start3A_931 = arith.constant 0 : i32
      %dma_start3A_932 = arith.constant 0 : i32
      %dma_start3A_933 = tpu.memref_slice %arg4[%select_n3A_753, %dma_start3A_919, %select_n3A_770, %dma_start3A_931, %dma_start3A_932] : memref<50x8x128x8x128xf32, #tpu.memory_space<hbm>> -> memref<1x1x1x8x128xf32, #tpu.memory_space<hbm>>
      %dma_start3A_934 = tpu.memref_squeeze %dma_start3A_933 : memref<1x1x1x8x128xf32, #tpu.memory_space<hbm>> -> memref<8x128xf32, #tpu.memory_space<hbm>>
      %dma_start3A_935 = arith.constant 56 : i32
      %dma_start3A_936 = arith.constant 0 : i32
      %dma_start3A_937 = tpu.memref_slice %arg7[%dma_start3A_918, %dma_start3A_935, %dma_start3A_936] : memref<2x64x129xf32, #tpu.memory_space<vmem>> -> memref<1x8x128xf32, #tpu.memory_space<vmem>>
      %dma_start3A_938 = tpu.memref_squeeze %dma_start3A_937 : memref<1x8x128xf32, #tpu.memory_space<vmem>> -> memref<8x128xf32, #tpu.memory_space<vmem>>
      tpu.enqueue_dma source(%dma_start3A_938 : memref<8x128xf32, #tpu.memory_space<vmem>>) target(%dma_start3A_934 : memref<8x128xf32, #tpu.memory_space<hbm>>) target_semaphore(%dma_start3A_930 : memref<!tpu.dma_semaphore, #tpu.memory_space<semaphore_mem>>)
      %add3A_939 = arith.constant 2 : i32
      %add3A_940 = arith.addi %add3A_465, %add3A_939 : i32
      %add3A_941 = arith.constant 1 : i32
      %add3A_942 = arith.addi %add3A_940, %add3A_941 : i32
      %lt3A_943 = arith.constant 200 : i32
      %lt3A_944 = arith.cmpi slt, %add3A_942, %lt3A_943 : i32
      %convert_element_type3A_945 = arith.extui %lt3A_944 : i1 to i32
      %cond3A_946 = arith.constant 0 : i32
      %cond3A_947 = arith.cmpi ne, %convert_element_type3A_945, %cond3A_946 : i32
      scf.if %cond3A_947 {
        %add3A_948 = arith.constant 2 : i32
        %add3A_949 = arith.addi %add3A_706, %add3A_948 : i32
        %dma_start3A_950 = arith.constant 1 : i32
        %dma_start3A_951 = arith.constant 1 : i32
        %dma_start3A_952 = arith.constant 0 : i32
        %dma_start3A_953 = arith.constant 0 : i32
        %dma_start3A_954 = tpu.memref_slice %arg6[%dma_start3A_950, %dma_start3A_952, %dma_start3A_953] : memref<2x128x64xf32, #tpu.memory_space<vmem>> -> memref<1x128x64xf32, #tpu.memory_space<vmem>>
        %dma_start3A_955 = tpu.memref_squeeze %dma_start3A_954 : memref<1x128x64xf32, #tpu.memory_space<vmem>> -> memref<128x64xf32, #tpu.memory_space<vmem>>
        %dma_start3A_956 = arith.constant 0 : i32
        %dma_start3A_957 = tpu.memref_slice %arg5[%add3A_949, %dma_start3A_956] : memref<200x128xi32, #tpu.memory_space<vmem>> -> memref<1x128xi32, #tpu.memory_space<vmem>>
        %dma_start3A_958 = tpu.memref_squeeze %dma_start3A_957 : memref<1x128xi32, #tpu.memory_space<vmem>> -> memref<128xi32, #tpu.memory_space<vmem>>
        %dma_start3A_959 = arith.constant 0 : i32
        %dma_start3A_960 = arith.constant 0 : i32
        %dma_start3A_961 = tpu.memref_slice %arg2[%dma_start3A_959, %dma_start3A_960] : memref<1000000x64xf32, #tpu.memory_space<hbm>> -> memref<1000000x64xf32, #tpu.memory_space<hbm>>
        %dma_start3A_962 = tpu.memref_slice %arg8[%dma_start3A_951] : memref<2x!tpu.dma_semaphore, #tpu.memory_space<semaphore_mem>> -> memref<1x!tpu.dma_semaphore, #tpu.memory_space<semaphore_mem>>
        %dma_start3A_963 = tpu.memref_squeeze %dma_start3A_962 : memref<1x!tpu.dma_semaphore, #tpu.memory_space<semaphore_mem>> -> memref<!tpu.dma_semaphore, #tpu.memory_space<semaphore_mem>>
        tpu.enqueue_indirect_dma source(%dma_start3A_961 : memref<1000000x64xf32, #tpu.memory_space<hbm>>) target(%dma_start3A_955 : memref<128x64xf32, #tpu.memory_space<vmem>>) offsets(%dma_start3A_958 : memref<128xi32, #tpu.memory_space<vmem>>) semaphore(%dma_start3A_963 : memref<!tpu.dma_semaphore, #tpu.memory_space<semaphore_mem>>)
      } else {
      }
    }
    %scan3A_47 = arith.constant 100 : i32
    %add3A_48 = arith.constant 198 : i32
    %add3A_49 = arith.addi %mul3A_2, %add3A_48 : i32
    %jit3A = arith.constant 128 : i32
    %div3A = arith.divsi %add3A_49, %jit3A : i32
    %sign3A = arith.constant 0 : i32
    %sign3A_50 = arith.cmpi sgt, %add3A_49, %sign3A : i32
    %sign3A_51 = arith.extui %sign3A_50 : i1 to i32
    %sign3A_52 = arith.constant 0 : i32
    %sign3A_53 = arith.cmpi slt, %add3A_49, %sign3A_52 : i32
    %sign3A_54 = arith.extui %sign3A_53 : i1 to i32
    %sign3A_55 = arith.subi %sign3A_51, %sign3A_54 : i32
    %sign3A_56 = arith.constant 0 : i32
    %sign3A_57 = arith.cmpi sgt, %jit3A, %sign3A_56 : i32
    %sign3A_58 = arith.extui %sign3A_57 : i1 to i32
    %sign3A_59 = arith.constant 0 : i32
    %sign3A_60 = arith.cmpi slt, %jit3A, %sign3A_59 : i32
    %sign3A_61 = arith.extui %sign3A_60 : i1 to i32
    %sign3A_62 = arith.subi %sign3A_58, %sign3A_61 : i32
    %ne3A = arith.cmpi ne, %sign3A_55, %sign3A_62 : i32
    %rem3A = arith.remsi %add3A_49, %jit3A : i32
    %ne3A_63 = arith.constant 0 : i32
    %ne3A_64 = arith.cmpi ne, %rem3A, %ne3A_63 : i32
    %and3A = arith.andi %ne3A, %ne3A_64 : i1
    %sub3A = arith.constant 1 : i32
    %sub3A_65 = arith.subi %div3A, %sub3A : i32
    %select_n3A = arith.select %and3A, %sub3A_65, %div3A : i32
    %add3A_66 = arith.constant 198 : i32
    %add3A_67 = arith.addi %mul3A_2, %add3A_66 : i32
    %jit3A_68 = arith.constant 128 : i32
    %eq3A = arith.constant 0 : i32
    %eq3A_69 = arith.cmpi eq, %jit3A_68, %eq3A : i32
    %jit3A_70 = arith.constant 1 : i32
    %select_n3A_71 = arith.select %eq3A_69, %jit3A_70, %jit3A_68 : i32
    %rem3A_72 = arith.remsi %add3A_67, %select_n3A_71 : i32
    %ne3A_73 = arith.constant 0 : i32
    %ne3A_74 = arith.cmpi ne, %rem3A_72, %ne3A_73 : i32
    %lt3A = arith.constant 0 : i32
    %lt3A_75 = arith.cmpi slt, %rem3A_72, %lt3A : i32
    %lt3A_76 = arith.constant 0 : i32
    %lt3A_77 = arith.cmpi slt, %select_n3A_71, %lt3A_76 : i32
    %ne3A_78 = arith.xori %lt3A_75, %lt3A_77 : i1
    %and3A_79 = arith.andi %ne3A_78, %ne3A_74 : i1
    %add3A_80 = arith.addi %rem3A_72, %select_n3A_71 : i32
    %select_n3A_81 = arith.select %and3A_79, %add3A_80, %rem3A_72 : i32
    %dma_wait3A = arith.constant 0 : i32
    %dma_wait3A_82 = arith.constant 0 : i32
    %dma_wait3A_83 = arith.constant 0 : i32
    %dma_wait3A_84 = arith.constant 0 : i32
    %dma_wait3A_85 = arith.constant 0 : i32
    %dma_wait3A_86 = tpu.memref_slice %arg7[%dma_wait3A, %dma_wait3A_84, %dma_wait3A_85] : memref<2x64x129xf32, #tpu.memory_space<vmem>> -> memref<1x8x128xf32, #tpu.memory_space<vmem>>
    %dma_wait3A_87 = tpu.memref_squeeze %dma_wait3A_86 : memref<1x8x128xf32, #tpu.memory_space<vmem>> -> memref<8x128xf32, #tpu.memory_space<vmem>>
    %dma_wait3A_88 = arith.constant 0 : i32
    %dma_wait3A_89 = arith.constant 0 : i32
    %dma_wait3A_90 = tpu.memref_slice %arg4[%select_n3A, %dma_wait3A_82, %select_n3A_81, %dma_wait3A_88, %dma_wait3A_89] : memref<50x8x128x8x128xf32, #tpu.memory_space<hbm>> -> memref<1x1x1x8x128xf32, #tpu.memory_space<hbm>>
    %dma_wait3A_91 = tpu.memref_squeeze %dma_wait3A_90 : memref<1x1x1x8x128xf32, #tpu.memory_space<hbm>> -> memref<8x128xf32, #tpu.memory_space<hbm>>
    %dma_wait3A_92 = tpu.memref_slice %arg9[%dma_wait3A_83] : memref<2x!tpu.dma_semaphore, #tpu.memory_space<semaphore_mem>> -> memref<1x!tpu.dma_semaphore, #tpu.memory_space<semaphore_mem>>
    %dma_wait3A_93 = tpu.memref_squeeze %dma_wait3A_92 : memref<1x!tpu.dma_semaphore, #tpu.memory_space<semaphore_mem>> -> memref<!tpu.dma_semaphore, #tpu.memory_space<semaphore_mem>>
    %dma_wait3A_94 = arith.constant 0 : i32
    %dma_wait3A_95 = arith.constant 0 : i32
    %dma_wait3A_96 = tpu.memref_slice %arg4[%select_n3A, %dma_wait3A_82, %select_n3A_81, %dma_wait3A_94, %dma_wait3A_95] : memref<50x8x128x8x128xf32, #tpu.memory_space<hbm>> -> memref<1x1x1x8x128xf32, #tpu.memory_space<hbm>>
    %dma_wait3A_97 = tpu.memref_squeeze %dma_wait3A_96 : memref<1x1x1x8x128xf32, #tpu.memory_space<hbm>> -> memref<8x128xf32, #tpu.memory_space<hbm>>
    %dma_wait3A_98 = arith.constant 0 : i32
    %dma_wait3A_99 = arith.constant 0 : i32
    %dma_wait3A_100 = tpu.memref_slice %arg7[%dma_wait3A, %dma_wait3A_98, %dma_wait3A_99] : memref<2x64x129xf32, #tpu.memory_space<vmem>> -> memref<1x8x128xf32, #tpu.memory_space<vmem>>
    %dma_wait3A_101 = tpu.memref_squeeze %dma_wait3A_100 : memref<1x8x128xf32, #tpu.memory_space<vmem>> -> memref<8x128xf32, #tpu.memory_space<vmem>>
    tpu.wait_dma2 semaphore(%dma_wait3A_93 : memref<!tpu.dma_semaphore, #tpu.memory_space<semaphore_mem>>) src(%dma_wait3A_101 : memref<8x128xf32, #tpu.memory_space<vmem>>) dst(%dma_wait3A_97 : memref<8x128xf32, #tpu.memory_space<hbm>>)
    %dma_wait3A_102 = arith.constant 0 : i32
    %dma_wait3A_103 = arith.constant 1 : i32
    %dma_wait3A_104 = arith.constant 0 : i32
    %dma_wait3A_105 = arith.constant 8 : i32
    %dma_wait3A_106 = arith.constant 0 : i32
    %dma_wait3A_107 = tpu.memref_slice %arg7[%dma_wait3A_102, %dma_wait3A_105, %dma_wait3A_106] : memref<2x64x129xf32, #tpu.memory_space<vmem>> -> memref<1x8x128xf32, #tpu.memory_space<vmem>>
    %dma_wait3A_108 = tpu.memref_squeeze %dma_wait3A_107 : memref<1x8x128xf32, #tpu.memory_space<vmem>> -> memref<8x128xf32, #tpu.memory_space<vmem>>
    %dma_wait3A_109 = arith.constant 0 : i32
    %dma_wait3A_110 = arith.constant 0 : i32
    %dma_wait3A_111 = tpu.memref_slice %arg4[%select_n3A, %dma_wait3A_103, %select_n3A_81, %dma_wait3A_109, %dma_wait3A_110] : memref<50x8x128x8x128xf32, #tpu.memory_space<hbm>> -> memref<1x1x1x8x128xf32, #tpu.memory_space<hbm>>
    %dma_wait3A_112 = tpu.memref_squeeze %dma_wait3A_111 : memref<1x1x1x8x128xf32, #tpu.memory_space<hbm>> -> memref<8x128xf32, #tpu.memory_space<hbm>>
    %dma_wait3A_113 = tpu.memref_slice %arg9[%dma_wait3A_104] : memref<2x!tpu.dma_semaphore, #tpu.memory_space<semaphore_mem>> -> memref<1x!tpu.dma_semaphore, #tpu.memory_space<semaphore_mem>>
    %dma_wait3A_114 = tpu.memref_squeeze %dma_wait3A_113 : memref<1x!tpu.dma_semaphore, #tpu.memory_space<semaphore_mem>> -> memref<!tpu.dma_semaphore, #tpu.memory_space<semaphore_mem>>
    %dma_wait3A_115 = arith.constant 0 : i32
    %dma_wait3A_116 = arith.constant 0 : i32
    %dma_wait3A_117 = tpu.memref_slice %arg4[%select_n3A, %dma_wait3A_103, %select_n3A_81, %dma_wait3A_115, %dma_wait3A_116] : memref<50x8x128x8x128xf32, #tpu.memory_space<hbm>> -> memref<1x1x1x8x128xf32, #tpu.memory_space<hbm>>
    %dma_wait3A_118 = tpu.memref_squeeze %dma_wait3A_117 : memref<1x1x1x8x128xf32, #tpu.memory_space<hbm>> -> memref<8x128xf32, #tpu.memory_space<hbm>>
    %dma_wait3A_119 = arith.constant 8 : i32
    %dma_wait3A_120 = arith.constant 0 : i32
    %dma_wait3A_121 = tpu.memref_slice %arg7[%dma_wait3A_102, %dma_wait3A_119, %dma_wait3A_120] : memref<2x64x129xf32, #tpu.memory_space<vmem>> -> memref<1x8x128xf32, #tpu.memory_space<vmem>>
    %dma_wait3A_122 = tpu.memref_squeeze %dma_wait3A_121 : memref<1x8x128xf32, #tpu.memory_space<vmem>> -> memref<8x128xf32, #tpu.memory_space<vmem>>
    tpu.wait_dma2 semaphore(%dma_wait3A_114 : memref<!tpu.dma_semaphore, #tpu.memory_space<semaphore_mem>>) src(%dma_wait3A_122 : memref<8x128xf32, #tpu.memory_space<vmem>>) dst(%dma_wait3A_118 : memref<8x128xf32, #tpu.memory_space<hbm>>)
    %dma_wait3A_123 = arith.constant 0 : i32
    %dma_wait3A_124 = arith.constant 2 : i32
    %dma_wait3A_125 = arith.constant 0 : i32
    %dma_wait3A_126 = arith.constant 16 : i32
    %dma_wait3A_127 = arith.constant 0 : i32
    %dma_wait3A_128 = tpu.memref_slice %arg7[%dma_wait3A_123, %dma_wait3A_126, %dma_wait3A_127] : memref<2x64x129xf32, #tpu.memory_space<vmem>> -> memref<1x8x128xf32, #tpu.memory_space<vmem>>
    %dma_wait3A_129 = tpu.memref_squeeze %dma_wait3A_128 : memref<1x8x128xf32, #tpu.memory_space<vmem>> -> memref<8x128xf32, #tpu.memory_space<vmem>>
    %dma_wait3A_130 = arith.constant 0 : i32
    %dma_wait3A_131 = arith.constant 0 : i32
    %dma_wait3A_132 = tpu.memref_slice %arg4[%select_n3A, %dma_wait3A_124, %select_n3A_81, %dma_wait3A_130, %dma_wait3A_131] : memref<50x8x128x8x128xf32, #tpu.memory_space<hbm>> -> memref<1x1x1x8x128xf32, #tpu.memory_space<hbm>>
    %dma_wait3A_133 = tpu.memref_squeeze %dma_wait3A_132 : memref<1x1x1x8x128xf32, #tpu.memory_space<hbm>> -> memref<8x128xf32, #tpu.memory_space<hbm>>
    %dma_wait3A_134 = tpu.memref_slice %arg9[%dma_wait3A_125] : memref<2x!tpu.dma_semaphore, #tpu.memory_space<semaphore_mem>> -> memref<1x!tpu.dma_semaphore, #tpu.memory_space<semaphore_mem>>
    %dma_wait3A_135 = tpu.memref_squeeze %dma_wait3A_134 : memref<1x!tpu.dma_semaphore, #tpu.memory_space<semaphore_mem>> -> memref<!tpu.dma_semaphore, #tpu.memory_space<semaphore_mem>>
    %dma_wait3A_136 = arith.constant 0 : i32
    %dma_wait3A_137 = arith.constant 0 : i32
    %dma_wait3A_138 = tpu.memref_slice %arg4[%select_n3A, %dma_wait3A_124, %select_n3A_81, %dma_wait3A_136, %dma_wait3A_137] : memref<50x8x128x8x128xf32, #tpu.memory_space<hbm>> -> memref<1x1x1x8x128xf32, #tpu.memory_space<hbm>>
    %dma_wait3A_139 = tpu.memref_squeeze %dma_wait3A_138 : memref<1x1x1x8x128xf32, #tpu.memory_space<hbm>> -> memref<8x128xf32, #tpu.memory_space<hbm>>
    %dma_wait3A_140 = arith.constant 16 : i32
    %dma_wait3A_141 = arith.constant 0 : i32
    %dma_wait3A_142 = tpu.memref_slice %arg7[%dma_wait3A_123, %dma_wait3A_140, %dma_wait3A_141] : memref<2x64x129xf32, #tpu.memory_space<vmem>> -> memref<1x8x128xf32, #tpu.memory_space<vmem>>
    %dma_wait3A_143 = tpu.memref_squeeze %dma_wait3A_142 : memref<1x8x128xf32, #tpu.memory_space<vmem>> -> memref<8x128xf32, #tpu.memory_space<vmem>>
    tpu.wait_dma2 semaphore(%dma_wait3A_135 : memref<!tpu.dma_semaphore, #tpu.memory_space<semaphore_mem>>) src(%dma_wait3A_143 : memref<8x128xf32, #tpu.memory_space<vmem>>) dst(%dma_wait3A_139 : memref<8x128xf32, #tpu.memory_space<hbm>>)
    %dma_wait3A_144 = arith.constant 0 : i32
    %dma_wait3A_145 = arith.constant 3 : i32
    %dma_wait3A_146 = arith.constant 0 : i32
    %dma_wait3A_147 = arith.constant 24 : i32
    %dma_wait3A_148 = arith.constant 0 : i32
    %dma_wait3A_149 = tpu.memref_slice %arg7[%dma_wait3A_144, %dma_wait3A_147, %dma_wait3A_148] : memref<2x64x129xf32, #tpu.memory_space<vmem>> -> memref<1x8x128xf32, #tpu.memory_space<vmem>>
    %dma_wait3A_150 = tpu.memref_squeeze %dma_wait3A_149 : memref<1x8x128xf32, #tpu.memory_space<vmem>> -> memref<8x128xf32, #tpu.memory_space<vmem>>
    %dma_wait3A_151 = arith.constant 0 : i32
    %dma_wait3A_152 = arith.constant 0 : i32
    %dma_wait3A_153 = tpu.memref_slice %arg4[%select_n3A, %dma_wait3A_145, %select_n3A_81, %dma_wait3A_151, %dma_wait3A_152] : memref<50x8x128x8x128xf32, #tpu.memory_space<hbm>> -> memref<1x1x1x8x128xf32, #tpu.memory_space<hbm>>
    %dma_wait3A_154 = tpu.memref_squeeze %dma_wait3A_153 : memref<1x1x1x8x128xf32, #tpu.memory_space<hbm>> -> memref<8x128xf32, #tpu.memory_space<hbm>>
    %dma_wait3A_155 = tpu.memref_slice %arg9[%dma_wait3A_146] : memref<2x!tpu.dma_semaphore, #tpu.memory_space<semaphore_mem>> -> memref<1x!tpu.dma_semaphore, #tpu.memory_space<semaphore_mem>>
    %dma_wait3A_156 = tpu.memref_squeeze %dma_wait3A_155 : memref<1x!tpu.dma_semaphore, #tpu.memory_space<semaphore_mem>> -> memref<!tpu.dma_semaphore, #tpu.memory_space<semaphore_mem>>
    %dma_wait3A_157 = arith.constant 0 : i32
    %dma_wait3A_158 = arith.constant 0 : i32
    %dma_wait3A_159 = tpu.memref_slice %arg4[%select_n3A, %dma_wait3A_145, %select_n3A_81, %dma_wait3A_157, %dma_wait3A_158] : memref<50x8x128x8x128xf32, #tpu.memory_space<hbm>> -> memref<1x1x1x8x128xf32, #tpu.memory_space<hbm>>
    %dma_wait3A_160 = tpu.memref_squeeze %dma_wait3A_159 : memref<1x1x1x8x128xf32, #tpu.memory_space<hbm>> -> memref<8x128xf32, #tpu.memory_space<hbm>>
    %dma_wait3A_161 = arith.constant 24 : i32
    %dma_wait3A_162 = arith.constant 0 : i32
    %dma_wait3A_163 = tpu.memref_slice %arg7[%dma_wait3A_144, %dma_wait3A_161, %dma_wait3A_162] : memref<2x64x129xf32, #tpu.memory_space<vmem>> -> memref<1x8x128xf32, #tpu.memory_space<vmem>>
    %dma_wait3A_164 = tpu.memref_squeeze %dma_wait3A_163 : memref<1x8x128xf32, #tpu.memory_space<vmem>> -> memref<8x128xf32, #tpu.memory_space<vmem>>
    tpu.wait_dma2 semaphore(%dma_wait3A_156 : memref<!tpu.dma_semaphore, #tpu.memory_space<semaphore_mem>>) src(%dma_wait3A_164 : memref<8x128xf32, #tpu.memory_space<vmem>>) dst(%dma_wait3A_160 : memref<8x128xf32, #tpu.memory_space<hbm>>)
    %dma_wait3A_165 = arith.constant 0 : i32
    %dma_wait3A_166 = arith.constant 4 : i32
    %dma_wait3A_167 = arith.constant 0 : i32
    %dma_wait3A_168 = arith.constant 32 : i32
    %dma_wait3A_169 = arith.constant 0 : i32
    %dma_wait3A_170 = tpu.memref_slice %arg7[%dma_wait3A_165, %dma_wait3A_168, %dma_wait3A_169] : memref<2x64x129xf32, #tpu.memory_space<vmem>> -> memref<1x8x128xf32, #tpu.memory_space<vmem>>
    %dma_wait3A_171 = tpu.memref_squeeze %dma_wait3A_170 : memref<1x8x128xf32, #tpu.memory_space<vmem>> -> memref<8x128xf32, #tpu.memory_space<vmem>>
    %dma_wait3A_172 = arith.constant 0 : i32
    %dma_wait3A_173 = arith.constant 0 : i32
    %dma_wait3A_174 = tpu.memref_slice %arg4[%select_n3A, %dma_wait3A_166, %select_n3A_81, %dma_wait3A_172, %dma_wait3A_173] : memref<50x8x128x8x128xf32, #tpu.memory_space<hbm>> -> memref<1x1x1x8x128xf32, #tpu.memory_space<hbm>>
    %dma_wait3A_175 = tpu.memref_squeeze %dma_wait3A_174 : memref<1x1x1x8x128xf32, #tpu.memory_space<hbm>> -> memref<8x128xf32, #tpu.memory_space<hbm>>
    %dma_wait3A_176 = tpu.memref_slice %arg9[%dma_wait3A_167] : memref<2x!tpu.dma_semaphore, #tpu.memory_space<semaphore_mem>> -> memref<1x!tpu.dma_semaphore, #tpu.memory_space<semaphore_mem>>
    %dma_wait3A_177 = tpu.memref_squeeze %dma_wait3A_176 : memref<1x!tpu.dma_semaphore, #tpu.memory_space<semaphore_mem>> -> memref<!tpu.dma_semaphore, #tpu.memory_space<semaphore_mem>>
    %dma_wait3A_178 = arith.constant 0 : i32
    %dma_wait3A_179 = arith.constant 0 : i32
    %dma_wait3A_180 = tpu.memref_slice %arg4[%select_n3A, %dma_wait3A_166, %select_n3A_81, %dma_wait3A_178, %dma_wait3A_179] : memref<50x8x128x8x128xf32, #tpu.memory_space<hbm>> -> memref<1x1x1x8x128xf32, #tpu.memory_space<hbm>>
    %dma_wait3A_181 = tpu.memref_squeeze %dma_wait3A_180 : memref<1x1x1x8x128xf32, #tpu.memory_space<hbm>> -> memref<8x128xf32, #tpu.memory_space<hbm>>
    %dma_wait3A_182 = arith.constant 32 : i32
    %dma_wait3A_183 = arith.constant 0 : i32
    %dma_wait3A_184 = tpu.memref_slice %arg7[%dma_wait3A_165, %dma_wait3A_182, %dma_wait3A_183] : memref<2x64x129xf32, #tpu.memory_space<vmem>> -> memref<1x8x128xf32, #tpu.memory_space<vmem>>
    %dma_wait3A_185 = tpu.memref_squeeze %dma_wait3A_184 : memref<1x8x128xf32, #tpu.memory_space<vmem>> -> memref<8x128xf32, #tpu.memory_space<vmem>>
    tpu.wait_dma2 semaphore(%dma_wait3A_177 : memref<!tpu.dma_semaphore, #tpu.memory_space<semaphore_mem>>) src(%dma_wait3A_185 : memref<8x128xf32, #tpu.memory_space<vmem>>) dst(%dma_wait3A_181 : memref<8x128xf32, #tpu.memory_space<hbm>>)
    %dma_wait3A_186 = arith.constant 0 : i32
    %dma_wait3A_187 = arith.constant 5 : i32
    %dma_wait3A_188 = arith.constant 0 : i32
    %dma_wait3A_189 = arith.constant 40 : i32
    %dma_wait3A_190 = arith.constant 0 : i32
    %dma_wait3A_191 = tpu.memref_slice %arg7[%dma_wait3A_186, %dma_wait3A_189, %dma_wait3A_190] : memref<2x64x129xf32, #tpu.memory_space<vmem>> -> memref<1x8x128xf32, #tpu.memory_space<vmem>>
    %dma_wait3A_192 = tpu.memref_squeeze %dma_wait3A_191 : memref<1x8x128xf32, #tpu.memory_space<vmem>> -> memref<8x128xf32, #tpu.memory_space<vmem>>
    %dma_wait3A_193 = arith.constant 0 : i32
    %dma_wait3A_194 = arith.constant 0 : i32
    %dma_wait3A_195 = tpu.memref_slice %arg4[%select_n3A, %dma_wait3A_187, %select_n3A_81, %dma_wait3A_193, %dma_wait3A_194] : memref<50x8x128x8x128xf32, #tpu.memory_space<hbm>> -> memref<1x1x1x8x128xf32, #tpu.memory_space<hbm>>
    %dma_wait3A_196 = tpu.memref_squeeze %dma_wait3A_195 : memref<1x1x1x8x128xf32, #tpu.memory_space<hbm>> -> memref<8x128xf32, #tpu.memory_space<hbm>>
    %dma_wait3A_197 = tpu.memref_slice %arg9[%dma_wait3A_188] : memref<2x!tpu.dma_semaphore, #tpu.memory_space<semaphore_mem>> -> memref<1x!tpu.dma_semaphore, #tpu.memory_space<semaphore_mem>>
    %dma_wait3A_198 = tpu.memref_squeeze %dma_wait3A_197 : memref<1x!tpu.dma_semaphore, #tpu.memory_space<semaphore_mem>> -> memref<!tpu.dma_semaphore, #tpu.memory_space<semaphore_mem>>
    %dma_wait3A_199 = arith.constant 0 : i32
    %dma_wait3A_200 = arith.constant 0 : i32
    %dma_wait3A_201 = tpu.memref_slice %arg4[%select_n3A, %dma_wait3A_187, %select_n3A_81, %dma_wait3A_199, %dma_wait3A_200] : memref<50x8x128x8x128xf32, #tpu.memory_space<hbm>> -> memref<1x1x1x8x128xf32, #tpu.memory_space<hbm>>
    %dma_wait3A_202 = tpu.memref_squeeze %dma_wait3A_201 : memref<1x1x1x8x128xf32, #tpu.memory_space<hbm>> -> memref<8x128xf32, #tpu.memory_space<hbm>>
    %dma_wait3A_203 = arith.constant 40 : i32
    %dma_wait3A_204 = arith.constant 0 : i32
    %dma_wait3A_205 = tpu.memref_slice %arg7[%dma_wait3A_186, %dma_wait3A_203, %dma_wait3A_204] : memref<2x64x129xf32, #tpu.memory_space<vmem>> -> memref<1x8x128xf32, #tpu.memory_space<vmem>>
    %dma_wait3A_206 = tpu.memref_squeeze %dma_wait3A_205 : memref<1x8x128xf32, #tpu.memory_space<vmem>> -> memref<8x128xf32, #tpu.memory_space<vmem>>
    tpu.wait_dma2 semaphore(%dma_wait3A_198 : memref<!tpu.dma_semaphore, #tpu.memory_space<semaphore_mem>>) src(%dma_wait3A_206 : memref<8x128xf32, #tpu.memory_space<vmem>>) dst(%dma_wait3A_202 : memref<8x128xf32, #tpu.memory_space<hbm>>)
    %dma_wait3A_207 = arith.constant 0 : i32
    %dma_wait3A_208 = arith.constant 6 : i32
    %dma_wait3A_209 = arith.constant 0 : i32
    %dma_wait3A_210 = arith.constant 48 : i32
    %dma_wait3A_211 = arith.constant 0 : i32
    %dma_wait3A_212 = tpu.memref_slice %arg7[%dma_wait3A_207, %dma_wait3A_210, %dma_wait3A_211] : memref<2x64x129xf32, #tpu.memory_space<vmem>> -> memref<1x8x128xf32, #tpu.memory_space<vmem>>
    %dma_wait3A_213 = tpu.memref_squeeze %dma_wait3A_212 : memref<1x8x128xf32, #tpu.memory_space<vmem>> -> memref<8x128xf32, #tpu.memory_space<vmem>>
    %dma_wait3A_214 = arith.constant 0 : i32
    %dma_wait3A_215 = arith.constant 0 : i32
    %dma_wait3A_216 = tpu.memref_slice %arg4[%select_n3A, %dma_wait3A_208, %select_n3A_81, %dma_wait3A_214, %dma_wait3A_215] : memref<50x8x128x8x128xf32, #tpu.memory_space<hbm>> -> memref<1x1x1x8x128xf32, #tpu.memory_space<hbm>>
    %dma_wait3A_217 = tpu.memref_squeeze %dma_wait3A_216 : memref<1x1x1x8x128xf32, #tpu.memory_space<hbm>> -> memref<8x128xf32, #tpu.memory_space<hbm>>
    %dma_wait3A_218 = tpu.memref_slice %arg9[%dma_wait3A_209] : memref<2x!tpu.dma_semaphore, #tpu.memory_space<semaphore_mem>> -> memref<1x!tpu.dma_semaphore, #tpu.memory_space<semaphore_mem>>
    %dma_wait3A_219 = tpu.memref_squeeze %dma_wait3A_218 : memref<1x!tpu.dma_semaphore, #tpu.memory_space<semaphore_mem>> -> memref<!tpu.dma_semaphore, #tpu.memory_space<semaphore_mem>>
    %dma_wait3A_220 = arith.constant 0 : i32
    %dma_wait3A_221 = arith.constant 0 : i32
    %dma_wait3A_222 = tpu.memref_slice %arg4[%select_n3A, %dma_wait3A_208, %select_n3A_81, %dma_wait3A_220, %dma_wait3A_221] : memref<50x8x128x8x128xf32, #tpu.memory_space<hbm>> -> memref<1x1x1x8x128xf32, #tpu.memory_space<hbm>>
    %dma_wait3A_223 = tpu.memref_squeeze %dma_wait3A_222 : memref<1x1x1x8x128xf32, #tpu.memory_space<hbm>> -> memref<8x128xf32, #tpu.memory_space<hbm>>
    %dma_wait3A_224 = arith.constant 48 : i32
    %dma_wait3A_225 = arith.constant 0 : i32
    %dma_wait3A_226 = tpu.memref_slice %arg7[%dma_wait3A_207, %dma_wait3A_224, %dma_wait3A_225] : memref<2x64x129xf32, #tpu.memory_space<vmem>> -> memref<1x8x128xf32, #tpu.memory_space<vmem>>
    %dma_wait3A_227 = tpu.memref_squeeze %dma_wait3A_226 : memref<1x8x128xf32, #tpu.memory_space<vmem>> -> memref<8x128xf32, #tpu.memory_space<vmem>>
    tpu.wait_dma2 semaphore(%dma_wait3A_219 : memref<!tpu.dma_semaphore, #tpu.memory_space<semaphore_mem>>) src(%dma_wait3A_227 : memref<8x128xf32, #tpu.memory_space<vmem>>) dst(%dma_wait3A_223 : memref<8x128xf32, #tpu.memory_space<hbm>>)
    %dma_wait3A_228 = arith.constant 0 : i32
    %dma_wait3A_229 = arith.constant 7 : i32
    %dma_wait3A_230 = arith.constant 0 : i32
    %dma_wait3A_231 = arith.constant 56 : i32
    %dma_wait3A_232 = arith.constant 0 : i32
    %dma_wait3A_233 = tpu.memref_slice %arg7[%dma_wait3A_228, %dma_wait3A_231, %dma_wait3A_232] : memref<2x64x129xf32, #tpu.memory_space<vmem>> -> memref<1x8x128xf32, #tpu.memory_space<vmem>>
    %dma_wait3A_234 = tpu.memref_squeeze %dma_wait3A_233 : memref<1x8x128xf32, #tpu.memory_space<vmem>> -> memref<8x128xf32, #tpu.memory_space<vmem>>
    %dma_wait3A_235 = arith.constant 0 : i32
    %dma_wait3A_236 = arith.constant 0 : i32
    %dma_wait3A_237 = tpu.memref_slice %arg4[%select_n3A, %dma_wait3A_229, %select_n3A_81, %dma_wait3A_235, %dma_wait3A_236] : memref<50x8x128x8x128xf32, #tpu.memory_space<hbm>> -> memref<1x1x1x8x128xf32, #tpu.memory_space<hbm>>
    %dma_wait3A_238 = tpu.memref_squeeze %dma_wait3A_237 : memref<1x1x1x8x128xf32, #tpu.memory_space<hbm>> -> memref<8x128xf32, #tpu.memory_space<hbm>>
    %dma_wait3A_239 = tpu.memref_slice %arg9[%dma_wait3A_230] : memref<2x!tpu.dma_semaphore, #tpu.memory_space<semaphore_mem>> -> memref<1x!tpu.dma_semaphore, #tpu.memory_space<semaphore_mem>>
    %dma_wait3A_240 = tpu.memref_squeeze %dma_wait3A_239 : memref<1x!tpu.dma_semaphore, #tpu.memory_space<semaphore_mem>> -> memref<!tpu.dma_semaphore, #tpu.memory_space<semaphore_mem>>
    %dma_wait3A_241 = arith.constant 0 : i32
    %dma_wait3A_242 = arith.constant 0 : i32
    %dma_wait3A_243 = tpu.memref_slice %arg4[%select_n3A, %dma_wait3A_229, %select_n3A_81, %dma_wait3A_241, %dma_wait3A_242] : memref<50x8x128x8x128xf32, #tpu.memory_space<hbm>> -> memref<1x1x1x8x128xf32, #tpu.memory_space<hbm>>
    %dma_wait3A_244 = tpu.memref_squeeze %dma_wait3A_243 : memref<1x1x1x8x128xf32, #tpu.memory_space<hbm>> -> memref<8x128xf32, #tpu.memory_space<hbm>>
    %dma_wait3A_245 = arith.constant 56 : i32
    %dma_wait3A_246 = arith.constant 0 : i32
    %dma_wait3A_247 = tpu.memref_slice %arg7[%dma_wait3A_228, %dma_wait3A_245, %dma_wait3A_246] : memref<2x64x129xf32, #tpu.memory_space<vmem>> -> memref<1x8x128xf32, #tpu.memory_space<vmem>>
    %dma_wait3A_248 = tpu.memref_squeeze %dma_wait3A_247 : memref<1x8x128xf32, #tpu.memory_space<vmem>> -> memref<8x128xf32, #tpu.memory_space<vmem>>
    tpu.wait_dma2 semaphore(%dma_wait3A_240 : memref<!tpu.dma_semaphore, #tpu.memory_space<semaphore_mem>>) src(%dma_wait3A_248 : memref<8x128xf32, #tpu.memory_space<vmem>>) dst(%dma_wait3A_244 : memref<8x128xf32, #tpu.memory_space<hbm>>)
    %add3A_249 = arith.constant 199 : i32
    %add3A_250 = arith.addi %mul3A_2, %add3A_249 : i32
    %jit3A_251 = arith.constant 128 : i32
    %div3A_252 = arith.divsi %add3A_250, %jit3A_251 : i32
    %sign3A_253 = arith.constant 0 : i32
    %sign3A_254 = arith.cmpi sgt, %add3A_250, %sign3A_253 : i32
    %sign3A_255 = arith.extui %sign3A_254 : i1 to i32
    %sign3A_256 = arith.constant 0 : i32
    %sign3A_257 = arith.cmpi slt, %add3A_250, %sign3A_256 : i32
    %sign3A_258 = arith.extui %sign3A_257 : i1 to i32
    %sign3A_259 = arith.subi %sign3A_255, %sign3A_258 : i32
    %sign3A_260 = arith.constant 0 : i32
    %sign3A_261 = arith.cmpi sgt, %jit3A_251, %sign3A_260 : i32
    %sign3A_262 = arith.extui %sign3A_261 : i1 to i32
    %sign3A_263 = arith.constant 0 : i32
    %sign3A_264 = arith.cmpi slt, %jit3A_251, %sign3A_263 : i32
    %sign3A_265 = arith.extui %sign3A_264 : i1 to i32
    %sign3A_266 = arith.subi %sign3A_262, %sign3A_265 : i32
    %ne3A_267 = arith.cmpi ne, %sign3A_259, %sign3A_266 : i32
    %rem3A_268 = arith.remsi %add3A_250, %jit3A_251 : i32
    %ne3A_269 = arith.constant 0 : i32
    %ne3A_270 = arith.cmpi ne, %rem3A_268, %ne3A_269 : i32
    %and3A_271 = arith.andi %ne3A_267, %ne3A_270 : i1
    %sub3A_272 = arith.constant 1 : i32
    %sub3A_273 = arith.subi %div3A_252, %sub3A_272 : i32
    %select_n3A_274 = arith.select %and3A_271, %sub3A_273, %div3A_252 : i32
    %add3A_275 = arith.constant 199 : i32
    %add3A_276 = arith.addi %mul3A_2, %add3A_275 : i32
    %jit3A_277 = arith.constant 128 : i32
    %eq3A_278 = arith.constant 0 : i32
    %eq3A_279 = arith.cmpi eq, %jit3A_277, %eq3A_278 : i32
    %jit3A_280 = arith.constant 1 : i32
    %select_n3A_281 = arith.select %eq3A_279, %jit3A_280, %jit3A_277 : i32
    %rem3A_282 = arith.remsi %add3A_276, %select_n3A_281 : i32
    %ne3A_283 = arith.constant 0 : i32
    %ne3A_284 = arith.cmpi ne, %rem3A_282, %ne3A_283 : i32
    %lt3A_285 = arith.constant 0 : i32
    %lt3A_286 = arith.cmpi slt, %rem3A_282, %lt3A_285 : i32
    %lt3A_287 = arith.constant 0 : i32
    %lt3A_288 = arith.cmpi slt, %select_n3A_281, %lt3A_287 : i32
    %ne3A_289 = arith.xori %lt3A_286, %lt3A_288 : i1
    %and3A_290 = arith.andi %ne3A_289, %ne3A_284 : i1
    %add3A_291 = arith.addi %rem3A_282, %select_n3A_281 : i32
    %select_n3A_292 = arith.select %and3A_290, %add3A_291, %rem3A_282 : i32
    %dma_wait3A_293 = arith.constant 1 : i32
    %dma_wait3A_294 = arith.constant 0 : i32
    %dma_wait3A_295 = arith.constant 1 : i32
    %dma_wait3A_296 = arith.constant 0 : i32
    %dma_wait3A_297 = arith.constant 0 : i32
    %dma_wait3A_298 = tpu.memref_slice %arg7[%dma_wait3A_293, %dma_wait3A_296, %dma_wait3A_297] : memref<2x64x129xf32, #tpu.memory_space<vmem>> -> memref<1x8x128xf32, #tpu.memory_space<vmem>>
    %dma_wait3A_299 = tpu.memref_squeeze %dma_wait3A_298 : memref<1x8x128xf32, #tpu.memory_space<vmem>> -> memref<8x128xf32, #tpu.memory_space<vmem>>
    %dma_wait3A_300 = arith.constant 0 : i32
    %dma_wait3A_301 = arith.constant 0 : i32
    %dma_wait3A_302 = tpu.memref_slice %arg4[%select_n3A_274, %dma_wait3A_294, %select_n3A_292, %dma_wait3A_300, %dma_wait3A_301] : memref<50x8x128x8x128xf32, #tpu.memory_space<hbm>> -> memref<1x1x1x8x128xf32, #tpu.memory_space<hbm>>
    %dma_wait3A_303 = tpu.memref_squeeze %dma_wait3A_302 : memref<1x1x1x8x128xf32, #tpu.memory_space<hbm>> -> memref<8x128xf32, #tpu.memory_space<hbm>>
    %dma_wait3A_304 = tpu.memref_slice %arg9[%dma_wait3A_295] : memref<2x!tpu.dma_semaphore, #tpu.memory_space<semaphore_mem>> -> memref<1x!tpu.dma_semaphore, #tpu.memory_space<semaphore_mem>>
    %dma_wait3A_305 = tpu.memref_squeeze %dma_wait3A_304 : memref<1x!tpu.dma_semaphore, #tpu.memory_space<semaphore_mem>> -> memref<!tpu.dma_semaphore, #tpu.memory_space<semaphore_mem>>
    %dma_wait3A_306 = arith.constant 0 : i32
    %dma_wait3A_307 = arith.constant 0 : i32
    %dma_wait3A_308 = tpu.memref_slice %arg4[%select_n3A_274, %dma_wait3A_294, %select_n3A_292, %dma_wait3A_306, %dma_wait3A_307] : memref<50x8x128x8x128xf32, #tpu.memory_space<hbm>> -> memref<1x1x1x8x128xf32, #tpu.memory_space<hbm>>
    %dma_wait3A_309 = tpu.memref_squeeze %dma_wait3A_308 : memref<1x1x1x8x128xf32, #tpu.memory_space<hbm>> -> memref<8x128xf32, #tpu.memory_space<hbm>>
    %dma_wait3A_310 = arith.constant 0 : i32
    %dma_wait3A_311 = arith.constant 0 : i32
    %dma_wait3A_312 = tpu.memref_slice %arg7[%dma_wait3A_293, %dma_wait3A_310, %dma_wait3A_311] : memref<2x64x129xf32, #tpu.memory_space<vmem>> -> memref<1x8x128xf32, #tpu.memory_space<vmem>>
    %dma_wait3A_313 = tpu.memref_squeeze %dma_wait3A_312 : memref<1x8x128xf32, #tpu.memory_space<vmem>> -> memref<8x128xf32, #tpu.memory_space<vmem>>
    tpu.wait_dma2 semaphore(%dma_wait3A_305 : memref<!tpu.dma_semaphore, #tpu.memory_space<semaphore_mem>>) src(%dma_wait3A_313 : memref<8x128xf32, #tpu.memory_space<vmem>>) dst(%dma_wait3A_309 : memref<8x128xf32, #tpu.memory_space<hbm>>)
    %dma_wait3A_314 = arith.constant 1 : i32
    %dma_wait3A_315 = arith.constant 1 : i32
    %dma_wait3A_316 = arith.constant 1 : i32
    %dma_wait3A_317 = arith.constant 8 : i32
    %dma_wait3A_318 = arith.constant 0 : i32
    %dma_wait3A_319 = tpu.memref_slice %arg7[%dma_wait3A_314, %dma_wait3A_317, %dma_wait3A_318] : memref<2x64x129xf32, #tpu.memory_space<vmem>> -> memref<1x8x128xf32, #tpu.memory_space<vmem>>
    %dma_wait3A_320 = tpu.memref_squeeze %dma_wait3A_319 : memref<1x8x128xf32, #tpu.memory_space<vmem>> -> memref<8x128xf32, #tpu.memory_space<vmem>>
    %dma_wait3A_321 = arith.constant 0 : i32
    %dma_wait3A_322 = arith.constant 0 : i32
    %dma_wait3A_323 = tpu.memref_slice %arg4[%select_n3A_274, %dma_wait3A_315, %select_n3A_292, %dma_wait3A_321, %dma_wait3A_322] : memref<50x8x128x8x128xf32, #tpu.memory_space<hbm>> -> memref<1x1x1x8x128xf32, #tpu.memory_space<hbm>>
    %dma_wait3A_324 = tpu.memref_squeeze %dma_wait3A_323 : memref<1x1x1x8x128xf32, #tpu.memory_space<hbm>> -> memref<8x128xf32, #tpu.memory_space<hbm>>
    %dma_wait3A_325 = tpu.memref_slice %arg9[%dma_wait3A_316] : memref<2x!tpu.dma_semaphore, #tpu.memory_space<semaphore_mem>> -> memref<1x!tpu.dma_semaphore, #tpu.memory_space<semaphore_mem>>
    %dma_wait3A_326 = tpu.memref_squeeze %dma_wait3A_325 : memref<1x!tpu.dma_semaphore, #tpu.memory_space<semaphore_mem>> -> memref<!tpu.dma_semaphore, #tpu.memory_space<semaphore_mem>>
    %dma_wait3A_327 = arith.constant 0 : i32
    %dma_wait3A_328 = arith.constant 0 : i32
    %dma_wait3A_329 = tpu.memref_slice %arg4[%select_n3A_274, %dma_wait3A_315, %select_n3A_292, %dma_wait3A_327, %dma_wait3A_328] : memref<50x8x128x8x128xf32, #tpu.memory_space<hbm>> -> memref<1x1x1x8x128xf32, #tpu.memory_space<hbm>>
    %dma_wait3A_330 = tpu.memref_squeeze %dma_wait3A_329 : memref<1x1x1x8x128xf32, #tpu.memory_space<hbm>> -> memref<8x128xf32, #tpu.memory_space<hbm>>
    %dma_wait3A_331 = arith.constant 8 : i32
    %dma_wait3A_332 = arith.constant 0 : i32
    %dma_wait3A_333 = tpu.memref_slice %arg7[%dma_wait3A_314, %dma_wait3A_331, %dma_wait3A_332] : memref<2x64x129xf32, #tpu.memory_space<vmem>> -> memref<1x8x128xf32, #tpu.memory_space<vmem>>
    %dma_wait3A_334 = tpu.memref_squeeze %dma_wait3A_333 : memref<1x8x128xf32, #tpu.memory_space<vmem>> -> memref<8x128xf32, #tpu.memory_space<vmem>>
    tpu.wait_dma2 semaphore(%dma_wait3A_326 : memref<!tpu.dma_semaphore, #tpu.memory_space<semaphore_mem>>) src(%dma_wait3A_334 : memref<8x128xf32, #tpu.memory_space<vmem>>) dst(%dma_wait3A_330 : memref<8x128xf32, #tpu.memory_space<hbm>>)
    %dma_wait3A_335 = arith.constant 1 : i32
    %dma_wait3A_336 = arith.constant 2 : i32
    %dma_wait3A_337 = arith.constant 1 : i32
    %dma_wait3A_338 = arith.constant 16 : i32
    %dma_wait3A_339 = arith.constant 0 : i32
    %dma_wait3A_340 = tpu.memref_slice %arg7[%dma_wait3A_335, %dma_wait3A_338, %dma_wait3A_339] : memref<2x64x129xf32, #tpu.memory_space<vmem>> -> memref<1x8x128xf32, #tpu.memory_space<vmem>>
    %dma_wait3A_341 = tpu.memref_squeeze %dma_wait3A_340 : memref<1x8x128xf32, #tpu.memory_space<vmem>> -> memref<8x128xf32, #tpu.memory_space<vmem>>
    %dma_wait3A_342 = arith.constant 0 : i32
    %dma_wait3A_343 = arith.constant 0 : i32
    %dma_wait3A_344 = tpu.memref_slice %arg4[%select_n3A_274, %dma_wait3A_336, %select_n3A_292, %dma_wait3A_342, %dma_wait3A_343] : memref<50x8x128x8x128xf32, #tpu.memory_space<hbm>> -> memref<1x1x1x8x128xf32, #tpu.memory_space<hbm>>
    %dma_wait3A_345 = tpu.memref_squeeze %dma_wait3A_344 : memref<1x1x1x8x128xf32, #tpu.memory_space<hbm>> -> memref<8x128xf32, #tpu.memory_space<hbm>>
    %dma_wait3A_346 = tpu.memref_slice %arg9[%dma_wait3A_337] : memref<2x!tpu.dma_semaphore, #tpu.memory_space<semaphore_mem>> -> memref<1x!tpu.dma_semaphore, #tpu.memory_space<semaphore_mem>>
    %dma_wait3A_347 = tpu.memref_squeeze %dma_wait3A_346 : memref<1x!tpu.dma_semaphore, #tpu.memory_space<semaphore_mem>> -> memref<!tpu.dma_semaphore, #tpu.memory_space<semaphore_mem>>
    %dma_wait3A_348 = arith.constant 0 : i32
    %dma_wait3A_349 = arith.constant 0 : i32
    %dma_wait3A_350 = tpu.memref_slice %arg4[%select_n3A_274, %dma_wait3A_336, %select_n3A_292, %dma_wait3A_348, %dma_wait3A_349] : memref<50x8x128x8x128xf32, #tpu.memory_space<hbm>> -> memref<1x1x1x8x128xf32, #tpu.memory_space<hbm>>
    %dma_wait3A_351 = tpu.memref_squeeze %dma_wait3A_350 : memref<1x1x1x8x128xf32, #tpu.memory_space<hbm>> -> memref<8x128xf32, #tpu.memory_space<hbm>>
    %dma_wait3A_352 = arith.constant 16 : i32
    %dma_wait3A_353 = arith.constant 0 : i32
    %dma_wait3A_354 = tpu.memref_slice %arg7[%dma_wait3A_335, %dma_wait3A_352, %dma_wait3A_353] : memref<2x64x129xf32, #tpu.memory_space<vmem>> -> memref<1x8x128xf32, #tpu.memory_space<vmem>>
    %dma_wait3A_355 = tpu.memref_squeeze %dma_wait3A_354 : memref<1x8x128xf32, #tpu.memory_space<vmem>> -> memref<8x128xf32, #tpu.memory_space<vmem>>
    tpu.wait_dma2 semaphore(%dma_wait3A_347 : memref<!tpu.dma_semaphore, #tpu.memory_space<semaphore_mem>>) src(%dma_wait3A_355 : memref<8x128xf32, #tpu.memory_space<vmem>>) dst(%dma_wait3A_351 : memref<8x128xf32, #tpu.memory_space<hbm>>)
    %dma_wait3A_356 = arith.constant 1 : i32
    %dma_wait3A_357 = arith.constant 3 : i32
    %dma_wait3A_358 = arith.constant 1 : i32
    %dma_wait3A_359 = arith.constant 24 : i32
    %dma_wait3A_360 = arith.constant 0 : i32
    %dma_wait3A_361 = tpu.memref_slice %arg7[%dma_wait3A_356, %dma_wait3A_359, %dma_wait3A_360] : memref<2x64x129xf32, #tpu.memory_space<vmem>> -> memref<1x8x128xf32, #tpu.memory_space<vmem>>
    %dma_wait3A_362 = tpu.memref_squeeze %dma_wait3A_361 : memref<1x8x128xf32, #tpu.memory_space<vmem>> -> memref<8x128xf32, #tpu.memory_space<vmem>>
    %dma_wait3A_363 = arith.constant 0 : i32
    %dma_wait3A_364 = arith.constant 0 : i32
    %dma_wait3A_365 = tpu.memref_slice %arg4[%select_n3A_274, %dma_wait3A_357, %select_n3A_292, %dma_wait3A_363, %dma_wait3A_364] : memref<50x8x128x8x128xf32, #tpu.memory_space<hbm>> -> memref<1x1x1x8x128xf32, #tpu.memory_space<hbm>>
    %dma_wait3A_366 = tpu.memref_squeeze %dma_wait3A_365 : memref<1x1x1x8x128xf32, #tpu.memory_space<hbm>> -> memref<8x128xf32, #tpu.memory_space<hbm>>
    %dma_wait3A_367 = tpu.memref_slice %arg9[%dma_wait3A_358] : memref<2x!tpu.dma_semaphore, #tpu.memory_space<semaphore_mem>> -> memref<1x!tpu.dma_semaphore, #tpu.memory_space<semaphore_mem>>
    %dma_wait3A_368 = tpu.memref_squeeze %dma_wait3A_367 : memref<1x!tpu.dma_semaphore, #tpu.memory_space<semaphore_mem>> -> memref<!tpu.dma_semaphore, #tpu.memory_space<semaphore_mem>>
    %dma_wait3A_369 = arith.constant 0 : i32
    %dma_wait3A_370 = arith.constant 0 : i32
    %dma_wait3A_371 = tpu.memref_slice %arg4[%select_n3A_274, %dma_wait3A_357, %select_n3A_292, %dma_wait3A_369, %dma_wait3A_370] : memref<50x8x128x8x128xf32, #tpu.memory_space<hbm>> -> memref<1x1x1x8x128xf32, #tpu.memory_space<hbm>>
    %dma_wait3A_372 = tpu.memref_squeeze %dma_wait3A_371 : memref<1x1x1x8x128xf32, #tpu.memory_space<hbm>> -> memref<8x128xf32, #tpu.memory_space<hbm>>
    %dma_wait3A_373 = arith.constant 24 : i32
    %dma_wait3A_374 = arith.constant 0 : i32
    %dma_wait3A_375 = tpu.memref_slice %arg7[%dma_wait3A_356, %dma_wait3A_373, %dma_wait3A_374] : memref<2x64x129xf32, #tpu.memory_space<vmem>> -> memref<1x8x128xf32, #tpu.memory_space<vmem>>
    %dma_wait3A_376 = tpu.memref_squeeze %dma_wait3A_375 : memref<1x8x128xf32, #tpu.memory_space<vmem>> -> memref<8x128xf32, #tpu.memory_space<vmem>>
    tpu.wait_dma2 semaphore(%dma_wait3A_368 : memref<!tpu.dma_semaphore, #tpu.memory_space<semaphore_mem>>) src(%dma_wait3A_376 : memref<8x128xf32, #tpu.memory_space<vmem>>) dst(%dma_wait3A_372 : memref<8x128xf32, #tpu.memory_space<hbm>>)
    %dma_wait3A_377 = arith.constant 1 : i32
    %dma_wait3A_378 = arith.constant 4 : i32
    %dma_wait3A_379 = arith.constant 1 : i32
    %dma_wait3A_380 = arith.constant 32 : i32
    %dma_wait3A_381 = arith.constant 0 : i32
    %dma_wait3A_382 = tpu.memref_slice %arg7[%dma_wait3A_377, %dma_wait3A_380, %dma_wait3A_381] : memref<2x64x129xf32, #tpu.memory_space<vmem>> -> memref<1x8x128xf32, #tpu.memory_space<vmem>>
    %dma_wait3A_383 = tpu.memref_squeeze %dma_wait3A_382 : memref<1x8x128xf32, #tpu.memory_space<vmem>> -> memref<8x128xf32, #tpu.memory_space<vmem>>
    %dma_wait3A_384 = arith.constant 0 : i32
    %dma_wait3A_385 = arith.constant 0 : i32
    %dma_wait3A_386 = tpu.memref_slice %arg4[%select_n3A_274, %dma_wait3A_378, %select_n3A_292, %dma_wait3A_384, %dma_wait3A_385] : memref<50x8x128x8x128xf32, #tpu.memory_space<hbm>> -> memref<1x1x1x8x128xf32, #tpu.memory_space<hbm>>
    %dma_wait3A_387 = tpu.memref_squeeze %dma_wait3A_386 : memref<1x1x1x8x128xf32, #tpu.memory_space<hbm>> -> memref<8x128xf32, #tpu.memory_space<hbm>>
    %dma_wait3A_388 = tpu.memref_slice %arg9[%dma_wait3A_379] : memref<2x!tpu.dma_semaphore, #tpu.memory_space<semaphore_mem>> -> memref<1x!tpu.dma_semaphore, #tpu.memory_space<semaphore_mem>>
    %dma_wait3A_389 = tpu.memref_squeeze %dma_wait3A_388 : memref<1x!tpu.dma_semaphore, #tpu.memory_space<semaphore_mem>> -> memref<!tpu.dma_semaphore, #tpu.memory_space<semaphore_mem>>
    %dma_wait3A_390 = arith.constant 0 : i32
    %dma_wait3A_391 = arith.constant 0 : i32
    %dma_wait3A_392 = tpu.memref_slice %arg4[%select_n3A_274, %dma_wait3A_378, %select_n3A_292, %dma_wait3A_390, %dma_wait3A_391] : memref<50x8x128x8x128xf32, #tpu.memory_space<hbm>> -> memref<1x1x1x8x128xf32, #tpu.memory_space<hbm>>
    %dma_wait3A_393 = tpu.memref_squeeze %dma_wait3A_392 : memref<1x1x1x8x128xf32, #tpu.memory_space<hbm>> -> memref<8x128xf32, #tpu.memory_space<hbm>>
    %dma_wait3A_394 = arith.constant 32 : i32
    %dma_wait3A_395 = arith.constant 0 : i32
    %dma_wait3A_396 = tpu.memref_slice %arg7[%dma_wait3A_377, %dma_wait3A_394, %dma_wait3A_395] : memref<2x64x129xf32, #tpu.memory_space<vmem>> -> memref<1x8x128xf32, #tpu.memory_space<vmem>>
    %dma_wait3A_397 = tpu.memref_squeeze %dma_wait3A_396 : memref<1x8x128xf32, #tpu.memory_space<vmem>> -> memref<8x128xf32, #tpu.memory_space<vmem>>
    tpu.wait_dma2 semaphore(%dma_wait3A_389 : memref<!tpu.dma_semaphore, #tpu.memory_space<semaphore_mem>>) src(%dma_wait3A_397 : memref<8x128xf32, #tpu.memory_space<vmem>>) dst(%dma_wait3A_393 : memref<8x128xf32, #tpu.memory_space<hbm>>)
    %dma_wait3A_398 = arith.constant 1 : i32
    %dma_wait3A_399 = arith.constant 5 : i32
    %dma_wait3A_400 = arith.constant 1 : i32
    %dma_wait3A_401 = arith.constant 40 : i32
    %dma_wait3A_402 = arith.constant 0 : i32
    %dma_wait3A_403 = tpu.memref_slice %arg7[%dma_wait3A_398, %dma_wait3A_401, %dma_wait3A_402] : memref<2x64x129xf32, #tpu.memory_space<vmem>> -> memref<1x8x128xf32, #tpu.memory_space<vmem>>
    %dma_wait3A_404 = tpu.memref_squeeze %dma_wait3A_403 : memref<1x8x128xf32, #tpu.memory_space<vmem>> -> memref<8x128xf32, #tpu.memory_space<vmem>>
    %dma_wait3A_405 = arith.constant 0 : i32
    %dma_wait3A_406 = arith.constant 0 : i32
    %dma_wait3A_407 = tpu.memref_slice %arg4[%select_n3A_274, %dma_wait3A_399, %select_n3A_292, %dma_wait3A_405, %dma_wait3A_406] : memref<50x8x128x8x128xf32, #tpu.memory_space<hbm>> -> memref<1x1x1x8x128xf32, #tpu.memory_space<hbm>>
    %dma_wait3A_408 = tpu.memref_squeeze %dma_wait3A_407 : memref<1x1x1x8x128xf32, #tpu.memory_space<hbm>> -> memref<8x128xf32, #tpu.memory_space<hbm>>
    %dma_wait3A_409 = tpu.memref_slice %arg9[%dma_wait3A_400] : memref<2x!tpu.dma_semaphore, #tpu.memory_space<semaphore_mem>> -> memref<1x!tpu.dma_semaphore, #tpu.memory_space<semaphore_mem>>
    %dma_wait3A_410 = tpu.memref_squeeze %dma_wait3A_409 : memref<1x!tpu.dma_semaphore, #tpu.memory_space<semaphore_mem>> -> memref<!tpu.dma_semaphore, #tpu.memory_space<semaphore_mem>>
    %dma_wait3A_411 = arith.constant 0 : i32
    %dma_wait3A_412 = arith.constant 0 : i32
    %dma_wait3A_413 = tpu.memref_slice %arg4[%select_n3A_274, %dma_wait3A_399, %select_n3A_292, %dma_wait3A_411, %dma_wait3A_412] : memref<50x8x128x8x128xf32, #tpu.memory_space<hbm>> -> memref<1x1x1x8x128xf32, #tpu.memory_space<hbm>>
    %dma_wait3A_414 = tpu.memref_squeeze %dma_wait3A_413 : memref<1x1x1x8x128xf32, #tpu.memory_space<hbm>> -> memref<8x128xf32, #tpu.memory_space<hbm>>
    %dma_wait3A_415 = arith.constant 40 : i32
    %dma_wait3A_416 = arith.constant 0 : i32
    %dma_wait3A_417 = tpu.memref_slice %arg7[%dma_wait3A_398, %dma_wait3A_415, %dma_wait3A_416] : memref<2x64x129xf32, #tpu.memory_space<vmem>> -> memref<1x8x128xf32, #tpu.memory_space<vmem>>
    %dma_wait3A_418 = tpu.memref_squeeze %dma_wait3A_417 : memref<1x8x128xf32, #tpu.memory_space<vmem>> -> memref<8x128xf32, #tpu.memory_space<vmem>>
    tpu.wait_dma2 semaphore(%dma_wait3A_410 : memref<!tpu.dma_semaphore, #tpu.memory_space<semaphore_mem>>) src(%dma_wait3A_418 : memref<8x128xf32, #tpu.memory_space<vmem>>) dst(%dma_wait3A_414 : memref<8x128xf32, #tpu.memory_space<hbm>>)
    %dma_wait3A_419 = arith.constant 1 : i32
    %dma_wait3A_420 = arith.constant 6 : i32
    %dma_wait3A_421 = arith.constant 1 : i32
    %dma_wait3A_422 = arith.constant 48 : i32
    %dma_wait3A_423 = arith.constant 0 : i32
    %dma_wait3A_424 = tpu.memref_slice %arg7[%dma_wait3A_419, %dma_wait3A_422, %dma_wait3A_423] : memref<2x64x129xf32, #tpu.memory_space<vmem>> -> memref<1x8x128xf32, #tpu.memory_space<vmem>>
    %dma_wait3A_425 = tpu.memref_squeeze %dma_wait3A_424 : memref<1x8x128xf32, #tpu.memory_space<vmem>> -> memref<8x128xf32, #tpu.memory_space<vmem>>
    %dma_wait3A_426 = arith.constant 0 : i32
    %dma_wait3A_427 = arith.constant 0 : i32
    %dma_wait3A_428 = tpu.memref_slice %arg4[%select_n3A_274, %dma_wait3A_420, %select_n3A_292, %dma_wait3A_426, %dma_wait3A_427] : memref<50x8x128x8x128xf32, #tpu.memory_space<hbm>> -> memref<1x1x1x8x128xf32, #tpu.memory_space<hbm>>
    %dma_wait3A_429 = tpu.memref_squeeze %dma_wait3A_428 : memref<1x1x1x8x128xf32, #tpu.memory_space<hbm>> -> memref<8x128xf32, #tpu.memory_space<hbm>>
    %dma_wait3A_430 = tpu.memref_slice %arg9[%dma_wait3A_421] : memref<2x!tpu.dma_semaphore, #tpu.memory_space<semaphore_mem>> -> memref<1x!tpu.dma_semaphore, #tpu.memory_space<semaphore_mem>>
    %dma_wait3A_431 = tpu.memref_squeeze %dma_wait3A_430 : memref<1x!tpu.dma_semaphore, #tpu.memory_space<semaphore_mem>> -> memref<!tpu.dma_semaphore, #tpu.memory_space<semaphore_mem>>
    %dma_wait3A_432 = arith.constant 0 : i32
    %dma_wait3A_433 = arith.constant 0 : i32
    %dma_wait3A_434 = tpu.memref_slice %arg4[%select_n3A_274, %dma_wait3A_420, %select_n3A_292, %dma_wait3A_432, %dma_wait3A_433] : memref<50x8x128x8x128xf32, #tpu.memory_space<hbm>> -> memref<1x1x1x8x128xf32, #tpu.memory_space<hbm>>
    %dma_wait3A_435 = tpu.memref_squeeze %dma_wait3A_434 : memref<1x1x1x8x128xf32, #tpu.memory_space<hbm>> -> memref<8x128xf32, #tpu.memory_space<hbm>>
    %dma_wait3A_436 = arith.constant 48 : i32
    %dma_wait3A_437 = arith.constant 0 : i32
    %dma_wait3A_438 = tpu.memref_slice %arg7[%dma_wait3A_419, %dma_wait3A_436, %dma_wait3A_437] : memref<2x64x129xf32, #tpu.memory_space<vmem>> -> memref<1x8x128xf32, #tpu.memory_space<vmem>>
    %dma_wait3A_439 = tpu.memref_squeeze %dma_wait3A_438 : memref<1x8x128xf32, #tpu.memory_space<vmem>> -> memref<8x128xf32, #tpu.memory_space<vmem>>
    tpu.wait_dma2 semaphore(%dma_wait3A_431 : memref<!tpu.dma_semaphore, #tpu.memory_space<semaphore_mem>>) src(%dma_wait3A_439 : memref<8x128xf32, #tpu.memory_space<vmem>>) dst(%dma_wait3A_435 : memref<8x128xf32, #tpu.memory_space<hbm>>)
    %dma_wait3A_440 = arith.constant 1 : i32
    %dma_wait3A_441 = arith.constant 7 : i32
    %dma_wait3A_442 = arith.constant 1 : i32
    %dma_wait3A_443 = arith.constant 56 : i32
    %dma_wait3A_444 = arith.constant 0 : i32
    %dma_wait3A_445 = tpu.memref_slice %arg7[%dma_wait3A_440, %dma_wait3A_443, %dma_wait3A_444] : memref<2x64x129xf32, #tpu.memory_space<vmem>> -> memref<1x8x128xf32, #tpu.memory_space<vmem>>
    %dma_wait3A_446 = tpu.memref_squeeze %dma_wait3A_445 : memref<1x8x128xf32, #tpu.memory_space<vmem>> -> memref<8x128xf32, #tpu.memory_space<vmem>>
    %dma_wait3A_447 = arith.constant 0 : i32
    %dma_wait3A_448 = arith.constant 0 : i32
    %dma_wait3A_449 = tpu.memref_slice %arg4[%select_n3A_274, %dma_wait3A_441, %select_n3A_292, %dma_wait3A_447, %dma_wait3A_448] : memref<50x8x128x8x128xf32, #tpu.memory_space<hbm>> -> memref<1x1x1x8x128xf32, #tpu.memory_space<hbm>>
    %dma_wait3A_450 = tpu.memref_squeeze %dma_wait3A_449 : memref<1x1x1x8x128xf32, #tpu.memory_space<hbm>> -> memref<8x128xf32, #tpu.memory_space<hbm>>
    %dma_wait3A_451 = tpu.memref_slice %arg9[%dma_wait3A_442] : memref<2x!tpu.dma_semaphore, #tpu.memory_space<semaphore_mem>> -> memref<1x!tpu.dma_semaphore, #tpu.memory_space<semaphore_mem>>
    %dma_wait3A_452 = tpu.memref_squeeze %dma_wait3A_451 : memref<1x!tpu.dma_semaphore, #tpu.memory_space<semaphore_mem>> -> memref<!tpu.dma_semaphore, #tpu.memory_space<semaphore_mem>>
    %dma_wait3A_453 = arith.constant 0 : i32
    %dma_wait3A_454 = arith.constant 0 : i32
    %dma_wait3A_455 = tpu.memref_slice %arg4[%select_n3A_274, %dma_wait3A_441, %select_n3A_292, %dma_wait3A_453, %dma_wait3A_454] : memref<50x8x128x8x128xf32, #tpu.memory_space<hbm>> -> memref<1x1x1x8x128xf32, #tpu.memory_space<hbm>>
    %dma_wait3A_456 = tpu.memref_squeeze %dma_wait3A_455 : memref<1x1x1x8x128xf32, #tpu.memory_space<hbm>> -> memref<8x128xf32, #tpu.memory_space<hbm>>
    %dma_wait3A_457 = arith.constant 56 : i32
    %dma_wait3A_458 = arith.constant 0 : i32
    %dma_wait3A_459 = tpu.memref_slice %arg7[%dma_wait3A_440, %dma_wait3A_457, %dma_wait3A_458] : memref<2x64x129xf32, #tpu.memory_space<vmem>> -> memref<1x8x128xf32, #tpu.memory_space<vmem>>
    %dma_wait3A_460 = tpu.memref_squeeze %dma_wait3A_459 : memref<1x8x128xf32, #tpu.memory_space<vmem>> -> memref<8x128xf32, #tpu.memory_space<vmem>>
    tpu.wait_dma2 semaphore(%dma_wait3A_452 : memref<!tpu.dma_semaphore, #tpu.memory_space<semaphore_mem>>) src(%dma_wait3A_460 : memref<8x128xf32, #tpu.memory_space<vmem>>) dst(%dma_wait3A_456 : memref<8x128xf32, #tpu.memory_space<hbm>>)
    return
  }
}

</mosaic_0001>

<sc_bundles>
// kernel: kernel.3.cloned.1.call-start
scs
__scs_entry_jumppad:
0x0: {  	(pc) =	sbr.rel $0x88, $3  }
0x1: {  	(tag) =	ssettag $0x0;
	lr =	simm.s32 $0x1  }
0x2: {  	[smem:$0x3F9F] =	sst lr;
	_ =	strace $0xD0000000  }
0x3: {  	_ = 	snop  }
0x4: {  	_ = 	snop  }
0x5: {  	_ = 	snop  }
0x6: {  	_ = 	snop  }
0x7: {  	_ = 	snop  }
__scs_overlays_trampoline_lowered:
0x8: {  	[smem:$0x3FAE] =	sst s0  }
0x9: {  	[smem:$0x3FAF] =	sst s1  }
0xa: {  	[smem:$0x3FB0] =	sst s2  }
0xb: {  	[smem:$0x3FB1] =	sst s3  }
0xc: {  	[smem:$0x3FB2] =	sst s4  }
0xd: {  	[smem:$0x3FB3] =	sst s5  }
0xe: {  	[smem:$0x3FB4] =	sst s6  }
0xf: {  	[smem:$0x3FB5] =	sst s7  }
0x10: {  	[smem:$0x3FB6] =	sst s8  }
0x11: {  	[smem:$0x3FB7] =	sst s9;
	s0 =	simm.s32 @!p0 $0x0  }
0x12: {  	s1 =	sld [smem:$0x3F9D];
	s0 =	simm.s32 @p0 $0x1  }
0x13: {  	[smem:$0x3FB8] =	sst s0;
	s0 =	simm.s32 @!p1 $0x0  }
0x14: {  	s2 =	sld [smem:$0x3F9C];
	s0 =	simm.s32 @p1 $0x1  }
0x15: {  	[smem:$0x3FB9] =	sst s0;
	s0 =	simm.s32 @!p2 $0x0  }
0x16: {  	s3 =	sld [smem:$0x3FDB];
	s0 =	simm.s32 @p2 $0x1  }
0x17: {  	s4 =	simm.s32 $0x1BF5;
	[smem:$0x3FBB] =	sst s0  }
0x18: {  	s0 =	sld [smem:$0x3F9E];
	_ =	swait.ge [sflag:s4], $0x0  }
0x19: {  	s7 =	sld [smem:$0x3F9F]  }
0x1a: {  	s8 =	sadd.s32 $0xFFFFE003, lr  }
0x1b: {  	s9 =	sadd.s32 $0xFFFFFEF7, lr;
	s5 =	simm.s32 $0xFFFFFFFF;
	p2 =	slt.u32 s8, $0xFFFFF086  }
0x1c: {  	p1 =	slt.u32 s9, $0xF7A;
	s5 =	simm.s32 @!p2 $0x0  }
0x1d: {  	s5 =	simm.s32 @p1 $0x1;
	p0 =	seq.s32 s7, s2  }
0x1e: {  	s7 =	smul.u32 @!p0 $0xF7A, s2;
	p2 =	seq.s32 @!p0 s5, $0x0  }
0x1f: {  	s9 =	smul.u32 $0xF7A, s1;
	s8 =	simm.s32 @!p0 $0x1BF5;
	p2 =	por !p2, p0  }
0x20: {  	[sflag:s8] =	ssyncset.s32 @!p0 $0xFFFFF086;
	s6 =	sadd.s32 @!p0 s3, s7;
	s7 =	simm.s32 @!p0 $0x108  }
0x21: {  	s3 =	sadd.s32 s3, s9;
	s6 =	sadd.s32 @!p0 $0x88, s6;
	s7 =	simm.s32 @p2 $0x1082  }
0x22: {  	[simem:s7], [sflag:s8] =	dma.local @!p0 [hbm:s6], $0xF7A  }
0x23: {  	s9 =	sor.u32 $0xD0000000, s2;
	s6 =	simm.s32 $0x108;
	_ =	swait.ge @!p0 [sflag:s8], $0x0  }
0x24: {  	s3 =	sadd.s32 $0x88, s3;
	s6 =	simm.s32 @!p1 $0x1082;
	[sflag:s4] =	ssyncset.s32 $0xFFFFF086  }
0x25: {  	[simem:s6], [sflag:s4] =	dma.local [hbm:s3], $0xF7A  }
0x26: {  	[smem:$0x3F9F] =	sst s1;
	(tag) =	ssettag s2;
	_ =	strace s9  }
0x27: {  	s1 =	sld [smem:$0x3FAF]  }
0x28: {  	s2 =	sld [smem:$0x3FB0]  }
0x29: {  	s4 =	sld [smem:$0x3FB2]  }
0x2a: {  	p0 =	seq.s32 s5, $0x0;
	s5 =	sld [smem:$0x3FB3]  }
0x2b: {  	s6 =	sld [smem:$0x3FB4]  }
0x2c: {  	s7 =	sld [smem:$0x3FB5]  }
0x2d: {  	s3 =	simm.s32 $0x108;
	s8 =	sld [smem:$0x3FB6]  }
0x2e: {  	s3 =	simm.s32 @!p0 $0x1082;
	s9 =	sld [smem:$0x3FB7]  }
0x2f: {  	lr =	sadd.s32 s0, s3;
	s0 =	sld [smem:$0x3FAE]  }
0x30: {  	s3 =	sld [smem:$0x3FB1]  }
0x31: {  	[smem:$0x3FBA] =	sst s10  }
0x32: {  	s10 =	sld [smem:$0x3FB8];
	_ =	sdelay $0x3  }
0x33: {  	p0 =	seq.s32 s10, $0x1;
	s10 =	sld [smem:$0x3FBA];
	_ =	sdelay $0x3  }
0x34: {  	[smem:$0x3FBA] =	sst s10  }
0x35: {  	s10 =	sld [smem:$0x3FB9];
	_ =	sdelay $0x3  }
0x36: {  	p1 =	seq.s32 s10, $0x1;
	s10 =	sld [smem:$0x3FBA];
	_ =	sdelay $0x3  }
0x37: {  	[smem:$0x3FBA] =	sst s10  }
0x38: {  	s10 =	sld [smem:$0x3FBB]  }
0x39: {  	_ = 	snop;
	(pc) =	sbr.ind lr, $3  }
0x3a: {  	_ = 	snop  }
0x3b: {  	_ = 	snop  }
0x3c: {  	p2 =	seq.s32 s10, $0x1;
	s10 =	sld [smem:$0x3FBA]  }
0x3d: {  	_ =	shalt  }
0x3e: {  	_ =	shalt  }
0x3f: {  	_ =	shalt  }
0x40: {  	_ =	shalt  }
0x41: {  	_ =	shalt  }
0x42: {  	_ =	shalt  }
0x43: {  	_ =	shalt  }
0x44: {  	_ =	shalt  }
0x45: {  	_ =	shalt  }
0x46: {  	_ =	shalt  }
0x47: {  	_ =	shalt  }
0x48: {  	_ =	shalt  }
0x49: {  	_ =	shalt  }
0x4a: {  	_ =	shalt  }
0x4b: {  	_ =	shalt  }
0x4c: {  	_ =	shalt  }
0x4d: {  	_ =	shalt  }
0x4e: {  	_ =	shalt  }
0x4f: {  	_ =	shalt  }
0x50: {  	_ =	shalt  }
0x51: {  	_ =	shalt  }
0x52: {  	_ =	shalt  }
0x53: {  	_ =	shalt  }
0x54: {  	_ =	shalt  }
0x55: {  	_ =	shalt  }
0x56: {  	_ =	shalt  }
0x57: {  	_ =	shalt  }
0x58: {  	_ =	shalt  }
0x59: {  	_ =	shalt  }
0x5a: {  	_ =	shalt  }
0x5b: {  	_ =	shalt  }
0x5c: {  	_ =	shalt  }
0x5d: {  	_ =	shalt  }
0x5e: {  	_ =	shalt  }
0x5f: {  	_ =	shalt  }
0x60: {  	_ =	shalt  }
0x61: {  	_ =	shalt  }
0x62: {  	_ =	shalt  }
0x63: {  	_ =	shalt  }
0x64: {  	_ =	shalt  }
0x65: {  	_ =	shalt  }
0x66: {  	_ =	shalt  }
0x67: {  	_ =	shalt  }
0x68: {  	_ =	shalt  }
0x69: {  	_ =	shalt  }
0x6a: {  	_ =	shalt  }
0x6b: {  	_ =	shalt  }
0x6c: {  	_ =	shalt  }
0x6d: {  	_ =	shalt  }
0x6e: {  	_ =	shalt  }
0x6f: {  	_ =	shalt  }
0x70: {  	_ =	shalt  }
0x71: {  	_ =	shalt  }
0x72: {  	_ =	shalt  }
0x73: {  	_ =	shalt  }
0x74: {  	_ =	shalt  }
0x75: {  	_ =	shalt  }
0x76: {  	_ =	shalt  }
0x77: {  	_ =	shalt  }
0x78: {  	_ =	shalt  }
0x79: {  	_ =	shalt  }
0x7a: {  	_ =	shalt  }
0x7b: {  	_ =	shalt  }
0x7c: {  	_ =	shalt  }
0x7d: {  	_ =	shalt  }
0x7e: {  	_ =	shalt  }
0x7f: {  	_ =	shalt  }
0x80: {  	_ =	shalt  }
0x81: {  	_ =	shalt  }
0x82: {  	_ =	shalt  }
0x83: {  	_ =	shalt  }
0x84: {  	_ =	shalt  }
0x85: {  	_ =	shalt  }
0x86: {  	_ =	shalt  }
0x87: {  	_ =	shalt  }
.Lfunc_end0:
.L_simem_size_0:
called_computation_lowered:
.L_overlay_start_0:
0x88: {  	s2 =	sld [smem:$0x3FD9]  }
0x89: {  	s3 =	sld [smem:$0x3FFE];
	_ =	sdelay $0x1  }
0x8a: {  	s1 =	srdreg.scid  }
0x8b: {  	s0 =	sand.u32 $0x1, s1  }
0x8c: {  	s17 =	sshll.u32 s0, $0xA;
	s2 =	sadd.s32 s3, s2  }
0x8d: {  	s2 =	sadd.s32 s2, s17  }
0x8e: {  	[smem:$0x3FC6] =	sst s2  }
0x8f: {  	_ = 	snop  }
0x90: {  	s2 =	sld [smem:$0x3FD0];
	(tm) =	ssettm $0x1  }
0x91: {  	s18 =	sld [smem:$0x3FFB];
	_ =	sdelay $0x3  }
0x92: {  	_ =	strace s18  }
0x93: {  	s3 =	sld [smem:$0x3FFC];
	_ =	sdelay $0x3  }
0x94: {  	_ =	strace s3  }
0x95: {  	s3 =	sld [smem:$0x3FFD];
	_ =	sdelay $0x3  }
0x96: {  	_ =	strace s3  }
0x97: {  	_ =	strace $0x8FFFFFFF  }
0x98: {  	s19 =	sld [smem:$0x3FDB];
	_ =	sdelay $0x1  }
0x99: {  	s4 =	simm.s32 $_scs_section_size  }
0x9a: {  	s5 =	simm.s32 $_size__tile_overlayer_lowered;
	s6 =	simm.s32 $_tile_overlayer_lowered  }
0x9b: {  	s22 =	simm.s32 $0x1BFF;
	s21 =	sshll.u32 s6, $0x1;
	s3 =	sadd.s32 s4, s19  }
0x9c: {  	s7 =	simm.s32 $0x0;
	s20 =	sshll.u32 s5, $0x1;
	s5 =	sadd.s32 s21, s3  }
0x9d: {  	[timem:s7], [sflag:s22] =	dma.local [hbm:s5], s20  }
0x9e: {  	_ =	swait.ge [sflag:s22], s20  }
0x9f: {  	s4 =	ssub.s32 $0x0, s20;
	[sflag:s22] =	ssyncset.done $0x0  }
0xa0: {  	[sflag:s22] =	ssyncadd.s32 s4;
	_ =	sdelay $0x1  }
0xa1: {  	s23 =	simm.s32 $0x1B8B  }
0xa2: {  	_ =	swait.ge [sflag:s23], $0x1  }
0xa3: {  	[sflag:s23] =	ssyncset.done $0x0  }
0xa4: {  	s25 =	simm.s32 $0x1B8E;
	s24 =	sld [smem:$0x3FFE];
	[sflag:s23] =	ssyncadd.s32 $0xFFFFFFFF  }
0xa5: {  	s26 =	simm.s32 $execute0_lowered;
	[smem:$0x3FD2] =	sst s25  }
0xa6: {  	s5 =	sshll.u32 s26, $0x1;
	_ =	strace $0x80000046;
	[dreg:$0x1] =	wrdreg $0xFFFFFFFF  }
0xa7: {  	s28 =	simm.s32 $_size_execute0_lowered;
	s3 =	sadd.s32 s3, s5;
	[dreg:$0x0] =	wrdreg $0x0  }
0xa8: {  	s5 =	sshll.u32 s28, $0x1;
	[dreg:$0x2] =	wrdreg s3  }
0xa9: {  	[dreg:$0x3] =	wrdreg s5  }
0xaa: {  	[dreg:$0x4] =	wrdreg $0xC0  }
0xab: {  	_ =	task [dreg:s7], $0x5FFFF  }
0xac: {  	[dreg:$0x1] =	wrdreg $0xFFFFFFFF  }
0xad: {  	[dreg:$0x0] =	wrdreg $0x60  }
0xae: {  	[dreg:$0x2] =	wrdreg s24  }
0xaf: {  	[dreg:$0x3] =	wrdreg s2  }
0xb0: {  	[dreg:$0x4] =	wrdreg $0x9  }
0xb1: {  	_ =	task.clear_ibuf [dreg:s7], $0x5FFFF;
	_ =	strace $0x90000046  }
0xb2: {  	s29 =	simm.s32 $0x9;
	_ =	strace $0x80000048  }
0xb3: {  	_ =	swait.ge [sflag:s29], $0x1  }
0xb4: {  	[sflag:s29] =	ssyncadd.s32 $0xFFFFFFFF  }
0xb5: {  	_ =	strace $0x90000048  }
0xb6: {  	_ =	sfence  }
0xb7: {  	s30 =	sld [smem:$0x0];
	_ =	sdelay $0x2  }
0xb8: {  	s31 =	sshll.u32 s1, $0xD;
	s1 =	sshrl.u32 s1, $0x2  }
0xb9: {  	s3 =	sand.u32 $0x4000, s31;
	s1 =	sadd.s32 s1, s30  }
0xba: {  	s0 =	sor.u32 s3, s0;
	s1 =	sshll.u32 s1, $0x11  }
0xbb: {  	s0 =	sor.u32 s1, s0  }
0xbc: {  	s0 =	sadd.s32 $0x8F2B, s0  }
0xbd: {  	[sflag:s0] =	ssyncadd.remote.s32 $0x1  }
0xbe: {  	_ =	sfence.sel $0xFFFF  }
0xbf: {  	[dreg:$0x0] =	wrdreg $0xFFFFFFFF;
	(pc) =	sbr.abs _section_cstart, $3  }
0xc0: {  	[dreg:$0x1] =	wrdreg $0xFFFFFFFF  }
0xc1: {  	_ =	task.clear_ibuf [dreg:s7], $0x2FFFF;
	_ =	strace $0x9FFFFFFF  }
0xc2: {  	(tm) =	ssettm $0x7FFFFFFF  }
0xc3: {  	_ =	shalt  }
tec
execute0_lowered:
.L_overlay_start_1:
0x0: {  	(tag) =	ssettag $0x1  }
0x1: {  	s0 =	rddreg [dreg:$0x0];
	s1 =	srdreg.scid  }
0x2: {  	s3 =	stileid.u32;
	s2 =	rddreg [dreg:$0x1]  }
0x3: {  	s19 =	simm.s32 $0x1;
	s20 =	simm.s32 $0xA400;
	s16 =	simm.s32 $0xC600  }
0x4: {  	s23 =	simm.s32 $0xE3C0;
	s24 =	simm.s32 $0xE448;
	s25 =	simm.s32 $0xE4D0  }
0x5: {  	s28 =	simm.s32 $0xE5E0;
	s29 =	simm.s32 $0xE668;
	s30 =	simm.s32 $0xE6F0  }
0x6: {  	s31 =	simm.s32 $0xE778;
	s14 =	simm.s32 $0x0;
	s22 =	simm.s32 $0x80  }
0x7: {  	s1 =	sand.u32 $0x1, s1;
	s4 =	sshll.u32 s3, $0x1;
	s3 =	simm.s32 $0x0  }
0x8: {  	s8 =	sadd.s32 $0x8000, s2;
	s9 =	sadd.s32 $0xC000, s2;
	s10 =	sadd.s32 $0x10000, s2  }
0x9: {  	s11 =	sadd.s32 $0x14000, s2;
	s12 =	sadd.s32 $0x18000, s2;
	s5 =	sor.u32 s1, s4  }
0xa: {  	s13 =	sadd.s32 $0x1C000, s2;
	s1 =	ssub.s32 $0x2, s1;
	s6 =	smul.u32 $0xC80, s5  }
.Ltmp0:
0xb: {  	[smem:$0x7FF] =	sst s3;
	s7 =	sshrl.u32 s1, $0x1;
	(pc) =	sbr.rel .LBB2_1-.Ltmp0, $4  }
0xc: {  	v0 =	vlaneseq.u32;
	s4 =	sadd.s32 $0xF42A00, s0;
	_ =	strace $0x80000047;
	s1 =	ssub.s32 s1, s7  }
0xd: {  	v0 =	vmul.u32 $0x88, v0;
	s5 =	smul.u32 $0xC8, s5;
	s0 =	sadd.s32 s6, s0;
	s26 =	smax.u32 s1, $0x1  }
0xe: {  	s7 =	sadd.s32 $0x4000, s2;
	s0 =	sadd.s32 $0x600, s0;
	[dreg:$0x4] =	wrdreg s26  }
0xf: {  	v1 =	vadd.s32 $0x880, v0;
	v2 =	vadd.s32 $0x1100, v0;
	v3 =	vadd.s32 $0x1980, v0;
	s26 =	simm.s32 $0xE558;
	[dreg:$0x3] =	wrdreg s0;
	s0 =	simm.s32 $0x2  }
.LBB2_8:
0x10: {  	s1 =	simm.s32 $0x3  }
0x11: {  	_ =	swait.ge [sflag:s1], $0x400  }
0x12: {  	[sflag:s1] =	ssyncset.done $0x0  }
0x13: {  	[sflag:s1] =	ssyncadd.s32 $0xFFFFFC00  }
0x14: {  	_ =	swait.ge [sflag:s1], $0x400  }
0x15: {  	[sflag:s1] =	ssyncset.done $0x0  }
0x16: {  	[sflag:s1] =	ssyncadd.s32 $0xFFFFFC00  }
0x17: {  	_ =	swait.ge [sflag:s1], $0x400  }
0x18: {  	[sflag:s1] =	ssyncset.done $0x0  }
0x19: {  	[sflag:s1] =	ssyncadd.s32 $0xFFFFFC00  }
0x1a: {  	_ =	swait.ge [sflag:s1], $0x400  }
0x1b: {  	[sflag:s1] =	ssyncset.done $0x0  }
0x1c: {  	[sflag:s1] =	ssyncadd.s32 $0xFFFFFC00  }
0x1d: {  	_ =	swait.ge [sflag:s1], $0x400  }
0x1e: {  	[sflag:s1] =	ssyncset.done $0x0  }
0x1f: {  	[sflag:s1] =	ssyncadd.s32 $0xFFFFFC00  }
0x20: {  	_ =	swait.ge [sflag:s1], $0x400  }
0x21: {  	[sflag:s1] =	ssyncset.done $0x0  }
0x22: {  	[sflag:s1] =	ssyncadd.s32 $0xFFFFFC00  }
0x23: {  	_ =	swait.ge [sflag:s1], $0x400  }
0x24: {  	[sflag:s1] =	ssyncset.done $0x0  }
0x25: {  	[sflag:s1] =	ssyncadd.s32 $0xFFFFFC00  }
0x26: {  	_ =	swait.ge [sflag:s1], $0x400  }
0x27: {  	[sflag:s1] =	ssyncset.done $0x0  }
0x28: {  	s6 =	simm.s32 $0x4;
	[sflag:s1] =	ssyncadd.s32 $0xFFFFFC00  }
0x29: {  	_ =	swait.ge [sflag:s6], $0x400  }
0x2a: {  	[sflag:s6] =	ssyncset.done $0x0  }
0x2b: {  	[sflag:s6] =	ssyncadd.s32 $0xFFFFFC00  }
0x2c: {  	_ =	swait.ge [sflag:s6], $0x400  }
0x2d: {  	[sflag:s6] =	ssyncset.done $0x0  }
0x2e: {  	[sflag:s6] =	ssyncadd.s32 $0xFFFFFC00  }
0x2f: {  	_ =	swait.ge [sflag:s6], $0x400  }
0x30: {  	[sflag:s6] =	ssyncset.done $0x0  }
0x31: {  	[sflag:s6] =	ssyncadd.s32 $0xFFFFFC00  }
0x32: {  	_ =	swait.ge [sflag:s6], $0x400  }
0x33: {  	[sflag:s6] =	ssyncset.done $0x0  }
0x34: {  	[sflag:s6] =	ssyncadd.s32 $0xFFFFFC00  }
0x35: {  	_ =	swait.ge [sflag:s6], $0x400  }
0x36: {  	[sflag:s6] =	ssyncset.done $0x0  }
0x37: {  	[sflag:s6] =	ssyncadd.s32 $0xFFFFFC00  }
0x38: {  	_ =	swait.ge [sflag:s6], $0x400  }
0x39: {  	[sflag:s6] =	ssyncset.done $0x0  }
0x3a: {  	[sflag:s6] =	ssyncadd.s32 $0xFFFFFC00  }
0x3b: {  	_ =	swait.ge [sflag:s6], $0x400  }
0x3c: {  	[sflag:s6] =	ssyncset.done $0x0  }
0x3d: {  	[sflag:s6] =	ssyncadd.s32 $0xFFFFFC00  }
0x3e: {  	_ =	swait.ge [sflag:s6], $0x400  }
0x3f: {  	s14 =	rddreg [dreg:$0x5]  }
0x40: {  	s21 =	rddreg [dreg:$0x4];
	s14 =	sadd.s32 $0x1, s14  }
0x41: {  	p0 =	sne.s32 s14, s21  }
.Ltmp1:
0x42: {  	_ = 	snop;
	(pc) =	sbr.rel @!p0 .LBB2_9-.Ltmp1, $3  }
0x43: {  	_ =	sdelay $0x1  }
0x44: {  	[sflag:s6] =	ssyncset.done $0x0  }
0x45: {  	[sflag:s6] =	ssyncadd.s32 $0xFFFFFC00  }
.LBB2_1:
0x46: {  	[dreg:$0x5] =	wrdreg s14  }
0x47: {  	s1 =	rddreg [dreg:$0x3];
	s17 =	simm.s32 $0x5  }
0x48: {  	[tilespmem:s3], [sflag:$0x5] =	stream.linear.gather [hbm4b:s1+s3], $0x6400, $0x38;
	[tilespmem:$0xE800] =	vst v63  }
0x49: {  	_ =	swait.ge [sflag:s17], $0x6400  }
0x4a: {  	[sflag:s17] =	ssyncset.done $0x0  }
0x4b: {  	s18 =	simm.s32 $0x80;
	s6 =	simm.s32 $0x6400;
	[sflag:s17] =	ssyncadd.s32 $0xFFFF9C00  }
0x4c: {  	[tilespmem:s6], [sflag:$0x1] =	stream.indirect.gather [hbm4b:s4+s18], $0x40, s3, s18, $0xb8;
	[tilespmem:$0xE800] =	vst v63  }
0x4d: {  	s21 =	simm.s32 $0x8400;
	s1 =	simm.s32 $0x0  }
0x4e: {  	[tilespmem:s21], [sflag:$0x2] =	stream.indirect.gather [hbm4b:s4+s18], $0x40, s18, s18, $0xb8;
	[tilespmem:$0xE800] =	vst v63  }
.LBB2_2:
0x4f: {  	_ =	swait.ge [sflag:s19], $0x2000  }
0x50: {  	p0 =	seq.s32 s1, $0x0;
	[sflag:s19] =	ssyncset.done $0x0  }
0x51: {  	s6 =	simm.s32 @!p0 $0x3;
	[sflag:s19] =	ssyncadd.s32 $0xFFFFE000  }
0x52: {  	_ =	swait.ge @!p0 [sflag:s6], $0x400  }
0x53: {  	[sflag:s6] =	ssyncset.done @!p0 $0x0  }
0x54: {  	[sflag:s6] =	ssyncadd.s32 @!p0 $0xFFFFFC00  }
0x55: {  	_ =	swait.ge @!p0 [sflag:s6], $0x400  }
0x56: {  	[sflag:s6] =	ssyncset.done @!p0 $0x0  }
0x57: {  	[sflag:s6] =	ssyncadd.s32 @!p0 $0xFFFFFC00  }
0x58: {  	_ =	swait.ge @!p0 [sflag:s6], $0x400  }
0x59: {  	[sflag:s6] =	ssyncset.done @!p0 $0x0  }
0x5a: {  	[sflag:s6] =	ssyncadd.s32 @!p0 $0xFFFFFC00  }
0x5b: {  	_ =	swait.ge @!p0 [sflag:s6], $0x400  }
0x5c: {  	[sflag:s6] =	ssyncset.done @!p0 $0x0  }
0x5d: {  	[sflag:s6] =	ssyncadd.s32 @!p0 $0xFFFFFC00  }
0x5e: {  	_ =	swait.ge @!p0 [sflag:s6], $0x400  }
0x5f: {  	[sflag:s6] =	ssyncset.done @!p0 $0x0  }
0x60: {  	[sflag:s6] =	ssyncadd.s32 @!p0 $0xFFFFFC00  }
0x61: {  	_ =	swait.ge @!p0 [sflag:s6], $0x400  }
0x62: {  	[sflag:s6] =	ssyncset.done @!p0 $0x0  }
0x63: {  	[sflag:s6] =	ssyncadd.s32 @!p0 $0xFFFFFC00  }
0x64: {  	_ =	swait.ge @!p0 [sflag:s6], $0x400  }
0x65: {  	[sflag:s6] =	ssyncset.done @!p0 $0x0  }
0x66: {  	[sflag:s6] =	ssyncadd.s32 @!p0 $0xFFFFFC00  }
0x67: {  	s14 =	simm.s32 $0x3;
	_ =	swait.ge @!p0 [sflag:s6], $0x400  }
0x68: {  	s18 =	simm.s32 $0x0;
	v4 =	vmov s14;
	[sflag:s6] =	ssyncset.done @!p0 $0x0  }
0x69: {  	s21 =	simm.s32 $0x1;
	s14 =	simm.s32 $0x6480;
	v5 =	vand.u32 $0x7F, v4;
	v4 =	vmov s18;
	[sflag:s6] =	ssyncadd.s32 @!p0 $0xFFFFFC00  }
0x6a: {  	v8 =	vadd.s32 v0, v5;
	v6 =	vand.u32 $0x7C, v4;
	v4 =	vmov s21;
	v7 =	vld [tilespmem:s14+$0x40]  }
0x6b: {  	v10 =	vadd.s32 v0, v6;
	v11 =	vand.u32 $0x7D, v4;
	v9 =	vld [tilespmem:s14+$0xFFFFFF80]  }
0x6c: {  	s15 =	simm.s32 $0x2;
	v12 =	vadd.s32 v0, v11;
	v4 =	vld [tilespmem:s14+$0xFFFFFFC0]  }
0x6d: {  	v13 =	vmov s15  }
0x6e: {  	v13 =	vand.u32 $0x7E, v13  }
0x6f: {  	v15 =	vadd.s32 v0, v13;
	v14 =	vld [tilespmem:s14+$0x0];
	[tilespmem:v8+s20+$0x0] =	vst.idx.msk $0xffff, v7  }
0x70: {  	v8 =	vadd.s32 v1, v5;
	[tilespmem:v10+s20+$0x0] =	vst.idx.msk $0xffff, v9;
	v7 =	vld [tilespmem:s14+$0x50]  }
0x71: {  	v10 =	vadd.s32 v1, v6;
	[tilespmem:v12+s20+$0x0] =	vst.idx.msk $0xffff, v4;
	v9 =	vld [tilespmem:s14+$0xFFFFFF90]  }
0x72: {  	v12 =	vadd.s32 v1, v11;
	v4 =	vld [tilespmem:s14+$0xFFFFFFD0];
	_ =	sdelay $0x1  }
0x73: {  	[tilespmem:v15+s20+$0x0] =	vst.idx.msk $0xffff, v14  }
0x74: {  	v16 =	vadd.s32 v1, v13;
	v15 =	vld [tilespmem:s14+$0x10];
	[tilespmem:v8+s20+$0x0] =	vst.idx.msk $0xffff, v7  }
0x75: {  	s17 =	simm.s32 $0x7;
	v14 =	vadd.s32 v2, v5;
	[tilespmem:v10+s20+$0x0] =	vst.idx.msk $0xffff, v9;
	v7 =	vld [tilespmem:s14+$0x60]  }
0x76: {  	v10 =	vadd.s32 v2, v6;
	v8 =	vmov s17;
	[tilespmem:v12+s20+$0x0] =	vst.idx.msk $0xffff, v4;
	v9 =	vld [tilespmem:s14+$0xFFFFFFA0]  }
0x77: {  	v17 =	vadd.s32 v2, v11;
	s6 =	simm.s32 $0x6580;
	v8 =	vand.u32 $0x7F, v8;
	v12 =	vld [tilespmem:s14+$0xFFFFFFE0]  }
0x78: {  	s15 =	simm.s32 $0x4;
	v18 =	vld [tilespmem:s6+$0x40];
	v19 =	vadd.s32 v0, v8  }
0x79: {  	s18 =	simm.s32 $0x5;
	v4 =	vmov s15;
	[tilespmem:v16+s20+$0x0] =	vst.idx.msk $0xffff, v15  }
0x7a: {  	v22 =	vmov s18;
	v4 =	vand.u32 $0x7C, v4;
	[tilespmem:v14+s20+$0x0] =	vst.idx.msk $0xffff, v7  }
0x7b: {  	s21 =	simm.s32 $0x6;
	v20 =	vld [tilespmem:s6+$0xFFFFFF80];
	v21 =	vadd.s32 v0, v4;
	v7 =	vand.u32 $0x7D, v22;
	[tilespmem:v10+s20+$0x0] =	vst.idx.msk $0xffff, v9  }
0x7c: {  	v14 =	vmov s21;
	v9 =	vld [tilespmem:s6+$0xFFFFFFC0];
	[tilespmem:v17+s20+$0x0] =	vst.idx.msk $0xffff, v12;
	v10 =	vadd.s32 v0, v7  }
0x7d: {  	v16 =	vadd.s32 v3, v5;
	v12 =	vld [tilespmem:s14+$0x20];
	v5 =	vand.u32 $0x7E, v14;
	[tilespmem:v19+s20+$0x0] =	vst.idx.msk $0xffff, v18;
	v18 =	vadd.s32 v2, v13  }
0x7e: {  	v14 =	vld [tilespmem:s6+$0x0];
	v63 =	vadd.s32 v0, v5  }
0x7f: {  	v15 =	vld [tilespmem:s14+$0x70]  }
0x80: {  	[tilespmem:v21+s20+$0x0] =	vst.idx.msk $0xffff, v20;
	v20 =	vadd.s32 v1, v8;
	v19 =	vld [tilespmem:s6+$0x50]  }
0x81: {  	v23 =	vadd.s32 v1, v4;
	v21 =	vld [tilespmem:s6+$0xFFFFFF90];
	[tilespmem:v10+s20+$0x0] =	vst.idx.msk $0xffff, v9  }
0x82: {  	v25 =	vadd.s32 v3, v11;
	v24 =	vld [tilespmem:s14+$0xFFFFFFF0];
	[tilespmem:v18+s20+$0x0] =	vst.idx.msk $0xffff, v12  }
0x83: {  	v18 =	vadd.s32 v1, v7;
	v17 =	vld [tilespmem:s6+$0xFFFFFFD0];
	[tilespmem:v63+s20+$0x0] =	vst.idx.msk $0xffff, v14  }
0x84: {  	[tilespmem:v16+s20+$0x0] =	vst.idx.msk $0xffff, v15;
	v16 =	vadd.s32 v1, v5;
	v14 =	vld [tilespmem:s6+$0x10]  }
0x85: {  	v15 =	vadd.s32 v3, v13;
	[tilespmem:v20+s20+$0x0] =	vst.idx.msk $0xffff, v19;
	v10 =	vld [tilespmem:s14+$0x30]  }
0x86: {  	s18 =	simm.s32 $0xC;
	v12 =	vadd.s32 v2, v8;
	[tilespmem:v23+s20+$0x0] =	vst.idx.msk $0xffff, v21;
	v9 =	vld [tilespmem:s6+$0x60]  }
0x87: {  	s17 =	sshll.u32 s1, $0x1;
	s15 =	simm.s32 $0x8;
	s21 =	simm.s32 $0xB;
	v13 =	vadd.s32 v2, v4;
	[tilespmem:v25+s20+$0x0] =	vst.idx.msk $0xffff, v24;
	v11 =	vld [tilespmem:s6+$0xFFFFFFA0]  }
.LBB2_3:
0x88: {  	p1 =	slt.u32 s18, $0x7C;
	v19 =	vmov s21;
	[tilespmem:v18+s20+$0x0] =	vst.idx.msk $0xffff, v17;
	v17 =	vld [tilespmem:s14+$0xFFFFFFB0];
	v18 =	vadd.s32 v3, v6;
	v6 =	vmov v4;
	s14 =	smov.u32 s6  }
0x89: {  	v4 =	vmov s15;
	v21 =	vadd.s32 v2, v7;
	s6 =	sadd.s32 $0x100, s6;
	v19 =	vand.u32 $0x7F, v19;
	v20 =	vld [tilespmem:s14+$0xFFFFFFE0];
	[tilespmem:v16+s20+$0x0] =	vst.idx.msk $0xffff, v14  }
0x8a: {  	s21 =	sadd.s32 $0x1, s15;
	v4 =	vand.u32 $0x7C, v4;
	v14 =	vld [tilespmem:s6+$0x40];
	v16 =	vadd.s32 v0, v19;
	[tilespmem:v15+s20+$0x0] =	vst.idx.msk $0xffff, v10  }
0x8b: {  	v22 =	vmov s21;
	s21 =	sadd.s32 $0x2, s15;
	s15 =	smov.u32 s18;
	v15 =	vadd.s32 v0, v4;
	v10 =	vld [tilespmem:s6+$0xFFFFFF80];
	[tilespmem:v12+s20+$0x0] =	vst.idx.msk $0xffff, v9  }
0x8c: {  	v9 =	vand.u32 $0x7D, v22;
	v12 =	vmov s21;
	[tilespmem:v13+s20+$0x0] =	vst.idx.msk $0xffff, v11;
	v11 =	vld [tilespmem:s14+$0x70];
	v13 =	vadd.s32 v3, v8;
	v8 =	vmovc v19  }
0x8d: {  	v22 =	vadd.s32 v0, v9;
	v12 =	vand.u32 $0x7E, v12;
	v19 =	vld [tilespmem:s6+$0xFFFFFFC0];
	[tilespmem:v18+s20+$0x0] =	vst.idx.msk $0xffff, v17  }
0x8e: {  	v24 =	vadd.s32 v0, v12;
	v23 =	vld [tilespmem:s6+$0x0];
	[tilespmem:v21+s20+$0x0] =	vst.idx.msk $0xffff, v20  }
0x8f: {  	v21 =	vadd.s32 v2, v5;
	[tilespmem:v16+s20+$0x0] =	vst.idx.msk $0xffff, v14;
	v20 =	vld [tilespmem:s14+$0x20]  }
0x90: {  	[tilespmem:v15+s20+$0x0] =	vst.idx.msk $0xffff, v10;
	v10 =	vld [tilespmem:s6+$0x50];
	v15 =	vadd.s32 v1, v8  }
0x91: {  	v26 =	vadd.s32 v1, v4;
	v25 =	vld [tilespmem:s6+$0xFFFFFF90];
	[tilespmem:v13+s20+$0x0] =	vst.idx.msk $0xffff, v11  }
0x92: {  	[tilespmem:v22+s20+$0x0] =	vst.idx.msk $0xffff, v19;
	v19 =	vld [tilespmem:s14+$0xFFFFFFF0];
	v22 =	vadd.s32 v3, v7;
	v7 =	vmov v9  }
.Ltmp2:
0x93: {  	v17 =	vld [tilespmem:s6+$0xFFFFFFD0];
	v18 =	vadd.s32 v1, v7;
	[tilespmem:v24+s20+$0x0] =	vst.idx.msk $0xffff, v23;
	(pc) =	sbr.rel @p1 .LBB2_3-.Ltmp2, $4  }
0x94: {  	v16 =	vadd.s32 v1, v12;
	v14 =	vld [tilespmem:s6+$0x10];
	[tilespmem:v21+s20+$0x0] =	vst.idx.msk $0xffff, v20  }
0x95: {  	[tilespmem:v15+s20+$0x0] =	vst.idx.msk $0xffff, v10;
	v10 =	vld [tilespmem:s14+$0x30];
	v15 =	vadd.s32 v3, v5;
	v5 =	vmov v12  }
0x96: {  	v12 =	vadd.s32 v2, v8;
	[tilespmem:v26+s20+$0x0] =	vst.idx.msk $0xffff, v25;
	v9 =	vld [tilespmem:s6+$0x60]  }
0x97: {  	s18 =	sadd.s32 $0x4, s18;
	s21 =	sadd.s32 $0x3, s15;
	v13 =	vadd.s32 v2, v4;
	v11 =	vld [tilespmem:s6+$0xFFFFFFA0];
	[tilespmem:v22+s20+$0x0] =	vst.idx.msk $0xffff, v19  }
0x98: {  	_ =	sdelay $0x2  }
0x99: {  	v19 =	vmov s21;
	s18 =	sadd.s32 $0x1, s15  }
0x9a: {  	[tilespmem:v18+s20+$0x0] =	vst.idx.msk $0xffff, v17;
	v17 =	vld [tilespmem:s14+$0xFFFFFFB0];
	v6 =	vadd.s32 v3, v6;
	s14 =	sadd.s32 $0x100, s6;
	s21 =	sadd.s32 $0x2, s15;
	v18 =	vand.u32 $0x7F, v19;
	v19 =	vmov s18  }
0x9b: {  	[tilespmem:v16+s20+$0x0] =	vst.idx.msk $0xffff, v14;
	v14 =	vld [tilespmem:s14+$0x40];
	v20 =	vmov s21;
	v16 =	vadd.s32 v0, v18;
	v19 =	vand.u32 $0x7D, v19  }
0x9c: {  	v21 =	vmov s15;
	[tilespmem:v15+s20+$0x0] =	vst.idx.msk $0xffff, v10;
	v10 =	vld [tilespmem:s14+$0xFFFFFFC0];
	v20 =	vand.u32 $0x7E, v20;
	v15 =	vadd.s32 v0, v19  }
0x9d: {  	v21 =	vand.u32 $0x7C, v21;
	[tilespmem:v12+s20+$0x0] =	vst.idx.msk $0xffff, v9;
	v9 =	vld [tilespmem:s14+$0x0];
	v12 =	vadd.s32 v0, v20  }
0x9e: {  	v22 =	vld [tilespmem:s14+$0xFFFFFF80];
	[tilespmem:v13+s20+$0x0] =	vst.idx.msk $0xffff, v11;
	v11 =	vadd.s32 v0, v21  }
0x9f: {  	v13 =	vld [tilespmem:s6+$0xFFFFFFE0];
	[tilespmem:v6+s20+$0x0] =	vst.idx.msk $0xffff, v17;
	v6 =	vadd.s32 v2, v7  }
0xa0: {  	v8 =	vadd.s32 v3, v8;
	v17 =	vld [tilespmem:s6+$0x70];
	[tilespmem:v16+s20+$0x0] =	vst.idx.msk $0xffff, v14  }
0xa1: {  	v16 =	vadd.s32 v1, v18;
	v14 =	vld [tilespmem:s14+$0x50];
	[tilespmem:v15+s20+$0x0] =	vst.idx.msk $0xffff, v10  }
0xa2: {  	v15 =	vadd.s32 v1, v19;
	[tilespmem:v12+s20+$0x0] =	vst.idx.msk $0xffff, v9;
	v10 =	vld [tilespmem:s14+$0xFFFFFFD0]  }
0xa3: {  	[tilespmem:v11+s20+$0x0] =	vst.idx.msk $0xffff, v22;
	v9 =	vld [tilespmem:s14+$0x10];
	v11 =	vadd.s32 v1, v20  }
0xa4: {  	v12 =	vadd.s32 v1, v21;
	[tilespmem:v6+s20+$0x0] =	vst.idx.msk $0xffff, v13;
	v6 =	vld [tilespmem:s14+$0xFFFFFF90]  }
0xa5: {  	v60 =	vadd.s32 v2, v5;
	v13 =	vld [tilespmem:s6+$0x20];
	[tilespmem:v8+s20+$0x0] =	vst.idx.msk $0xffff, v17  }
0xa6: {  	v7 =	vadd.s32 v3, v7;
	v8 =	vld [tilespmem:s6+$0xFFFFFFF0];
	[tilespmem:v16+s20+$0x0] =	vst.idx.msk $0xffff, v14  }
0xa7: {  	v16 =	vadd.s32 v2, v18;
	v14 =	vld [tilespmem:s14+$0x60];
	[tilespmem:v15+s20+$0x0] =	vst.idx.msk $0xffff, v10  }
0xa8: {  	v15 =	vadd.s32 v2, v19;
	[tilespmem:v11+s20+$0x0] =	vst.idx.msk $0xffff, v9;
	v10 =	vld [tilespmem:s14+$0xFFFFFFE0]  }
0xa9: {  	v9 =	vadd.s32 v2, v20;
	[tilespmem:v12+s20+$0x0] =	vst.idx.msk $0xffff, v6;
	v6 =	vld [tilespmem:s14+$0x20]  }
0xaa: {  	[tilespmem:v60+s20+$0x0] =	vst.idx.msk $0xffff, v13;
	v12 =	vadd.s32 v2, v21;
	v11 =	vld [tilespmem:s14+$0xFFFFFFA0]  }
0xab: {  	v5 =	vadd.s32 v3, v5;
	v13 =	vld [tilespmem:s6+$0x30];
	[tilespmem:v7+s20+$0x0] =	vst.idx.msk $0xffff, v8  }
0xac: {  	v4 =	vadd.s32 v3, v4;
	v7 =	vld [tilespmem:s6+$0xFFFFFFB0];
	[tilespmem:v16+s20+$0x0] =	vst.idx.msk $0xffff, v14  }
0xad: {  	v14 =	vadd.s32 v3, v18;
	v8 =	vld [tilespmem:s14+$0x70];
	[tilespmem:v15+s20+$0x0] =	vst.idx.msk $0xffff, v10  }
0xae: {  	v15 =	vadd.s32 v3, v19;
	[tilespmem:v9+s20+$0x0] =	vst.idx.msk $0xffff, v6;
	v10 =	vld [tilespmem:s14+$0xFFFFFFF0]  }
0xaf: {  	v9 =	vadd.s32 v3, v20;
	[tilespmem:v12+s20+$0x0] =	vst.idx.msk $0xffff, v11;
	v6 =	vld [tilespmem:s14+$0x30]  }
0xb0: {  	[tilespmem:v5+s20+$0x0] =	vst.idx.msk $0xffff, v13;
	v11 =	vadd.s32 v3, v21;
	v5 =	vld [tilespmem:s14+$0xFFFFFFB0]  }
0xb1: {  	[tilespmem:v4+s20+$0x0] =	vst.idx.msk $0xffff, v7;
	s14 =	sadd.s32 s5, s17  }
0xb2: {  	s15 =	sshll.u32 s14, $0xA;
	s6 =	sshll.u32 s14, $0x7;
	[tilespmem:v14+s20+$0x0] =	vst.idx.msk $0xffff, v8  }
0xb3: {  	s14 =	sand.u32 $0xFFE0000, s15;
	s6 =	sand.u32 $0x3F00, s6;
	[tilespmem:v15+s20+$0x0] =	vst.idx.msk $0xffff, v10  }
0xb4: {  	s6 =	sor.u32 s6, s14;
	[tilespmem:v9+s20+$0x0] =	vst.idx.msk $0xffff, v6  }
0xb5: {  	s14 =	sadd.s32 s2, s6;
	[tilespmem:v11+s20+$0x0] =	vst.idx.msk $0xffff, v5  }
0xb6: {  	[hbm4b:s14+s3] =	stream.linear.scatter [tilespmem:s20], [sflag:$0x3], $0x80, $0x38;
	[tilespmem:$0xE800] =	vst v63  }
0xb7: {  	s21 =	simm.s32 $0xA488;
	s18 =	sadd.s32 $0x10, s14  }
0xb8: {  	[hbm4b:s18+s3] =	stream.linear.scatter [tilespmem:s21], [sflag:$0x3], $0x80, $0x38;
	[tilespmem:$0xE800] =	vst v63  }
0xb9: {  	s18 =	sadd.s32 $0x20, s14;
	s21 =	simm.s32 $0xA510  }
0xba: {  	[hbm4b:s18+s3] =	stream.linear.scatter [tilespmem:s21], [sflag:$0x3], $0x80, $0x38;
	[tilespmem:$0xE800] =	vst v63  }
0xbb: {  	s18 =	sadd.s32 $0x30, s14;
	s21 =	simm.s32 $0xA598  }
0xbc: {  	[hbm4b:s18+s3] =	stream.linear.scatter [tilespmem:s21], [sflag:$0x3], $0x80, $0x38;
	[tilespmem:$0xE800] =	vst v63  }
0xbd: {  	s18 =	sadd.s32 $0x40, s14;
	s21 =	simm.s32 $0xA620  }
0xbe: {  	[hbm4b:s18+s3] =	stream.linear.scatter [tilespmem:s21], [sflag:$0x3], $0x80, $0x38;
	[tilespmem:$0xE800] =	vst v63  }
0xbf: {  	s18 =	sadd.s32 $0x50, s14;
	s21 =	simm.s32 $0xA6A8  }
0xc0: {  	[hbm4b:s18+s3] =	stream.linear.scatter [tilespmem:s21], [sflag:$0x3], $0x80, $0x38;
	[tilespmem:$0xE800] =	vst v63  }
0xc1: {  	s18 =	sadd.s32 $0x60, s14;
	s21 =	simm.s32 $0xA730  }
0xc2: {  	[hbm4b:s18+s3] =	stream.linear.scatter [tilespmem:s21], [sflag:$0x3], $0x80, $0x38;
	[tilespmem:$0xE800] =	vst v63  }
0xc3: {  	s14 =	sadd.s32 $0x70, s14;
	s18 =	simm.s32 $0xA7B8  }
0xc4: {  	[hbm4b:s14+s3] =	stream.linear.scatter [tilespmem:s18], [sflag:$0x3], $0x80, $0x38;
	[tilespmem:$0xE800] =	vst v63  }
0xc5: {  	s21 =	simm.s32 $0xA840;
	s14 =	sadd.s32 s6, s7  }
0xc6: {  	[hbm4b:s14+s3] =	stream.linear.scatter [tilespmem:s21], [sflag:$0x3], $0x80, $0x38;
	[tilespmem:$0xE800] =	vst v63  }
0xc7: {  	s18 =	sadd.s32 $0x10, s14;
	s21 =	simm.s32 $0xA8C8  }
0xc8: {  	[hbm4b:s18+s3] =	stream.linear.scatter [tilespmem:s21], [sflag:$0x3], $0x80, $0x38;
	[tilespmem:$0xE800] =	vst v63  }
0xc9: {  	s18 =	sadd.s32 $0x20, s14;
	s21 =	simm.s32 $0xA950  }
0xca: {  	[hbm4b:s18+s3] =	stream.linear.scatter [tilespmem:s21], [sflag:$0x3], $0x80, $0x38;
	[tilespmem:$0xE800] =	vst v63  }
0xcb: {  	s18 =	sadd.s32 $0x30, s14;
	s21 =	simm.s32 $0xA9D8  }
0xcc: {  	[hbm4b:s18+s3] =	stream.linear.scatter [tilespmem:s21], [sflag:$0x3], $0x80, $0x38;
	[tilespmem:$0xE800] =	vst v63  }
0xcd: {  	s18 =	sadd.s32 $0x40, s14;
	s21 =	simm.s32 $0xAA60  }
0xce: {  	[hbm4b:s18+s3] =	stream.linear.scatter [tilespmem:s21], [sflag:$0x3], $0x80, $0x38;
	[tilespmem:$0xE800] =	vst v63  }
0xcf: {  	s18 =	sadd.s32 $0x50, s14;
	s21 =	simm.s32 $0xAAE8  }
0xd0: {  	[hbm4b:s18+s3] =	stream.linear.scatter [tilespmem:s21], [sflag:$0x3], $0x80, $0x38;
	[tilespmem:$0xE800] =	vst v63  }
0xd1: {  	s18 =	sadd.s32 $0x60, s14;
	s21 =	simm.s32 $0xAB70  }
0xd2: {  	[hbm4b:s18+s3] =	stream.linear.scatter [tilespmem:s21], [sflag:$0x3], $0x80, $0x38;
	[tilespmem:$0xE800] =	vst v63  }
0xd3: {  	s14 =	sadd.s32 $0x70, s14;
	s18 =	simm.s32 $0xABF8  }
0xd4: {  	[hbm4b:s14+s3] =	stream.linear.scatter [tilespmem:s18], [sflag:$0x3], $0x80, $0x38;
	[tilespmem:$0xE800] =	vst v63  }
0xd5: {  	s21 =	simm.s32 $0xAC80;
	s14 =	sadd.s32 s6, s8  }
0xd6: {  	[hbm4b:s14+s3] =	stream.linear.scatter [tilespmem:s21], [sflag:$0x3], $0x80, $0x38;
	[tilespmem:$0xE800] =	vst v63  }
0xd7: {  	s18 =	sadd.s32 $0x10, s14;
	s21 =	simm.s32 $0xAD08  }
0xd8: {  	[hbm4b:s18+s3] =	stream.linear.scatter [tilespmem:s21], [sflag:$0x3], $0x80, $0x38;
	[tilespmem:$0xE800] =	vst v63  }
0xd9: {  	s18 =	sadd.s32 $0x20, s14;
	s21 =	simm.s32 $0xAD90  }
0xda: {  	[hbm4b:s18+s3] =	stream.linear.scatter [tilespmem:s21], [sflag:$0x3], $0x80, $0x38;
	[tilespmem:$0xE800] =	vst v63  }
0xdb: {  	s18 =	sadd.s32 $0x30, s14;
	s21 =	simm.s32 $0xAE18  }
0xdc: {  	[hbm4b:s18+s3] =	stream.linear.scatter [tilespmem:s21], [sflag:$0x3], $0x80, $0x38;
	[tilespmem:$0xE800] =	vst v63  }
0xdd: {  	s18 =	sadd.s32 $0x40, s14;
	s21 =	simm.s32 $0xAEA0  }
0xde: {  	[hbm4b:s18+s3] =	stream.linear.scatter [tilespmem:s21], [sflag:$0x3], $0x80, $0x38;
	[tilespmem:$0xE800] =	vst v63  }
0xdf: {  	s18 =	sadd.s32 $0x50, s14;
	s21 =	simm.s32 $0xAF28  }
0xe0: {  	[hbm4b:s18+s3] =	stream.linear.scatter [tilespmem:s21], [sflag:$0x3], $0x80, $0x38;
	[tilespmem:$0xE800] =	vst v63  }
0xe1: {  	s18 =	sadd.s32 $0x60, s14;
	s21 =	simm.s32 $0xAFB0  }
0xe2: {  	[hbm4b:s18+s3] =	stream.linear.scatter [tilespmem:s21], [sflag:$0x3], $0x80, $0x38;
	[tilespmem:$0xE800] =	vst v63  }
0xe3: {  	s14 =	sadd.s32 $0x70, s14;
	s18 =	simm.s32 $0xB038  }
0xe4: {  	[hbm4b:s14+s3] =	stream.linear.scatter [tilespmem:s18], [sflag:$0x3], $0x80, $0x38;
	[tilespmem:$0xE800] =	vst v63  }
0xe5: {  	s21 =	simm.s32 $0xB0C0;
	s14 =	sadd.s32 s6, s9  }
0xe6: {  	[hbm4b:s14+s3] =	stream.linear.scatter [tilespmem:s21], [sflag:$0x3], $0x80, $0x38;
	[tilespmem:$0xE800] =	vst v63  }
0xe7: {  	s18 =	sadd.s32 $0x10, s14;
	s21 =	simm.s32 $0xB148  }
0xe8: {  	[hbm4b:s18+s3] =	stream.linear.scatter [tilespmem:s21], [sflag:$0x3], $0x80, $0x38;
	[tilespmem:$0xE800] =	vst v63  }
0xe9: {  	s18 =	sadd.s32 $0x20, s14;
	s21 =	simm.s32 $0xB1D0  }
0xea: {  	[hbm4b:s18+s3] =	stream.linear.scatter [tilespmem:s21], [sflag:$0x3], $0x80, $0x38;
	[tilespmem:$0xE800] =	vst v63  }
0xeb: {  	s18 =	sadd.s32 $0x30, s14;
	s21 =	simm.s32 $0xB258  }
0xec: {  	[hbm4b:s18+s3] =	stream.linear.scatter [tilespmem:s21], [sflag:$0x3], $0x80, $0x38;
	[tilespmem:$0xE800] =	vst v63  }
0xed: {  	s18 =	sadd.s32 $0x40, s14;
	s21 =	simm.s32 $0xB2E0  }
0xee: {  	[hbm4b:s18+s3] =	stream.linear.scatter [tilespmem:s21], [sflag:$0x3], $0x80, $0x38;
	[tilespmem:$0xE800] =	vst v63  }
0xef: {  	s18 =	sadd.s32 $0x50, s14;
	s21 =	simm.s32 $0xB368  }
0xf0: {  	[hbm4b:s18+s3] =	stream.linear.scatter [tilespmem:s21], [sflag:$0x3], $0x80, $0x38;
	[tilespmem:$0xE800] =	vst v63  }
0xf1: {  	s18 =	sadd.s32 $0x60, s14;
	s21 =	simm.s32 $0xB3F0  }
0xf2: {  	[hbm4b:s18+s3] =	stream.linear.scatter [tilespmem:s21], [sflag:$0x3], $0x80, $0x38;
	[tilespmem:$0xE800] =	vst v63  }
0xf3: {  	s14 =	sadd.s32 $0x70, s14;
	s18 =	simm.s32 $0xB478  }
0xf4: {  	[hbm4b:s14+s3] =	stream.linear.scatter [tilespmem:s18], [sflag:$0x3], $0x80, $0x38;
	[tilespmem:$0xE800] =	vst v63  }
0xf5: {  	s21 =	simm.s32 $0xB500;
	s14 =	sadd.s32 s6, s10  }
0xf6: {  	[hbm4b:s14+s3] =	stream.linear.scatter [tilespmem:s21], [sflag:$0x3], $0x80, $0x38;
	[tilespmem:$0xE800] =	vst v63  }
0xf7: {  	s18 =	sadd.s32 $0x10, s14;
	s21 =	simm.s32 $0xB588  }
0xf8: {  	[hbm4b:s18+s3] =	stream.linear.scatter [tilespmem:s21], [sflag:$0x3], $0x80, $0x38;
	[tilespmem:$0xE800] =	vst v63  }
0xf9: {  	s18 =	sadd.s32 $0x20, s14;
	s21 =	simm.s32 $0xB610  }
0xfa: {  	[hbm4b:s18+s3] =	stream.linear.scatter [tilespmem:s21], [sflag:$0x3], $0x80, $0x38;
	[tilespmem:$0xE800] =	vst v63  }
0xfb: {  	s18 =	sadd.s32 $0x30, s14;
	s21 =	simm.s32 $0xB698  }
0xfc: {  	[hbm4b:s18+s3] =	stream.linear.scatter [tilespmem:s21], [sflag:$0x3], $0x80, $0x38;
	[tilespmem:$0xE800] =	vst v63  }
0xfd: {  	s18 =	sadd.s32 $0x40, s14;
	s21 =	simm.s32 $0xB720  }
0xfe: {  	[hbm4b:s18+s3] =	stream.linear.scatter [tilespmem:s21], [sflag:$0x3], $0x80, $0x38;
	[tilespmem:$0xE800] =	vst v63  }
0xff: {  	s18 =	sadd.s32 $0x50, s14;
	s21 =	simm.s32 $0xB7A8  }
0x100: {  	[hbm4b:s18+s3] =	stream.linear.scatter [tilespmem:s21], [sflag:$0x3], $0x80, $0x38;
	[tilespmem:$0xE800] =	vst v63  }
0x101: {  	s18 =	sadd.s32 $0x60, s14;
	s21 =	simm.s32 $0xB830  }
0x102: {  	[hbm4b:s18+s3] =	stream.linear.scatter [tilespmem:s21], [sflag:$0x3], $0x80, $0x38;
	[tilespmem:$0xE800] =	vst v63  }
0x103: {  	s14 =	sadd.s32 $0x70, s14;
	s18 =	simm.s32 $0xB8B8  }
0x104: {  	[hbm4b:s14+s3] =	stream.linear.scatter [tilespmem:s18], [sflag:$0x3], $0x80, $0x38;
	[tilespmem:$0xE800] =	vst v63  }
0x105: {  	s21 =	simm.s32 $0xB940;
	s14 =	sadd.s32 s6, s11  }
0x106: {  	[hbm4b:s14+s3] =	stream.linear.scatter [tilespmem:s21], [sflag:$0x3], $0x80, $0x38;
	[tilespmem:$0xE800] =	vst v63  }
0x107: {  	s18 =	sadd.s32 $0x10, s14;
	s21 =	simm.s32 $0xB9C8  }
0x108: {  	[hbm4b:s18+s3] =	stream.linear.scatter [tilespmem:s21], [sflag:$0x3], $0x80, $0x38;
	[tilespmem:$0xE800] =	vst v63  }
0x109: {  	s18 =	sadd.s32 $0x20, s14;
	s21 =	simm.s32 $0xBA50  }
0x10a: {  	[hbm4b:s18+s3] =	stream.linear.scatter [tilespmem:s21], [sflag:$0x3], $0x80, $0x38;
	[tilespmem:$0xE800] =	vst v63  }
0x10b: {  	s18 =	sadd.s32 $0x30, s14;
	s21 =	simm.s32 $0xBAD8  }
0x10c: {  	[hbm4b:s18+s3] =	stream.linear.scatter [tilespmem:s21], [sflag:$0x3], $0x80, $0x38;
	[tilespmem:$0xE800] =	vst v63  }
0x10d: {  	s18 =	sadd.s32 $0x40, s14;
	s21 =	simm.s32 $0xBB60  }
0x10e: {  	[hbm4b:s18+s3] =	stream.linear.scatter [tilespmem:s21], [sflag:$0x3], $0x80, $0x38;
	[tilespmem:$0xE800] =	vst v63  }
0x10f: {  	s18 =	sadd.s32 $0x50, s14;
	s21 =	simm.s32 $0xBBE8  }
0x110: {  	[hbm4b:s18+s3] =	stream.linear.scatter [tilespmem:s21], [sflag:$0x3], $0x80, $0x38;
	[tilespmem:$0xE800] =	vst v63  }
0x111: {  	s18 =	sadd.s32 $0x60, s14;
	s21 =	simm.s32 $0xBC70  }
0x112: {  	[hbm4b:s18+s3] =	stream.linear.scatter [tilespmem:s21], [sflag:$0x3], $0x80, $0x38;
	[tilespmem:$0xE800] =	vst v63  }
0x113: {  	s14 =	sadd.s32 $0x70, s14;
	s18 =	simm.s32 $0xBCF8  }
0x114: {  	[hbm4b:s14+s3] =	stream.linear.scatter [tilespmem:s18], [sflag:$0x3], $0x80, $0x38;
	[tilespmem:$0xE800] =	vst v63  }
0x115: {  	s21 =	simm.s32 $0xBD80;
	s14 =	sadd.s32 s6, s12  }
0x116: {  	[hbm4b:s14+s3] =	stream.linear.scatter [tilespmem:s21], [sflag:$0x3], $0x80, $0x38;
	[tilespmem:$0xE800] =	vst v63  }
0x117: {  	s18 =	sadd.s32 $0x10, s14;
	s21 =	simm.s32 $0xBE08  }
0x118: {  	[hbm4b:s18+s3] =	stream.linear.scatter [tilespmem:s21], [sflag:$0x3], $0x80, $0x38;
	[tilespmem:$0xE800] =	vst v63  }
0x119: {  	s18 =	sadd.s32 $0x20, s14;
	s21 =	simm.s32 $0xBE90  }
0x11a: {  	[hbm4b:s18+s3] =	stream.linear.scatter [tilespmem:s21], [sflag:$0x3], $0x80, $0x38;
	[tilespmem:$0xE800] =	vst v63  }
0x11b: {  	s18 =	sadd.s32 $0x30, s14;
	s21 =	simm.s32 $0xBF18  }
0x11c: {  	[hbm4b:s18+s3] =	stream.linear.scatter [tilespmem:s21], [sflag:$0x3], $0x80, $0x38;
	[tilespmem:$0xE800] =	vst v63  }
0x11d: {  	s18 =	sadd.s32 $0x40, s14;
	s21 =	simm.s32 $0xBFA0  }
0x11e: {  	[hbm4b:s18+s3] =	stream.linear.scatter [tilespmem:s21], [sflag:$0x3], $0x80, $0x38;
	[tilespmem:$0xE800] =	vst v63  }
0x11f: {  	s18 =	sadd.s32 $0x50, s14;
	s21 =	simm.s32 $0xC028  }
0x120: {  	[hbm4b:s18+s3] =	stream.linear.scatter [tilespmem:s21], [sflag:$0x3], $0x80, $0x38;
	[tilespmem:$0xE800] =	vst v63  }
0x121: {  	s18 =	sadd.s32 $0x60, s14;
	s21 =	simm.s32 $0xC0B0  }
0x122: {  	[hbm4b:s18+s3] =	stream.linear.scatter [tilespmem:s21], [sflag:$0x3], $0x80, $0x38;
	[tilespmem:$0xE800] =	vst v63  }
0x123: {  	s14 =	sadd.s32 $0x70, s14;
	s21 =	simm.s32 $0xC138  }
0x124: {  	[hbm4b:s14+s3] =	stream.linear.scatter [tilespmem:s21], [sflag:$0x3], $0x80, $0x38;
	[tilespmem:$0xE800] =	vst v63  }
0x125: {  	s15 =	simm.s32 $0xC1C0;
	s6 =	sadd.s32 s6, s13  }
0x126: {  	[hbm4b:s6+s3] =	stream.linear.scatter [tilespmem:s15], [sflag:$0x3], $0x80, $0x38;
	[tilespmem:$0xE800] =	vst v63  }
0x127: {  	s18 =	sadd.s32 $0x10, s6;
	s21 =	simm.s32 $0xC248  }
0x128: {  	[hbm4b:s18+s3] =	stream.linear.scatter [tilespmem:s21], [sflag:$0x3], $0x80, $0x38;
	[tilespmem:$0xE800] =	vst v63  }
0x129: {  	s18 =	sadd.s32 $0x20, s6;
	s21 =	simm.s32 $0xC2D0  }
0x12a: {  	[hbm4b:s18+s3] =	stream.linear.scatter [tilespmem:s21], [sflag:$0x3], $0x80, $0x38;
	[tilespmem:$0xE800] =	vst v63  }
0x12b: {  	s18 =	sadd.s32 $0x30, s6;
	s21 =	simm.s32 $0xC358  }
0x12c: {  	[hbm4b:s18+s3] =	stream.linear.scatter [tilespmem:s21], [sflag:$0x3], $0x80, $0x38;
	[tilespmem:$0xE800] =	vst v63  }
0x12d: {  	s18 =	sadd.s32 $0x40, s6;
	s21 =	simm.s32 $0xC3E0  }
0x12e: {  	[hbm4b:s18+s3] =	stream.linear.scatter [tilespmem:s21], [sflag:$0x3], $0x80, $0x38;
	[tilespmem:$0xE800] =	vst v63  }
0x12f: {  	s18 =	sadd.s32 $0x50, s6;
	s21 =	simm.s32 $0xC468  }
0x130: {  	[hbm4b:s18+s3] =	stream.linear.scatter [tilespmem:s21], [sflag:$0x3], $0x80, $0x38;
	[tilespmem:$0xE800] =	vst v63  }
0x131: {  	s15 =	sadd.s32 $0x60, s6;
	s18 =	simm.s32 $0xC4F0  }
0x132: {  	[hbm4b:s15+s3] =	stream.linear.scatter [tilespmem:s18], [sflag:$0x3], $0x80, $0x38;
	[tilespmem:$0xE800] =	vst v63  }
0x133: {  	p1 =	seq.s32 s1, $0x63;
	s6 =	sadd.s32 $0x70, s6;
	s21 =	simm.s32 $0xC578  }
0x134: {  	[hbm4b:s6+s3] =	stream.linear.scatter [tilespmem:s21], [sflag:$0x3], $0x80, $0x38;
	[tilespmem:$0xE800] =	vst v63  }
0x135: {  	s6 =	sshll.u32 @!p1 s1, $0x8  }
0x136: {  	s6 =	sand.u32 @!p1 $0x3FFFFF00, s6  }
0x137: {  	s14 =	simm.s32 @!p1 $0x80;
	s15 =	simm.s32 @!p1 $0x6400;
	s6 =	sadd.s32 @!p1 $0x100, s6  }
0x138: {  	[tilespmem:s15], [sflag:$0x1] =	stream.indirect.gather @!p1 [hbm4b:s4+s14], $0x40, s6, s14, $0xb8;
	[tilespmem:$0xE800] =	vst v63  }
0x139: {  	_ =	swait.ge [sflag:s0], $0x2000  }
0x13a: {  	[sflag:s0] =	ssyncset.done $0x0  }
0x13b: {  	s6 =	simm.s32 @!p0 $0x4;
	[sflag:s0] =	ssyncadd.s32 $0xFFFFE000  }
0x13c: {  	_ =	swait.ge @!p0 [sflag:s6], $0x400  }
0x13d: {  	[sflag:s6] =	ssyncset.done @!p0 $0x0  }
0x13e: {  	[sflag:s6] =	ssyncadd.s32 @!p0 $0xFFFFFC00  }
0x13f: {  	_ =	swait.ge @!p0 [sflag:s6], $0x400  }
0x140: {  	[sflag:s6] =	ssyncset.done @!p0 $0x0  }
0x141: {  	[sflag:s6] =	ssyncadd.s32 @!p0 $0xFFFFFC00  }
0x142: {  	_ =	swait.ge @!p0 [sflag:s6], $0x400  }
0x143: {  	[sflag:s6] =	ssyncset.done @!p0 $0x0  }
0x144: {  	[sflag:s6] =	ssyncadd.s32 @!p0 $0xFFFFFC00  }
0x145: {  	_ =	swait.ge @!p0 [sflag:s6], $0x400  }
0x146: {  	[sflag:s6] =	ssyncset.done @!p0 $0x0  }
0x147: {  	[sflag:s6] =	ssyncadd.s32 @!p0 $0xFFFFFC00  }
0x148: {  	_ =	swait.ge @!p0 [sflag:s6], $0x400  }
0x149: {  	[sflag:s6] =	ssyncset.done @!p0 $0x0  }
0x14a: {  	[sflag:s6] =	ssyncadd.s32 @!p0 $0xFFFFFC00  }
0x14b: {  	_ =	swait.ge @!p0 [sflag:s6], $0x400  }
0x14c: {  	[sflag:s6] =	ssyncset.done @!p0 $0x0  }
0x14d: {  	[sflag:s6] =	ssyncadd.s32 @!p0 $0xFFFFFC00  }
0x14e: {  	_ =	swait.ge @!p0 [sflag:s6], $0x400  }
0x14f: {  	[sflag:s6] =	ssyncset.done @!p0 $0x0  }
0x150: {  	[sflag:s6] =	ssyncadd.s32 @!p0 $0xFFFFFC00  }
0x151: {  	s15 =	simm.s32 $0x3;
	_ =	swait.ge @!p0 [sflag:s6], $0x400  }
0x152: {  	s18 =	simm.s32 $0x0;
	v4 =	vmov s15;
	[sflag:s6] =	ssyncset.done @!p0 $0x0  }
0x153: {  	s21 =	simm.s32 $0x1;
	s14 =	simm.s32 $0x84F0;
	v5 =	vand.u32 $0x7F, v4;
	v4 =	vmov s18;
	[sflag:s6] =	ssyncadd.s32 @!p0 $0xFFFFFC00  }
0x154: {  	v8 =	vadd.s32 v0, v5;
	v6 =	vand.u32 $0x7C, v4;
	v4 =	vmov s21;
	v7 =	vld [tilespmem:s14+$0xFFFFFFD0]  }
0x155: {  	v10 =	vadd.s32 v0, v6;
	v11 =	vand.u32 $0x7D, v4;
	v9 =	vld [tilespmem:s14+$0xFFFFFF10]  }
0x156: {  	s15 =	simm.s32 $0x2;
	v12 =	vadd.s32 v0, v11;
	v4 =	vld [tilespmem:s14+$0xFFFFFF50]  }
0x157: {  	v13 =	vmov s15  }
0x158: {  	v13 =	vand.u32 $0x7E, v13  }
0x159: {  	v15 =	vadd.s32 v0, v13;
	v14 =	vld [tilespmem:s14+$0xFFFFFF90];
	[tilespmem:v8+s16+$0x0] =	vst.idx.msk $0xffff, v7  }
0x15a: {  	v8 =	vadd.s32 v1, v5;
	[tilespmem:v10+s16+$0x0] =	vst.idx.msk $0xffff, v9;
	v7 =	vld [tilespmem:s14+$0xFFFFFFE0]  }
0x15b: {  	v10 =	vadd.s32 v1, v6;
	[tilespmem:v12+s16+$0x0] =	vst.idx.msk $0xffff, v4;
	v9 =	vld [tilespmem:s14+$0xFFFFFF20]  }
0x15c: {  	v12 =	vadd.s32 v1, v11;
	v4 =	vld [tilespmem:s14+$0xFFFFFF60];
	_ =	sdelay $0x1  }
0x15d: {  	[tilespmem:v15+s16+$0x0] =	vst.idx.msk $0xffff, v14  }
0x15e: {  	v16 =	vadd.s32 v1, v13;
	v15 =	vld [tilespmem:s14+$0xFFFFFFA0];
	[tilespmem:v8+s16+$0x0] =	vst.idx.msk $0xffff, v7  }
0x15f: {  	s18 =	simm.s32 $0x7;
	v14 =	vadd.s32 v2, v5;
	[tilespmem:v10+s16+$0x0] =	vst.idx.msk $0xffff, v9;
	v7 =	vld [tilespmem:s14+$0xFFFFFFF0]  }
0x160: {  	v10 =	vadd.s32 v2, v6;
	v8 =	vmov s18;
	[tilespmem:v12+s16+$0x0] =	vst.idx.msk $0xffff, v4;
	v9 =	vld [tilespmem:s14+$0xFFFFFF30]  }
0x161: {  	v17 =	vadd.s32 v2, v11;
	s6 =	simm.s32 $0x85F0;
	v8 =	vand.u32 $0x7F, v8;
	v12 =	vld [tilespmem:s14+$0xFFFFFF70]  }
0x162: {  	s21 =	simm.s32 $0x4;
	v18 =	vld [tilespmem:s6+$0xFFFFFFD0];
	v19 =	vadd.s32 v0, v8  }
0x163: {  	v4 =	vmov s21;
	s18 =	simm.s32 $0x5;
	[tilespmem:v16+s16+$0x0] =	vst.idx.msk $0xffff, v15  }
0x164: {  	v4 =	vand.u32 $0x7C, v4;
	v62 =	vmov s18;
	[tilespmem:v14+s16+$0x0] =	vst.idx.msk $0xffff, v7  }
0x165: {  	v20 =	vld [tilespmem:s6+$0xFFFFFF10];
	s21 =	simm.s32 $0x6;
	v61 =	vadd.s32 v0, v4;
	v7 =	vand.u32 $0x7D, v62;
	[tilespmem:v10+s16+$0x0] =	vst.idx.msk $0xffff, v9  }
0x166: {  	v14 =	vmov s21;
	v9 =	vld [tilespmem:s6+$0xFFFFFF50];
	[tilespmem:v17+s16+$0x0] =	vst.idx.msk $0xffff, v12;
	v10 =	vadd.s32 v0, v7  }
0x167: {  	v16 =	vadd.s32 v3, v5;
	v12 =	vld [tilespmem:s14+$0xFFFFFFB0];
	v5 =	vand.u32 $0x7E, v14;
	[tilespmem:v19+s16+$0x0] =	vst.idx.msk $0xffff, v18;
	v18 =	vadd.s32 v2, v13  }
0x168: {  	v14 =	vld [tilespmem:s6+$0xFFFFFF90];
	v63 =	vadd.s32 v0, v5  }
0x169: {  	v15 =	vld [tilespmem:s14+$0x0]  }
0x16a: {  	[tilespmem:v61+s16+$0x0] =	vst.idx.msk $0xffff, v20;
	v20 =	vadd.s32 v1, v8;
	v19 =	vld [tilespmem:s6+$0xFFFFFFE0]  }
0x16b: {  	v23 =	vadd.s32 v1, v4;
	v21 =	vld [tilespmem:s6+$0xFFFFFF20];
	[tilespmem:v10+s16+$0x0] =	vst.idx.msk $0xffff, v9  }
0x16c: {  	v25 =	vadd.s32 v3, v11;
	v24 =	vld [tilespmem:s14+$0xFFFFFF80];
	[tilespmem:v18+s16+$0x0] =	vst.idx.msk $0xffff, v12  }
0x16d: {  	v18 =	vadd.s32 v1, v7;
	v17 =	vld [tilespmem:s6+$0xFFFFFF60];
	[tilespmem:v63+s16+$0x0] =	vst.idx.msk $0xffff, v14  }
0x16e: {  	[tilespmem:v16+s16+$0x0] =	vst.idx.msk $0xffff, v15;
	v16 =	vadd.s32 v1, v5;
	v14 =	vld [tilespmem:s6+$0xFFFFFFA0]  }
0x16f: {  	v15 =	vadd.s32 v3, v13;
	[tilespmem:v20+s16+$0x0] =	vst.idx.msk $0xffff, v19;
	v10 =	vld [tilespmem:s14+$0xFFFFFFC0]  }
0x170: {  	s17 =	sor.u32 $0x1, s17;
	v12 =	vadd.s32 v2, v8;
	[tilespmem:v23+s16+$0x0] =	vst.idx.msk $0xffff, v21;
	v9 =	vld [tilespmem:s6+$0xFFFFFFF0]  }
0x171: {  	s15 =	simm.s32 $0x8;
	s18 =	simm.s32 $0xC;
	s21 =	simm.s32 $0xB;
	v13 =	vadd.s32 v2, v4;
	[tilespmem:v25+s16+$0x0] =	vst.idx.msk $0xffff, v24;
	v11 =	vld [tilespmem:s6+$0xFFFFFF30]  }
.LBB2_5:
0x172: {  	p0 =	slt.u32 s18, $0x7C;
	v19 =	vmov s21;
	[tilespmem:v18+s16+$0x0] =	vst.idx.msk $0xffff, v17;
	v17 =	vld [tilespmem:s14+$0xFFFFFF40];
	v18 =	vadd.s32 v3, v6;
	v6 =	vmov v4;
	s14 =	smov.u32 s6  }
0x173: {  	v4 =	vmov s15;
	v21 =	vadd.s32 v2, v7;
	s6 =	sadd.s32 $0x100, s6;
	v19 =	vand.u32 $0x7F, v19;
	v20 =	vld [tilespmem:s14+$0xFFFFFF70];
	[tilespmem:v16+s16+$0x0] =	vst.idx.msk $0xffff, v14  }
0x174: {  	s21 =	sadd.s32 $0x1, s15;
	v4 =	vand.u32 $0x7C, v4;
	v14 =	vld [tilespmem:s6+$0xFFFFFFD0];
	v16 =	vadd.s32 v0, v19;
	[tilespmem:v15+s16+$0x0] =	vst.idx.msk $0xffff, v10  }
0x175: {  	v22 =	vmov s21;
	s21 =	sadd.s32 $0x2, s15;
	s15 =	smov.u32 s18;
	v15 =	vadd.s32 v0, v4;
	v10 =	vld [tilespmem:s6+$0xFFFFFF10];
	[tilespmem:v12+s16+$0x0] =	vst.idx.msk $0xffff, v9  }
0x176: {  	v9 =	vand.u32 $0x7D, v22;
	v12 =	vmov s21;
	[tilespmem:v13+s16+$0x0] =	vst.idx.msk $0xffff, v11;
	v11 =	vld [tilespmem:s14+$0x0];
	v13 =	vadd.s32 v3, v8;
	v8 =	vmovc v19  }
0x177: {  	v22 =	vadd.s32 v0, v9;
	v12 =	vand.u32 $0x7E, v12;
	v19 =	vld [tilespmem:s6+$0xFFFFFF50];
	[tilespmem:v18+s16+$0x0] =	vst.idx.msk $0xffff, v17  }
0x178: {  	v24 =	vadd.s32 v0, v12;
	v23 =	vld [tilespmem:s6+$0xFFFFFF90];
	[tilespmem:v21+s16+$0x0] =	vst.idx.msk $0xffff, v20  }
0x179: {  	v21 =	vadd.s32 v2, v5;
	[tilespmem:v16+s16+$0x0] =	vst.idx.msk $0xffff, v14;
	v20 =	vld [tilespmem:s14+$0xFFFFFFB0]  }
0x17a: {  	[tilespmem:v15+s16+$0x0] =	vst.idx.msk $0xffff, v10;
	v10 =	vld [tilespmem:s6+$0xFFFFFFE0];
	v15 =	vadd.s32 v1, v8  }
0x17b: {  	v26 =	vadd.s32 v1, v4;
	v25 =	vld [tilespmem:s6+$0xFFFFFF20];
	[tilespmem:v13+s16+$0x0] =	vst.idx.msk $0xffff, v11  }
0x17c: {  	[tilespmem:v22+s16+$0x0] =	vst.idx.msk $0xffff, v19;
	v19 =	vld [tilespmem:s14+$0xFFFFFF80];
	v22 =	vadd.s32 v3, v7;
	v7 =	vmov v9  }
.Ltmp3:
0x17d: {  	v17 =	vld [tilespmem:s6+$0xFFFFFF60];
	v18 =	vadd.s32 v1, v7;
	[tilespmem:v24+s16+$0x0] =	vst.idx.msk $0xffff, v23;
	(pc) =	sbr.rel @p0 .LBB2_5-.Ltmp3, $4  }
0x17e: {  	v16 =	vadd.s32 v1, v12;
	v14 =	vld [tilespmem:s6+$0xFFFFFFA0];
	[tilespmem:v21+s16+$0x0] =	vst.idx.msk $0xffff, v20  }
0x17f: {  	[tilespmem:v15+s16+$0x0] =	vst.idx.msk $0xffff, v10;
	v10 =	vld [tilespmem:s14+$0xFFFFFFC0];
	v15 =	vadd.s32 v3, v5;
	v5 =	vmov v12  }
0x180: {  	v12 =	vadd.s32 v2, v8;
	[tilespmem:v26+s16+$0x0] =	vst.idx.msk $0xffff, v25;
	v9 =	vld [tilespmem:s6+$0xFFFFFFF0]  }
0x181: {  	s18 =	sadd.s32 $0x4, s18;
	s21 =	sadd.s32 $0x3, s15;
	v13 =	vadd.s32 v2, v4;
	v11 =	vld [tilespmem:s6+$0xFFFFFF30];
	[tilespmem:v22+s16+$0x0] =	vst.idx.msk $0xffff, v19  }
0x182: {  	_ =	sdelay $0x2  }
0x183: {  	v19 =	vmov s21  }
0x184: {  	s18 =	sadd.s32 $0x1, s15;
	[tilespmem:v18+s16+$0x0] =	vst.idx.msk $0xffff, v17;
	v30 =	vld [tilespmem:s14+$0xFFFFFF40];
	v6 =	vadd.s32 v3, v6;
	s14 =	sadd.s32 $0x100, s6;
	v21 =	vmov s15;
	v31 =	vand.u32 $0x7F, v19  }
0x185: {  	s21 =	sadd.s32 $0x2, s15;
	v32 =	vmov s18;
	[tilespmem:v16+s16+$0x0] =	vst.idx.msk $0xffff, v14;
	v33 =	vld [tilespmem:s14+$0xFFFFFFD0];
	v21 =	vand.u32 $0x7C, v21;
	v34 =	vadd.s32 v0, v31  }
0x186: {  	v20 =	vmov s21;
	v22 =	vld [tilespmem:s14+$0xFFFFFF10];
	v19 =	vand.u32 $0x7D, v32;
	[tilespmem:v15+s16+$0x0] =	vst.idx.msk $0xffff, v10;
	v39 =	vadd.s32 v0, v21  }
0x187: {  	v35 =	vld [tilespmem:s14+$0xFFFFFF50];
	v20 =	vand.u32 $0x7E, v20;
	v36 =	vadd.s32 v0, v19;
	[tilespmem:v12+s16+$0x0] =	vst.idx.msk $0xffff, v9  }
0x188: {  	v37 =	vld [tilespmem:s14+$0xFFFFFF90];
	v38 =	vadd.s32 v0, v20;
	[tilespmem:v13+s16+$0x0] =	vst.idx.msk $0xffff, v11  }
0x189: {  	v41 =	vadd.s32 v2, v7;
	v40 =	vld [tilespmem:s6+$0xFFFFFF70];
	[tilespmem:v6+s16+$0x0] =	vst.idx.msk $0xffff, v30  }
0x18a: {  	v49 =	vadd.s32 v2, v5;
	v48 =	vld [tilespmem:s6+$0xFFFFFFB0];
	[tilespmem:v34+s16+$0x0] =	vst.idx.msk $0xffff, v33  }
0x18b: {  	v43 =	vadd.s32 v1, v31;
	[tilespmem:v39+s16+$0x0] =	vst.idx.msk $0xffff, v22;
	v14 =	vld [tilespmem:s14+$0xFFFFFFE0]  }
0x18c: {  	v47 =	vadd.s32 v1, v21;
	[tilespmem:v36+s16+$0x0] =	vst.idx.msk $0xffff, v35;
	v46 =	vld [tilespmem:s14+$0xFFFFFF20]  }
0x18d: {  	v44 =	vadd.s32 v1, v19;
	[tilespmem:v38+s16+$0x0] =	vst.idx.msk $0xffff, v37;
	v10 =	vld [tilespmem:s14+$0xFFFFFF60]  }
0x18e: {  	v45 =	vadd.s32 v1, v20;
	[tilespmem:v41+s16+$0x0] =	vst.idx.msk $0xffff, v40;
	v9 =	vld [tilespmem:s14+$0xFFFFFFA0]  }
0x18f: {  	v8 =	vadd.s32 v3, v8;
	v42 =	vld [tilespmem:s6+$0x0];
	[tilespmem:v49+s16+$0x0] =	vst.idx.msk $0xffff, v48  }
0x190: {  	v5 =	vadd.s32 v3, v5;
	v13 =	vld [tilespmem:s6+$0xFFFFFFC0];
	[tilespmem:v43+s16+$0x0] =	vst.idx.msk $0xffff, v14  }
0x191: {  	v52 =	vadd.s32 v2, v31;
	[tilespmem:v47+s16+$0x0] =	vst.idx.msk $0xffff, v46;
	v14 =	vld [tilespmem:s14+$0xFFFFFFF0]  }
0x192: {  	v57 =	vadd.s32 v2, v21;
	[tilespmem:v44+s16+$0x0] =	vst.idx.msk $0xffff, v10;
	v56 =	vld [tilespmem:s14+$0xFFFFFF30]  }
0x193: {  	v53 =	vadd.s32 v2, v19;
	[tilespmem:v45+s16+$0x0] =	vst.idx.msk $0xffff, v9;
	v10 =	vld [tilespmem:s14+$0xFFFFFF70]  }
0x194: {  	v55 =	vadd.s32 v2, v20;
	[tilespmem:v8+s16+$0x0] =	vst.idx.msk $0xffff, v42;
	v54 =	vld [tilespmem:s14+$0xFFFFFFB0]  }
0x195: {  	v4 =	vadd.s32 v3, v4;
	v58 =	vld [tilespmem:s6+$0xFFFFFF40];
	[tilespmem:v5+s16+$0x0] =	vst.idx.msk $0xffff, v13  }
0x196: {  	v51 =	vadd.s32 v3, v7;
	v50 =	vld [tilespmem:s6+$0xFFFFFF80];
	[tilespmem:v52+s16+$0x0] =	vst.idx.msk $0xffff, v14  }
0x197: {  	v60 =	vadd.s32 v3, v31;
	[tilespmem:v57+s16+$0x0] =	vst.idx.msk $0xffff, v56;
	v59 =	vld [tilespmem:s14+$0x0]  }
0x198: {  	v63 =	vadd.s32 v3, v21;
	[tilespmem:v53+s16+$0x0] =	vst.idx.msk $0xffff, v10;
	v5 =	vld [tilespmem:s14+$0xFFFFFF40]  }
0x199: {  	v61 =	vadd.s32 v3, v19;
	[tilespmem:v55+s16+$0x0] =	vst.idx.msk $0xffff, v54;
	v10 =	vld [tilespmem:s14+$0xFFFFFF80]  }
0x19a: {  	v62 =	vadd.s32 v3, v20;
	[tilespmem:v4+s16+$0x0] =	vst.idx.msk $0xffff, v58;
	v6 =	vld [tilespmem:s14+$0xFFFFFFC0]  }
0x19b: {  	s15 =	sadd.s32 s5, s17;
	[tilespmem:v51+s16+$0x0] =	vst.idx.msk $0xffff, v50  }
0x19c: {  	s17 =	sshll.u32 s15, $0xA;
	s6 =	sshll.u32 s15, $0x7;
	[tilespmem:v60+s16+$0x0] =	vst.idx.msk $0xffff, v59  }
0x19d: {  	s6 =	sand.u32 $0x3F80, s6;
	s14 =	sand.u32 $0xFFE0000, s17;
	[tilespmem:v63+s16+$0x0] =	vst.idx.msk $0xffff, v5  }
0x19e: {  	s6 =	sor.u32 s6, s14;
	[tilespmem:v61+s16+$0x0] =	vst.idx.msk $0xffff, v10  }
0x19f: {  	s14 =	sadd.s32 s2, s6;
	[tilespmem:v62+s16+$0x0] =	vst.idx.msk $0xffff, v6  }
0x1a0: {  	[hbm4b:s14+s3] =	stream.linear.scatter [tilespmem:s16], [sflag:$0x4], $0x80, $0x38;
	[tilespmem:$0xE800] =	vst v63  }
0x1a1: {  	s21 =	simm.s32 $0xC688;
	s18 =	sadd.s32 $0x10, s14  }
0x1a2: {  	[hbm4b:s18+s3] =	stream.linear.scatter [tilespmem:s21], [sflag:$0x4], $0x80, $0x38;
	[tilespmem:$0xE800] =	vst v63  }
0x1a3: {  	s18 =	sadd.s32 $0x20, s14;
	s21 =	simm.s32 $0xC710  }
0x1a4: {  	[hbm4b:s18+s3] =	stream.linear.scatter [tilespmem:s21], [sflag:$0x4], $0x80, $0x38;
	[tilespmem:$0xE800] =	vst v63  }
0x1a5: {  	s18 =	sadd.s32 $0x30, s14;
	s21 =	simm.s32 $0xC798  }
0x1a6: {  	[hbm4b:s18+s3] =	stream.linear.scatter [tilespmem:s21], [sflag:$0x4], $0x80, $0x38;
	[tilespmem:$0xE800] =	vst v63  }
0x1a7: {  	s18 =	sadd.s32 $0x40, s14;
	s21 =	simm.s32 $0xC820  }
0x1a8: {  	[hbm4b:s18+s3] =	stream.linear.scatter [tilespmem:s21], [sflag:$0x4], $0x80, $0x38;
	[tilespmem:$0xE800] =	vst v63  }
0x1a9: {  	s18 =	sadd.s32 $0x50, s14;
	s21 =	simm.s32 $0xC8A8  }
0x1aa: {  	[hbm4b:s18+s3] =	stream.linear.scatter [tilespmem:s21], [sflag:$0x4], $0x80, $0x38;
	[tilespmem:$0xE800] =	vst v63  }
0x1ab: {  	s17 =	sadd.s32 $0x60, s14;
	s18 =	simm.s32 $0xC930  }
0x1ac: {  	[hbm4b:s17+s3] =	stream.linear.scatter [tilespmem:s18], [sflag:$0x4], $0x80, $0x38;
	[tilespmem:$0xE800] =	vst v63  }
0x1ad: {  	s14 =	sadd.s32 $0x70, s14;
	s21 =	simm.s32 $0xC9B8  }
0x1ae: {  	[hbm4b:s14+s3] =	stream.linear.scatter [tilespmem:s21], [sflag:$0x4], $0x80, $0x38;
	[tilespmem:$0xE800] =	vst v63  }
0x1af: {  	s17 =	simm.s32 $0xCA40;
	s14 =	sadd.s32 s6, s7  }
0x1b0: {  	[hbm4b:s14+s3] =	stream.linear.scatter [tilespmem:s17], [sflag:$0x4], $0x80, $0x38;
	[tilespmem:$0xE800] =	vst v63  }
0x1b1: {  	s21 =	simm.s32 $0xCAC8;
	s18 =	sadd.s32 $0x10, s14  }
0x1b2: {  	[hbm4b:s18+s3] =	stream.linear.scatter [tilespmem:s21], [sflag:$0x4], $0x80, $0x38;
	[tilespmem:$0xE800] =	vst v63  }
0x1b3: {  	s18 =	sadd.s32 $0x20, s14;
	s21 =	simm.s32 $0xCB50  }
0x1b4: {  	[hbm4b:s18+s3] =	stream.linear.scatter [tilespmem:s21], [sflag:$0x4], $0x80, $0x38;
	[tilespmem:$0xE800] =	vst v63  }
0x1b5: {  	s18 =	sadd.s32 $0x30, s14;
	s21 =	simm.s32 $0xCBD8  }
0x1b6: {  	[hbm4b:s18+s3] =	stream.linear.scatter [tilespmem:s21], [sflag:$0x4], $0x80, $0x38;
	[tilespmem:$0xE800] =	vst v63  }
0x1b7: {  	s18 =	sadd.s32 $0x40, s14;
	s21 =	simm.s32 $0xCC60  }
0x1b8: {  	[hbm4b:s18+s3] =	stream.linear.scatter [tilespmem:s21], [sflag:$0x4], $0x80, $0x38;
	[tilespmem:$0xE800] =	vst v63  }
0x1b9: {  	s18 =	sadd.s32 $0x50, s14;
	s21 =	simm.s32 $0xCCE8  }
0x1ba: {  	[hbm4b:s18+s3] =	stream.linear.scatter [tilespmem:s21], [sflag:$0x4], $0x80, $0x38;
	[tilespmem:$0xE800] =	vst v63  }
0x1bb: {  	s17 =	sadd.s32 $0x60, s14;
	s18 =	simm.s32 $0xCD70  }
0x1bc: {  	[hbm4b:s17+s3] =	stream.linear.scatter [tilespmem:s18], [sflag:$0x4], $0x80, $0x38;
	[tilespmem:$0xE800] =	vst v63  }
0x1bd: {  	s14 =	sadd.s32 $0x70, s14;
	s21 =	simm.s32 $0xCDF8  }
0x1be: {  	[hbm4b:s14+s3] =	stream.linear.scatter [tilespmem:s21], [sflag:$0x4], $0x80, $0x38;
	[tilespmem:$0xE800] =	vst v63  }
0x1bf: {  	s17 =	simm.s32 $0xCE80;
	s14 =	sadd.s32 s6, s8  }
0x1c0: {  	[hbm4b:s14+s3] =	stream.linear.scatter [tilespmem:s17], [sflag:$0x4], $0x80, $0x38;
	[tilespmem:$0xE800] =	vst v63  }
0x1c1: {  	s21 =	simm.s32 $0xCF08;
	s18 =	sadd.s32 $0x10, s14  }
0x1c2: {  	[hbm4b:s18+s3] =	stream.linear.scatter [tilespmem:s21], [sflag:$0x4], $0x80, $0x38;
	[tilespmem:$0xE800] =	vst v63  }
0x1c3: {  	s18 =	sadd.s32 $0x20, s14;
	s21 =	simm.s32 $0xCF90  }
0x1c4: {  	[hbm4b:s18+s3] =	stream.linear.scatter [tilespmem:s21], [sflag:$0x4], $0x80, $0x38;
	[tilespmem:$0xE800] =	vst v63  }
0x1c5: {  	s18 =	sadd.s32 $0x30, s14;
	s21 =	simm.s32 $0xD018  }
0x1c6: {  	[hbm4b:s18+s3] =	stream.linear.scatter [tilespmem:s21], [sflag:$0x4], $0x80, $0x38;
	[tilespmem:$0xE800] =	vst v63  }
0x1c7: {  	s18 =	sadd.s32 $0x40, s14;
	s21 =	simm.s32 $0xD0A0  }
0x1c8: {  	[hbm4b:s18+s3] =	stream.linear.scatter [tilespmem:s21], [sflag:$0x4], $0x80, $0x38;
	[tilespmem:$0xE800] =	vst v63  }
0x1c9: {  	s18 =	sadd.s32 $0x50, s14;
	s21 =	simm.s32 $0xD128  }
0x1ca: {  	[hbm4b:s18+s3] =	stream.linear.scatter [tilespmem:s21], [sflag:$0x4], $0x80, $0x38;
	[tilespmem:$0xE800] =	vst v63  }
0x1cb: {  	s17 =	sadd.s32 $0x60, s14;
	s18 =	simm.s32 $0xD1B0  }
0x1cc: {  	[hbm4b:s17+s3] =	stream.linear.scatter [tilespmem:s18], [sflag:$0x4], $0x80, $0x38;
	[tilespmem:$0xE800] =	vst v63  }
0x1cd: {  	s14 =	sadd.s32 $0x70, s14;
	s21 =	simm.s32 $0xD238  }
0x1ce: {  	[hbm4b:s14+s3] =	stream.linear.scatter [tilespmem:s21], [sflag:$0x4], $0x80, $0x38;
	[tilespmem:$0xE800] =	vst v63  }
0x1cf: {  	s17 =	simm.s32 $0xD2C0;
	s14 =	sadd.s32 s6, s9  }
0x1d0: {  	[hbm4b:s14+s3] =	stream.linear.scatter [tilespmem:s17], [sflag:$0x4], $0x80, $0x38;
	[tilespmem:$0xE800] =	vst v63  }
0x1d1: {  	s21 =	simm.s32 $0xD348;
	s18 =	sadd.s32 $0x10, s14  }
0x1d2: {  	[hbm4b:s18+s3] =	stream.linear.scatter [tilespmem:s21], [sflag:$0x4], $0x80, $0x38;
	[tilespmem:$0xE800] =	vst v63  }
0x1d3: {  	s18 =	sadd.s32 $0x20, s14;
	s21 =	simm.s32 $0xD3D0  }
0x1d4: {  	[hbm4b:s18+s3] =	stream.linear.scatter [tilespmem:s21], [sflag:$0x4], $0x80, $0x38;
	[tilespmem:$0xE800] =	vst v63  }
0x1d5: {  	s18 =	sadd.s32 $0x30, s14;
	s21 =	simm.s32 $0xD458  }
0x1d6: {  	[hbm4b:s18+s3] =	stream.linear.scatter [tilespmem:s21], [sflag:$0x4], $0x80, $0x38;
	[tilespmem:$0xE800] =	vst v63  }
0x1d7: {  	s18 =	sadd.s32 $0x40, s14;
	s21 =	simm.s32 $0xD4E0  }
0x1d8: {  	[hbm4b:s18+s3] =	stream.linear.scatter [tilespmem:s21], [sflag:$0x4], $0x80, $0x38;
	[tilespmem:$0xE800] =	vst v63  }
0x1d9: {  	s18 =	sadd.s32 $0x50, s14;
	s21 =	simm.s32 $0xD568  }
0x1da: {  	[hbm4b:s18+s3] =	stream.linear.scatter [tilespmem:s21], [sflag:$0x4], $0x80, $0x38;
	[tilespmem:$0xE800] =	vst v63  }
0x1db: {  	s17 =	sadd.s32 $0x60, s14;
	s18 =	simm.s32 $0xD5F0  }
0x1dc: {  	[hbm4b:s17+s3] =	stream.linear.scatter [tilespmem:s18], [sflag:$0x4], $0x80, $0x38;
	[tilespmem:$0xE800] =	vst v63  }
0x1dd: {  	s14 =	sadd.s32 $0x70, s14;
	s21 =	simm.s32 $0xD678  }
0x1de: {  	[hbm4b:s14+s3] =	stream.linear.scatter [tilespmem:s21], [sflag:$0x4], $0x80, $0x38;
	[tilespmem:$0xE800] =	vst v63  }
0x1df: {  	s17 =	simm.s32 $0xD700;
	s14 =	sadd.s32 s6, s10  }
0x1e0: {  	[hbm4b:s14+s3] =	stream.linear.scatter [tilespmem:s17], [sflag:$0x4], $0x80, $0x38;
	[tilespmem:$0xE800] =	vst v63  }
0x1e1: {  	s21 =	simm.s32 $0xD788;
	s18 =	sadd.s32 $0x10, s14  }
0x1e2: {  	[hbm4b:s18+s3] =	stream.linear.scatter [tilespmem:s21], [sflag:$0x4], $0x80, $0x38;
	[tilespmem:$0xE800] =	vst v63  }
0x1e3: {  	s18 =	sadd.s32 $0x20, s14;
	s21 =	simm.s32 $0xD810  }
0x1e4: {  	[hbm4b:s18+s3] =	stream.linear.scatter [tilespmem:s21], [sflag:$0x4], $0x80, $0x38;
	[tilespmem:$0xE800] =	vst v63  }
0x1e5: {  	s18 =	sadd.s32 $0x30, s14;
	s21 =	simm.s32 $0xD898  }
0x1e6: {  	[hbm4b:s18+s3] =	stream.linear.scatter [tilespmem:s21], [sflag:$0x4], $0x80, $0x38;
	[tilespmem:$0xE800] =	vst v63  }
0x1e7: {  	s18 =	sadd.s32 $0x40, s14;
	s21 =	simm.s32 $0xD920  }
0x1e8: {  	[hbm4b:s18+s3] =	stream.linear.scatter [tilespmem:s21], [sflag:$0x4], $0x80, $0x38;
	[tilespmem:$0xE800] =	vst v63  }
0x1e9: {  	s18 =	sadd.s32 $0x50, s14;
	s21 =	simm.s32 $0xD9A8  }
0x1ea: {  	[hbm4b:s18+s3] =	stream.linear.scatter [tilespmem:s21], [sflag:$0x4], $0x80, $0x38;
	[tilespmem:$0xE800] =	vst v63  }
0x1eb: {  	s17 =	sadd.s32 $0x60, s14;
	s18 =	simm.s32 $0xDA30  }
0x1ec: {  	[hbm4b:s17+s3] =	stream.linear.scatter [tilespmem:s18], [sflag:$0x4], $0x80, $0x38;
	[tilespmem:$0xE800] =	vst v63  }
0x1ed: {  	s14 =	sadd.s32 $0x70, s14;
	s21 =	simm.s32 $0xDAB8  }
0x1ee: {  	[hbm4b:s14+s3] =	stream.linear.scatter [tilespmem:s21], [sflag:$0x4], $0x80, $0x38;
	[tilespmem:$0xE800] =	vst v63  }
0x1ef: {  	s17 =	simm.s32 $0xDB40;
	s14 =	sadd.s32 s6, s11  }
0x1f0: {  	[hbm4b:s14+s3] =	stream.linear.scatter [tilespmem:s17], [sflag:$0x4], $0x80, $0x38;
	[tilespmem:$0xE800] =	vst v63  }
0x1f1: {  	s21 =	simm.s32 $0xDBC8;
	s18 =	sadd.s32 $0x10, s14  }
0x1f2: {  	[hbm4b:s18+s3] =	stream.linear.scatter [tilespmem:s21], [sflag:$0x4], $0x80, $0x38;
	[tilespmem:$0xE800] =	vst v63  }
0x1f3: {  	s18 =	sadd.s32 $0x20, s14;
	s21 =	simm.s32 $0xDC50  }
0x1f4: {  	[hbm4b:s18+s3] =	stream.linear.scatter [tilespmem:s21], [sflag:$0x4], $0x80, $0x38;
	[tilespmem:$0xE800] =	vst v63  }
0x1f5: {  	s18 =	sadd.s32 $0x30, s14;
	s21 =	simm.s32 $0xDCD8  }
0x1f6: {  	[hbm4b:s18+s3] =	stream.linear.scatter [tilespmem:s21], [sflag:$0x4], $0x80, $0x38;
	[tilespmem:$0xE800] =	vst v63  }
0x1f7: {  	s18 =	sadd.s32 $0x40, s14;
	s21 =	simm.s32 $0xDD60  }
0x1f8: {  	[hbm4b:s18+s3] =	stream.linear.scatter [tilespmem:s21], [sflag:$0x4], $0x80, $0x38;
	[tilespmem:$0xE800] =	vst v63  }
0x1f9: {  	s18 =	sadd.s32 $0x50, s14;
	s21 =	simm.s32 $0xDDE8  }
0x1fa: {  	[hbm4b:s18+s3] =	stream.linear.scatter [tilespmem:s21], [sflag:$0x4], $0x80, $0x38;
	[tilespmem:$0xE800] =	vst v63  }
0x1fb: {  	s17 =	sadd.s32 $0x60, s14;
	s18 =	simm.s32 $0xDE70  }
0x1fc: {  	[hbm4b:s17+s3] =	stream.linear.scatter [tilespmem:s18], [sflag:$0x4], $0x80, $0x38;
	[tilespmem:$0xE800] =	vst v63  }
0x1fd: {  	s14 =	sadd.s32 $0x70, s14;
	s21 =	simm.s32 $0xDEF8  }
0x1fe: {  	[hbm4b:s14+s3] =	stream.linear.scatter [tilespmem:s21], [sflag:$0x4], $0x80, $0x38;
	[tilespmem:$0xE800] =	vst v63  }
0x1ff: {  	s17 =	simm.s32 $0xDF80;
	s14 =	sadd.s32 s6, s12  }
0x200: {  	[hbm4b:s14+s3] =	stream.linear.scatter [tilespmem:s17], [sflag:$0x4], $0x80, $0x38;
	[tilespmem:$0xE800] =	vst v63  }
0x201: {  	s21 =	simm.s32 $0xE008;
	s18 =	sadd.s32 $0x10, s14  }
0x202: {  	[hbm4b:s18+s3] =	stream.linear.scatter [tilespmem:s21], [sflag:$0x4], $0x80, $0x38;
	[tilespmem:$0xE800] =	vst v63  }
0x203: {  	s18 =	sadd.s32 $0x20, s14;
	s21 =	simm.s32 $0xE090  }
0x204: {  	[hbm4b:s18+s3] =	stream.linear.scatter [tilespmem:s21], [sflag:$0x4], $0x80, $0x38;
	[tilespmem:$0xE800] =	vst v63  }
0x205: {  	s18 =	sadd.s32 $0x30, s14;
	s21 =	simm.s32 $0xE118  }
0x206: {  	[hbm4b:s18+s3] =	stream.linear.scatter [tilespmem:s21], [sflag:$0x4], $0x80, $0x38;
	[tilespmem:$0xE800] =	vst v63  }
0x207: {  	s18 =	sadd.s32 $0x40, s14;
	s21 =	simm.s32 $0xE1A0  }
0x208: {  	[hbm4b:s18+s3] =	stream.linear.scatter [tilespmem:s21], [sflag:$0x4], $0x80, $0x38;
	[tilespmem:$0xE800] =	vst v63  }
0x209: {  	s18 =	sadd.s32 $0x50, s14;
	s21 =	simm.s32 $0xE228  }
0x20a: {  	[hbm4b:s18+s3] =	stream.linear.scatter [tilespmem:s21], [sflag:$0x4], $0x80, $0x38;
	[tilespmem:$0xE800] =	vst v63  }
0x20b: {  	s18 =	sadd.s32 $0x60, s14;
	s21 =	simm.s32 $0xE2B0  }
0x20c: {  	[hbm4b:s18+s3] =	stream.linear.scatter [tilespmem:s21], [sflag:$0x4], $0x80, $0x38;
	[tilespmem:$0xE800] =	vst v63  }
0x20d: {  	s17 =	simm.s32 $0xE338;
	s14 =	sadd.s32 $0x70, s14  }
0x20e: {  	[hbm4b:s14+s3] =	stream.linear.scatter [tilespmem:s17], [sflag:$0x4], $0x80, $0x38;
	[tilespmem:$0xE800] =	vst v63  }
0x20f: {  	s6 =	sadd.s32 s6, s13  }
0x210: {  	[hbm4b:s6+s3] =	stream.linear.scatter [tilespmem:s23], [sflag:$0x4], $0x80, $0x38;
	[tilespmem:$0xE800] =	vst v63  }
0x211: {  	s18 =	sadd.s32 $0x10, s6  }
0x212: {  	[hbm4b:s18+s3] =	stream.linear.scatter [tilespmem:s24], [sflag:$0x4], $0x80, $0x38;
	[tilespmem:$0xE800] =	vst v63  }
0x213: {  	s21 =	sadd.s32 $0x20, s6  }
0x214: {  	[hbm4b:s21+s3] =	stream.linear.scatter [tilespmem:s25], [sflag:$0x4], $0x80, $0x38;
	[tilespmem:$0xE800] =	vst v63  }
0x215: {  	s15 =	sadd.s32 $0x30, s6  }
0x216: {  	[hbm4b:s15+s3] =	stream.linear.scatter [tilespmem:s26], [sflag:$0x4], $0x80, $0x38;
	[tilespmem:$0xE800] =	vst v63  }
0x217: {  	s17 =	sadd.s32 $0x40, s6  }
0x218: {  	[hbm4b:s17+s3] =	stream.linear.scatter [tilespmem:s28], [sflag:$0x4], $0x80, $0x38;
	[tilespmem:$0xE800] =	vst v63  }
0x219: {  	s18 =	sadd.s32 $0x50, s6  }
0x21a: {  	[hbm4b:s18+s3] =	stream.linear.scatter [tilespmem:s29], [sflag:$0x4], $0x80, $0x38;
	[tilespmem:$0xE800] =	vst v63  }
.Ltmp4:
0x21b: {  	_ = 	snop;
	(pc) =	sbr.rel @p1 .LBB2_8-.Ltmp4, $4  }
0x21c: {  	s21 =	sadd.s32 $0x60, s6  }
0x21d: {  	[hbm4b:s21+s3] =	stream.linear.scatter [tilespmem:s30], [sflag:$0x4], $0x80, $0x38;
	[tilespmem:$0xE800] =	vst v63  }
0x21e: {  	s6 =	sadd.s32 $0x70, s6  }
0x21f: {  	[hbm4b:s6+s3] =	stream.linear.scatter [tilespmem:s31], [sflag:$0x4], $0x80, $0x38;
	[tilespmem:$0xE800] =	vst v63  }
.Ltmp5:
0x220: {  	(pc) =	sbr.rel .LBB2_2-.Ltmp5, $4  }
0x221: {  	s6 =	sshll.u32 s1, $0x8  }
0x222: {  	s6 =	sand.u32 $0x3FFFFF00, s6  }
0x223: {  	s14 =	simm.s32 $0x8400;
	s1 =	sadd.s32 $0x1, s1;
	s6 =	sadd.s32 $0x180, s6  }
0x224: {  	[tilespmem:s14], [sflag:$0x2] =	stream.indirect.gather [hbm4b:s4+s22], $0x40, s6, s22, $0xb8;
	[tilespmem:$0xE800] =	vst v63  }
.LBB2_9:
0x225: {  	_ =	sfence.sel $0x180000  }
0x226: {  	[bflag:$0x0] =	sbarrier.arrive $0xFFFF  }
0x227: {  	_ =	strace $0x90000047  }
0x228: {  	s0 =	stileid.u32;
	[bflag:$0x2] =	sbarrier.arrive $0xFFFF  }
0x229: {  	p0 =	sne.s32 s0, $0x0;
	s0 =	rddreg [dreg:$0x2]  }
0x22a: {  	s0 =	sadd.s32 @!p0 $0x100000, s0  }
0x22b: {  	[sflag:s0] =	ssyncadd.tile.s32 @!p0 $0x1;
	_ =	shalt  }
.Lfunc_end2:
_tile_overlayer_lowered:
.L_overlay_start_2:
0x22c: {  	(tag) =	ssettag $0x2  }
0x22d: {  	s0 =	rddreg [dreg:$0x0];
	s2 =	stileid.u32  }
0x22e: {  	s1 =	rddreg [dreg:$0x1];
	p0 =	sne.s32 s2, $0x0  }
0x22f: {  	s3 =	rddreg [dreg:$0x2];
	[bflag:$0x3] =	sbarrier.arrive $0xFFFF;
	s2 =	simm.s32 @!p0 $0x1C05  }
0x230: {  	[timem:s3], [sflag:s2] =	dma.local @!p0 [hbm:s0], s1  }
0x231: {  	s0 =	simm.s32 @!p0 $0x5  }
0x232: {  	_ =	swait.ge @!p0 [sflag:s0], s1  }
0x233: {  	s1 =	ssub.s32 @!p0 $0x0, s1;
	[sflag:s0] =	ssyncset.done @!p0 $0x0  }
0x234: {  	[sflag:s0] =	ssyncadd.s32 @!p0 s1  }
0x235: {  	[bflag:$0x3] =	sbarrier.arrive $0xFFFF  }
0x236: {  	_ =	shalt  }

</sc_bundles>
